<compile_context>
chip_gen: v7x
topology: tpu7x:2x2x1
jax: 0.10.2.dev20260603
libtpu: 0.0.44.dev20260713+nightly
codegen_flags: <defaults>
</compile_context>

<pallas_src>
import functools
import math

import jax
import jax.numpy as jnp
from jax import lax
from jax.experimental import pallas as pl
from jax.experimental.pallas import tpu as pltpu
from jax.experimental.pallas import tpu_sc as plsc

B, S, D = 4, 8192, 768
DH = 2048
DK = 64
DV = 64
H = 12
FULL_SEG = 2048
SEG = 256
NSEG = S // FULL_SEG
NROW = B * NSEG
NINNER = (NSEG * SEG) // SEG

_INTERPRET = False
_PD = jax.lax.Precision.DEFAULT


def _elu1(v):
    return jnp.where(v > 0, v + 1.0, jnp.exp(v))


def _erf(v):
    return jax.lax.erf(v)


def _gelu_exact(v):
    return v * 0.5 * (1.0 + _erf(v * (1.0 / math.sqrt(2.0))))


def _topk_kernel(s_ref, mask_ref, idx_ref, idxg_ref):
    s = s_ref[...]
    bits = jax.lax.bitcast_convert_type(s, jnp.int32)
    key = jnp.where(bits >= 0, bits, bits ^ jnp.int32(0x7FFFFFFF))

    def bisect(i, t):
        cand = t + jnp.left_shift(jnp.int32(1), jnp.int32(31) - i)
        cnt = jnp.sum((key >= cand).astype(jnp.int32), axis=1, keepdims=True)
        return jnp.where(cnt >= SEG, cand, t)

    t0 = jnp.full((NROW, 1), jnp.int32(-2147483648))
    kth = jax.lax.fori_loop(0, 32, bisect, t0)

    mask_gt = key > kth
    eq = key == kth
    cnt_gt = jnp.sum(mask_gt.astype(jnp.int32), axis=1, keepdims=True)
    need = (SEG - cnt_gt).astype(jnp.float32)

    r_iota = jax.lax.broadcasted_iota(jnp.int32, (FULL_SEG, FULL_SEG), 0)
    c_iota = jax.lax.broadcasted_iota(jnp.int32, (FULL_SEG, FULL_SEG), 1)
    upper = (r_iota <= c_iota).astype(jnp.float32)

    eq_pre = jnp.dot(eq.astype(jnp.float32), upper,
                     preferred_element_type=jnp.float32, precision=_PD)
    mask = jnp.logical_or(mask_gt, jnp.logical_and(eq, eq_pre <= need))
    maskf = mask.astype(jnp.float32)
    mask_ref[...] = maskf

    fsum = jnp.dot(maskf, upper, preferred_element_type=jnp.float32, precision=_PD)

    fi = fsum.astype(jnp.int32)
    acc = jnp.zeros((NROW, SEG), jnp.int32)
    j3 = jax.lax.broadcasted_iota(jnp.int32, (NROW, SEG, SEG), 2)
    for c in range(FULL_SEG // SEG):
        fc = fi[:, c * SEG:(c + 1) * SEG]
        cmp = (fc[:, :, None] <= j3).astype(jnp.int32)
        acc = acc + jnp.sum(cmp, axis=1)
    idx = acc
    idx_ref[...] = idx
    rof = jax.lax.broadcasted_iota(jnp.int32, (NROW, SEG), 0) * FULL_SEG
    idxg_ref[...] = idx + rof


_NC, _NS = 2, 16
_NW = _NC * _NS
_KTOT = B * NSEG * SEG
_BPW = _KTOT // _NW


def _sc_gather_body(x_hbm, idx_hbm, out_hbm, idx_v, rows_v, sem):
    wid = lax.axis_index("s") * _NC + lax.axis_index("c")
    base = wid * _BPW
    pltpu.sync_copy(idx_hbm.at[pl.ds(base, _BPW)], idx_v)
    pltpu.async_copy(x_hbm.at[idx_v], rows_v, sem).wait()
    pltpu.sync_copy(rows_v, out_hbm.at[pl.ds(base, _BPW)])


def _sc_gather_rows(x2d, idxg):
    return pl.kernel(
        _sc_gather_body,
        out_type=jax.ShapeDtypeStruct((_KTOT, D), jnp.float32),
        mesh=plsc.VectorSubcoreMesh(core_axis_name="c", subcore_axis_name="s"),
        scratch_types=[
            pltpu.VMEM((_BPW,), jnp.int32),
            pltpu.VMEM((_BPW, D), jnp.float32),
            pltpu.SemaphoreType.DMA,
        ],
    )(x2d, idxg)


def _qkv_kernel(xs_ref, wq_ref, wk_ref, wv_ref, q_ref, k_ref, v_ref):
    xs = xs_ref[...]
    q_ref[...] = jnp.dot(xs, wq_ref[...], preferred_element_type=jnp.float32,
                         precision=_PD).astype(jnp.bfloat16)
    k_ref[...] = jnp.dot(xs, wk_ref[...], preferred_element_type=jnp.float32,
                         precision=_PD).astype(jnp.bfloat16)
    v_ref[...] = jnp.dot(xs, wv_ref[...], preferred_element_type=jnp.float32,
                         precision=_PD).astype(jnp.bfloat16)


HB = 6


def _attn_kernel(q_ref, k_ref, v_ref, beta_ref, out_ref):
    mems = [jnp.zeros((DK, DV), jnp.float32) for _ in range(HB)]
    zrows = [jnp.full((1, DK), 1.0 / DK) for _ in range(HB)]
    betas_s = [jax.nn.sigmoid(beta_ref[0, h]) for h in range(HB)]
    ones_col = jnp.ones((SEG, 1), jnp.float32)
    for ix in range(NINNER):
        lo = ix * SEG
        for h in range(HB):
            beta = betas_s[h]
            q = q_ref[0, h, lo:lo + SEG, :].astype(jnp.float32)
            k = k_ref[0, h, lo:lo + SEG, :].astype(jnp.float32)
            v = v_ref[0, h, lo:lo + SEG, :].astype(jnp.float32)
            sq = _elu1(q)
            num = jnp.dot(sq, mems[h], preferred_element_type=jnp.float32, precision=_PD)
            den = jnp.sum(sq * zrows[h], axis=1, keepdims=True)
            att_mem = num * jax.lax.reciprocal(den)
            att_dot = jax.lax.dot_general(
                q, k, (((1,), (1,)), ((), ())),
                preferred_element_type=jnp.float32, precision=_PD) * (1.0 / math.sqrt(DK))
            e = jnp.exp(att_dot)
            vx = jnp.concatenate([v, ones_col], axis=1)
            ax = jnp.dot(e, vx, preferred_element_type=jnp.float32, precision=_PD)
            att = ax[:, :DV] * jax.lax.reciprocal(ax[:, DV:DV + 1])
            sk = _elu1(k)
            mems[h] = mems[h] + jax.lax.dot_general(
                sk, v, (((0,), (0,)), ((), ())),
                preferred_element_type=jnp.float32, precision=_PD)
            zrows[h] = zrows[h] + jnp.sum(sk, axis=0, keepdims=True)
            out_ref[0, ix, h] = (beta * att_mem + (1.0 - beta) * att).astype(jnp.bfloat16)


def _mlp_kernel(xa_ref, wo_ref, w1_ref, b1_ref, w2_ref, b2_ref, out_ref):
    t = jnp.dot(xa_ref[...].astype(jnp.float32), wo_ref[...], preferred_element_type=jnp.float32, precision=_PD)
    h = jnp.dot(t, w1_ref[...], preferred_element_type=jnp.float32, precision=_PD) + b1_ref[...]
    g = _gelu_exact(h)
    out_ref[...] = (jnp.dot(g, w2_ref[...], preferred_element_type=jnp.float32, precision=_PD)
                    + b2_ref[...]).astype(jnp.bfloat16)


def _scatter_ln_kernel(x_ref, idx_ref, xm_ref, g_ref, b_ref, wp_ref, bp_ref,
                       out_ref, s_ref):
    xb = x_ref[0]
    s_ref[0] = jnp.sum(xb * wp_ref[...], axis=1, keepdims=True) + bp_ref[0, 0]
    idxr = idx_ref[0]
    prow = jax.lax.broadcasted_iota(jnp.int32, (FULL_SEG, SEG), 0)
    p = (prow == idxr).astype(jnp.float32)
    delta = jnp.dot(p, xm_ref[0].astype(jnp.float32), preferred_element_type=jnp.float32, precision=_PD)
    xn = xb + delta
    mean = jnp.mean(xn, axis=1, keepdims=True)
    xc = xn - mean
    var = jnp.mean(xc * xc, axis=1, keepdims=True)
    out_ref[0] = xc * jax.lax.rsqrt(var + 1e-5) * g_ref[...] + b_ref[...]


def kernel(x, Wq, Wk, Wv, betas, Wo, W1, b1, W2, b2, ln_g, ln_b, Wp, bp):
    f32 = jnp.float32
    x4 = x.reshape(NROW, FULL_SEG, D)

    sel_scores = (x @ Wp + bp).squeeze(-1).reshape(NROW, FULL_SEG)

    maskf, idx, idxg = pl.pallas_call(
        _topk_kernel,
        grid=(1,),
        in_specs=[pl.BlockSpec((NROW, FULL_SEG), lambda i: (0, 0))],
        out_specs=[
            pl.BlockSpec((NROW, FULL_SEG), lambda i: (0, 0)),
            pl.BlockSpec((NROW, SEG), lambda i: (0, 0)),
            pl.BlockSpec((NROW, SEG), lambda i: (0, 0)),
        ],
        out_shape=[
            jax.ShapeDtypeStruct((NROW, FULL_SEG), f32),
            jax.ShapeDtypeStruct((NROW, SEG), jnp.int32),
            jax.ShapeDtypeStruct((NROW, SEG), jnp.int32),
        ],
        interpret=_INTERPRET,
    )(sel_scores)

    xs2 = _sc_gather_rows(x.reshape(B * S, D), idxg.reshape(_KTOT))

    qrows = 1024
    q3, k3, v3 = pl.pallas_call(
        _qkv_kernel,
        grid=(_KTOT // qrows,),
        in_specs=[
            pl.BlockSpec((qrows, D), lambda i: (i, 0)),
            pl.BlockSpec((D, H * DK), lambda i: (0, 0)),
            pl.BlockSpec((D, H * DK), lambda i: (0, 0)),
            pl.BlockSpec((D, H * DV), lambda i: (0, 0)),
        ],
        out_specs=[pl.BlockSpec((qrows, D), lambda i: (i, 0))] * 3,
        out_shape=[jax.ShapeDtypeStruct((_KTOT, D), jnp.bfloat16)] * 3,
        interpret=_INTERPRET,
    )(xs2, Wq, Wk, Wv)

    k_tot = NSEG * SEG
    qh = q3.reshape(B, k_tot, H * DK).reshape(B, H, k_tot, DK)
    kh = k3.reshape(B, k_tot, H * DK).reshape(B, H, k_tot, DK)
    vh = v3.reshape(B, k_tot, H * DV).reshape(B, H, k_tot, DV)

    att5 = pl.pallas_call(
        _attn_kernel,
        grid=(B, H // HB),
        in_specs=[
            pl.BlockSpec((1, HB, k_tot, DK), lambda b, g: (b, g, 0, 0)),
            pl.BlockSpec((1, HB, k_tot, DK), lambda b, g: (b, g, 0, 0)),
            pl.BlockSpec((1, HB, k_tot, DV), lambda b, g: (b, g, 0, 0)),
            pl.BlockSpec((1, HB, 1, DV), lambda b, g: (0, g, 0, 0)),
        ],
        out_specs=pl.BlockSpec((1, NINNER, HB, SEG, DV),
                               lambda b, g: (b, 0, g, 0, 0)),
        out_shape=jax.ShapeDtypeStruct((B, NINNER, H, SEG, DV), jnp.bfloat16),
        interpret=_INTERPRET,
    )(qh, kh, vh, betas)

    xa = att5.reshape(B * k_tot, H * DV)

    rows_per = 512
    xmlp = pl.pallas_call(
        _mlp_kernel,
        grid=(B * k_tot // rows_per,),
        in_specs=[
            pl.BlockSpec((rows_per, H * DV), lambda i: (i, 0)),
            pl.BlockSpec((H * DV, D), lambda i: (0, 0)),
            pl.BlockSpec((D, DH), lambda i: (0, 0)),
            pl.BlockSpec((1, DH), lambda i: (0, 0)),
            pl.BlockSpec((DH, D), lambda i: (0, 0)),
            pl.BlockSpec((1, D), lambda i: (0, 0)),
        ],
        out_specs=pl.BlockSpec((rows_per, D), lambda i: (i, 0)),
        out_shape=jax.ShapeDtypeStruct((B * k_tot, D), jnp.bfloat16),
        interpret=_INTERPRET,
    )(xa, Wo, W1, b1.reshape(1, DH), W2, b2.reshape(1, D))

    out4, scores3 = pl.pallas_call(
        _scatter_ln_kernel,
        grid=(NROW,),
        in_specs=[
            pl.BlockSpec((1, FULL_SEG, D), lambda i: (i, 0, 0)),
            pl.BlockSpec((1, 1, SEG), lambda i: (i, 0, 0)),
            pl.BlockSpec((1, SEG, D), lambda i: (i, 0, 0)),
            pl.BlockSpec((1, D), lambda i: (0, 0)),
            pl.BlockSpec((1, D), lambda i: (0, 0)),
            pl.BlockSpec((1, D), lambda i: (0, 0)),
            pl.BlockSpec((1, 1), lambda i: (0, 0)),
        ],
        out_specs=[
            pl.BlockSpec((1, FULL_SEG, D), lambda i: (i, 0, 0)),
            pl.BlockSpec((1, FULL_SEG, 1), lambda i: (i, 0, 0)),
        ],
        out_shape=[
            jax.ShapeDtypeStruct((NROW, FULL_SEG, D), f32),
            jax.ShapeDtypeStruct((NROW, FULL_SEG, 1), f32),
        ],
        interpret=_INTERPRET,
    )(x4, idx.reshape(NROW, 1, SEG), xmlp.reshape(NROW, SEG, D),
      ln_g.reshape(1, D), ln_b.reshape(1, D), Wp.reshape(1, D),
      bp.reshape(1, 1))

    out = out4.reshape(B, S, D)
    sample_mask = maskf.reshape(B * S, 1)
    sample_scores = scores3.reshape(B * S, 1)
    return (out, sample_mask, sample_scores)

# --- scband reference (transcript-rebuilt; emitter-appended) ---
"""Pipeline reference for scband-mo-dinfini-transformer-21895743275675 (READ-ONLY COPY).

The authoritative reference and input builder live on the scoring server;
editing this copy changes nothing except your own understanding.
"""

import math
import jax
import jax.numpy as jnp
import numpy as np

B, S, D = 4, 8192, 768
DH = 2048
DK = 64
DV = 64
H = 12
FULL_SEG = 2048
SAMP = 8
SEG = math.ceil(FULL_SEG / SAMP)  # 256


def setup_inputs(seed: int = 0):
    key = jax.random.key(seed)
    ks = jax.random.split(key, 16)
    s = 0.02
    return {
        "x": jax.random.normal(ks[0], (B, S, D), jnp.float32),
        "Wq": jax.random.normal(ks[1], (D, H * DK), jnp.float32) * s,
        "Wk": jax.random.normal(ks[2], (D, H * DK), jnp.float32) * s,
        "Wv": jax.random.normal(ks[3], (D, H * DV), jnp.float32) * s,
        "betas": jax.random.normal(ks[4], (1, H, 1, DV), jnp.float32),
        "Wo": jax.random.normal(ks[5], (H * DV, D), jnp.float32) * s,
        "W1": jax.random.normal(ks[6], (D, DH), jnp.float32) * s,
        "b1": jnp.zeros((DH,), jnp.float32),
        "W2": jax.random.normal(ks[7], (DH, D), jnp.float32) * s,
        "b2": jnp.zeros((D,), jnp.float32),
        "ln_g": jnp.ones((D,), jnp.float32),
        "ln_b": jnp.zeros((D,), jnp.float32),
        "Wp": jax.random.normal(ks[8], (D, 1), jnp.float32) * s,
        "bp": jnp.zeros((1,), jnp.float32),
    }


def _elu(v):
    return jnp.where(v > 0, v, jnp.expm1(v))


def compressive_memory(x, Wq, Wk, Wv, betas, Wo):
    b, s, _ = x.shape
    n_seg, rem = divmod(s, SEG)
    n_seg += 1 if rem > 0 else 0
    # Faithful to torch: proj(x).unsqueeze(1).view(b, H, s, dk) is a raw C-order reshape
    q_full = (x @ Wq).reshape(b, H, s, DK)
    k_full = (x @ Wk).reshape(b, H, s, DK)
    v_full = (x @ Wv).reshape(b, H, s, DV)
    mem = jnp.zeros((1, H, DK, DV), x.dtype)
    z = jnp.ones((b, H, DK, 1), x.dtype) / DK
    beta_sig = jax.nn.sigmoid(betas)
    outs = []
    for ix in range(n_seg):
        lo = ix * SEG
        hi = min(lo + SEG, s)
        seg_len = hi - lo
        q = q_full[:, :, lo:hi, :]
        k = k_full[:, :, lo:hi, :]
        v = v_full[:, :, lo:hi, :]
        sigma_q = _elu(q) + 1.0
        att_mem = (sigma_q @ mem) / (sigma_q @ z)
        att_dot = q @ jnp.swapaxes(k, -2, -1) / (DK ** 0.5)
        att = jax.nn.softmax(att_dot, axis=-1) @ v
        sigma_k = _elu(k) + 1.0
        mem = mem + jnp.swapaxes(sigma_k, -2, -1) @ v  # linear update
        z = z + jnp.swapaxes(sigma_k.sum(axis=-2, keepdims=True), -2, -1)
        att = beta_sig * att_mem + (1.0 - beta_sig) * att
        att = att.reshape(b, seg_len, H * DV)  # faithful raw view
        outs.append(att @ Wo)
    return jnp.concatenate(outs, axis=1)


def reference(x, Wq, Wk, Wv, betas, Wo, W1, b1, W2, b2, ln_g, ln_b, Wp, bp):
    b, s, _ = x.shape
    num_segments, rem = divmod(s, FULL_SEG)
    num_segments += 1 if rem > 0 else 0
    sample_scores = (x @ Wp + bp).squeeze(-1)  # (B, S)
    rows = jnp.arange(b)[:, None]
    masks = []
    idxs = []
    for seg in range(num_segments):
        lo = seg * FULL_SEG
        hi = lo + FULL_SEG
        seg_scores = sample_scores[:, lo:hi]
        sort_ixs = jnp.argsort(-seg_scores, axis=1)  # descending
        topk = sort_ixs[:, :SEG]
        m = jnp.zeros_like(seg_scores).at[rows, topk].set(1.0)
        masks.append(m)
        # boolean-mask gather in torch selects tokens in ascending position order
        idxs.append(jnp.sort(topk, axis=1) + lo)
    sample_mask = jnp.concatenate(masks, axis=1).astype(bool)
    idx = jnp.concatenate(idxs, axis=1)  # (B, SEG*num_segments)
    x_sel = jnp.take_along_axis(x, idx[:, :, None], axis=1)  # (B, k_tot, D)
    x_att = compressive_memory(x_sel, Wq, Wk, Wv, betas, Wo)
    h = jax.nn.gelu(x_att @ W1 + b1, approximate=False)
    x_mlp = h @ W2 + b2
    x_new = x.at[rows, idx].add(x_mlp)  # x[mask] += x_.view(-1)
    mean = x_new.mean(axis=-1, keepdims=True)
    var = x_new.var(axis=-1, keepdims=True)
    out = (x_new - mean) / jnp.sqrt(var + 1e-5) * ln_g + ln_b
    return (out, sample_mask.reshape(-1, 1).astype(jnp.float32), sample_scores.reshape(-1, 1))

if __name__ == "__main__":
    import jax
    _d = setup_inputs()
    print(jax.jit(kernel)(*tuple(_d.values())))

</pallas_src>

<mosaic_0001>
#map = affine_map<(d0, d1) -> (0, 0)>
#map1 = affine_map<(d0, d1) -> (0)>
module attributes {stable_mosaic.version = 14 : i64} {
  func.func @_sc_gather_body(%arg0: i32, %arg1: i32, %arg2: memref<32768x768xf32, #tpu.memory_space<hbm>>, %arg3: memref<4096xi32, #tpu.memory_space<hbm>>, %arg4: memref<4096x768xf32, #tpu.memory_space<hbm>>, %arg5: memref<128xi32, #tpu.memory_space<vmem>>, %arg6: memref<128x768xf32, #tpu.memory_space<vmem>>, %arg7: memref<!tpu.dma_semaphore, #tpu.memory_space<semaphore_mem>>) attributes {dimension_semantics = [#tpu.dimension_semantics<core_parallel>, #tpu.dimension_semantics<subcore_parallel>], iteration_bounds = array<i64: 2, 16>, scalar_prefetch = 0 : i64, scratch_operands = 3 : i64, tpu.core_type = #tpu.core_type<sc_vector_subcore>, window_params = [{transform_indices = #map}, {transform_indices = #map1}, {transform_indices = #map}]} {
    %mul3A = arith.constant 2 : i32
    %mul3A_0 = arith.muli %arg1, %mul3A : i32
    %add3A = arith.addi %mul3A_0, %arg0 : i32
    %mul3A_1 = arith.constant 128 : i32
    %mul3A_2 = arith.muli %add3A, %mul3A_1 : i32
    "tpu.region"() ({
      %run_scoped3A = tpu.sem_alloc : memref<!tpu.dma_semaphore, #tpu.memory_space<semaphore_mem>>
      %dma_start3A_7 = tpu.memref_slice %arg3[%mul3A_2] : memref<4096xi32, #tpu.memory_space<hbm>> -> memref<128xi32, #tpu.memory_space<hbm>>
      %dma_start3A_8 = tpu.memref_slice %arg3[%mul3A_2] : memref<4096xi32, #tpu.memory_space<hbm>> -> memref<128xi32, #tpu.memory_space<hbm>>
      tpu.enqueue_dma source(%dma_start3A_8 : memref<128xi32, #tpu.memory_space<hbm>>) target(%arg5 : memref<128xi32, #tpu.memory_space<vmem>>) target_semaphore(%run_scoped3A : memref<!tpu.dma_semaphore, #tpu.memory_space<semaphore_mem>>)
      %dma_wait3A_9 = tpu.memref_slice %arg3[%mul3A_2] : memref<4096xi32, #tpu.memory_space<hbm>> -> memref<128xi32, #tpu.memory_space<hbm>>
      %dma_wait3A_10 = tpu.memref_slice %arg3[%mul3A_2] : memref<4096xi32, #tpu.memory_space<hbm>> -> memref<128xi32, #tpu.memory_space<hbm>>
      tpu.wait_dma2 semaphore(%run_scoped3A : memref<!tpu.dma_semaphore, #tpu.memory_space<semaphore_mem>>) src(%dma_wait3A_10 : memref<128xi32, #tpu.memory_space<hbm>>) dst(%arg5 : memref<128xi32, #tpu.memory_space<vmem>>)
      tpu.yield
    }) : () -> ()
    %dma_start3A = arith.constant 0 : i32
    %dma_start3A_3 = arith.constant 0 : i32
    %dma_start3A_4 = tpu.memref_slice %arg2[%dma_start3A, %dma_start3A_3] : memref<32768x768xf32, #tpu.memory_space<hbm>> -> memref<32768x768xf32, #tpu.memory_space<hbm>>
    tpu.enqueue_indirect_dma source(%dma_start3A_4 : memref<32768x768xf32, #tpu.memory_space<hbm>>) target(%arg6 : memref<128x768xf32, #tpu.memory_space<vmem>>) offsets(%arg5 : memref<128xi32, #tpu.memory_space<vmem>>) semaphore(%arg7 : memref<!tpu.dma_semaphore, #tpu.memory_space<semaphore_mem>>)
    %dma_wait3A = arith.constant 0 : i32
    %dma_wait3A_5 = arith.constant 0 : i32
    %dma_wait3A_6 = tpu.memref_slice %arg2[%dma_wait3A, %dma_wait3A_5] : memref<32768x768xf32, #tpu.memory_space<hbm>> -> memref<32768x768xf32, #tpu.memory_space<hbm>>
    tpu.wait_indirect_dma semaphore(%arg7 : memref<!tpu.dma_semaphore, #tpu.memory_space<semaphore_mem>>) src(%dma_wait3A_6 : memref<32768x768xf32, #tpu.memory_space<hbm>>) dst(%arg6 : memref<128x768xf32, #tpu.memory_space<vmem>>)
    "tpu.region"() ({
      %run_scoped3A = tpu.sem_alloc : memref<!tpu.dma_semaphore, #tpu.memory_space<semaphore_mem>>
      %dma_start3A_7 = arith.constant 0 : i32
      %dma_start3A_8 = tpu.memref_slice %arg4[%mul3A_2, %dma_start3A_7] : memref<4096x768xf32, #tpu.memory_space<hbm>> -> memref<128x768xf32, #tpu.memory_space<hbm>>
      %dma_start3A_9 = arith.constant 0 : i32
      %dma_start3A_10 = tpu.memref_slice %arg4[%mul3A_2, %dma_start3A_9] : memref<4096x768xf32, #tpu.memory_space<hbm>> -> memref<128x768xf32, #tpu.memory_space<hbm>>
      tpu.enqueue_dma source(%arg6 : memref<128x768xf32, #tpu.memory_space<vmem>>) target(%dma_start3A_10 : memref<128x768xf32, #tpu.memory_space<hbm>>) target_semaphore(%run_scoped3A : memref<!tpu.dma_semaphore, #tpu.memory_space<semaphore_mem>>)
      %dma_wait3A_11 = arith.constant 0 : i32
      %dma_wait3A_12 = tpu.memref_slice %arg4[%mul3A_2, %dma_wait3A_11] : memref<4096x768xf32, #tpu.memory_space<hbm>> -> memref<128x768xf32, #tpu.memory_space<hbm>>
      %dma_wait3A_13 = arith.constant 0 : i32
      %dma_wait3A_14 = tpu.memref_slice %arg4[%mul3A_2, %dma_wait3A_13] : memref<4096x768xf32, #tpu.memory_space<hbm>> -> memref<128x768xf32, #tpu.memory_space<hbm>>
      tpu.wait_dma2 semaphore(%run_scoped3A : memref<!tpu.dma_semaphore, #tpu.memory_space<semaphore_mem>>) src(%arg6 : memref<128x768xf32, #tpu.memory_space<vmem>>) dst(%dma_wait3A_14 : memref<128x768xf32, #tpu.memory_space<hbm>>)
      tpu.yield
    }) : () -> ()
    return
  }
}

module attributes {stable_mosaic.version = 14 : i64} {
  func.func @_topk_kernel(%arg0: i32, %arg1: memref<16x2048xf32, #tpu.memory_space<vmem>>, %arg2: memref<16x2048xf32, #tpu.memory_space<vmem>>, %arg3: memref<16x256xi32, #tpu.memory_space<vmem>>, %arg4: memref<16x256xi32, #tpu.memory_space<vmem>>) attributes {dimension_semantics = [#tpu.dimension_semantics<arbitrary>], iteration_bounds = array<i64: 1>, scalar_prefetch = 0 : i64, scratch_operands = 0 : i64, tpu.core_type = #tpu.core_type<tc>, window_params = [{pipeline_mode = #tpu.pipeline_mode<synchronous>, transform_indices = @transform_0, window_bounds = array<i64: 16, 2048>}, {pipeline_mode = #tpu.pipeline_mode<synchronous>, transform_indices = @transform_1, window_bounds = array<i64: 16, 2048>}, {pipeline_mode = #tpu.pipeline_mode<synchronous>, transform_indices = @transform_2, window_bounds = array<i64: 16, 256>}, {pipeline_mode = #tpu.pipeline_mode<synchronous>, transform_indices = @transform_3, window_bounds = array<i64: 16, 256>}]} {
    %get3A = arith.constant 0 : index
    %get3A_0 = arith.constant 0 : index
    %get3A_1 = vector.load %arg1[%get3A, %get3A_0] : memref<16x2048xf32, #tpu.memory_space<vmem>>, vector<16x2048xf32>
    %bitcast_convert_type3A = tpu.bitcast %get3A_1 : vector<16x2048xf32> -> vector<16x2048xi32>
    %ge3A = arith.constant 0 : i32
    %ge3A_2 = vector.broadcast %ge3A : i32 to vector<16x2048xi32>
    %ge3A_3 = arith.cmpi sge, %bitcast_convert_type3A, %ge3A_2 : vector<16x2048xi32>
    %xor3A = arith.constant 2147483647 : i32
    %xor3A_4 = vector.broadcast %xor3A : i32 to vector<16x2048xi32>
    %xor3A_5 = arith.xori %bitcast_convert_type3A, %xor3A_4 : vector<16x2048xi32>
    %select_n3A = arith.select %ge3A_3, %bitcast_convert_type3A, %xor3A_5 : vector<16x2048xi1>, vector<16x2048xi32>
    %broadcast_in_dim3A = arith.constant -2147483648 : i32
    %broadcast_in_dim3A_6 = vector.broadcast %broadcast_in_dim3A : i32 to vector<16x1xi32>
    %scan3A = arith.constant 0 : i32
    %scan3A_7 = arith.constant 32 : i32
    %scan3A_8 = arith.addi %scan3A, %scan3A_7 : i32
    %scan3A_9 = arith.constant 1 : i32
    %scan3A_10 = scf.for %scan3A_109 = %scan3A to %scan3A_8 step %scan3A_9 iter_args(%scan3A_110 = %broadcast_in_dim3A_6) -> (vector<16x1xi32>)  : i32 {
      %sub3A_111 = arith.constant 31 : i32
      %sub3A_112 = arith.subi %sub3A_111, %scan3A_109 : i32
      %shift_left3A = arith.constant 1 : i32
      %shift_left3A_113 = arith.shli %shift_left3A, %sub3A_112 : i32
      %add3A_114 = vector.broadcast %shift_left3A_113 : i32 to vector<16x1xi32>
      %add3A_115 = arith.addi %scan3A_110, %add3A_114 : vector<16x1xi32>
      %ge3A_116 = vector.broadcast %add3A_115 : vector<16x1xi32> to vector<16x2048xi32>
      %ge3A_117 = arith.cmpi sge, %select_n3A, %ge3A_116 : vector<16x2048xi32>
      %convert_element_type3A_118 = arith.extui %ge3A_117 : vector<16x2048xi1> to vector<16x2048xi32>
      %reduce_sum3A_119 = arith.constant dense<0> : vector<16xi32>
      %reduce_sum3A_120 = vector.multi_reduction <add>, %convert_element_type3A_118, %reduce_sum3A_119 [1] : vector<16x2048xi32> to vector<16xi32>
      %broadcast_in_dim3A_121 = vector.shape_cast %reduce_sum3A_120 : vector<16xi32> to vector<16x1xi32>
      %ge3A_122 = arith.constant 256 : i32
      %ge3A_123 = vector.broadcast %ge3A_122 : i32 to vector<16x1xi32>
      %ge3A_124 = arith.cmpi sge, %broadcast_in_dim3A_121, %ge3A_123 : vector<16x1xi32>
      %select_n3A_125 = arith.select %ge3A_124, %add3A_115, %scan3A_110 : vector<16x1xi1>, vector<16x1xi32>
      scf.yield %select_n3A_125 : vector<16x1xi32>
    }
    %scan3A_11 = arith.constant 32 : i32
    %gt3A = vector.broadcast %scan3A_10 : vector<16x1xi32> to vector<16x2048xi32>
    %gt3A_12 = arith.cmpi sgt, %select_n3A, %gt3A : vector<16x2048xi32>
    %eq3A = vector.broadcast %scan3A_10 : vector<16x1xi32> to vector<16x2048xi32>
    %eq3A_13 = arith.cmpi eq, %select_n3A, %eq3A : vector<16x2048xi32>
    %convert_element_type3A = arith.extui %gt3A_12 : vector<16x2048xi1> to vector<16x2048xi32>
    %reduce_sum3A = arith.constant dense<0> : vector<16xi32>
    %reduce_sum3A_14 = vector.multi_reduction <add>, %convert_element_type3A, %reduce_sum3A [1] : vector<16x2048xi32> to vector<16xi32>
    %broadcast_in_dim3A_15 = vector.shape_cast %reduce_sum3A_14 : vector<16xi32> to vector<16x1xi32>
    %sub3A = arith.constant 256 : i32
    %sub3A_16 = vector.broadcast %sub3A : i32 to vector<16x1xi32>
    %sub3A_17 = arith.subi %sub3A_16, %broadcast_in_dim3A_15 : vector<16x1xi32>
    %convert_element_type3A_18 = arith.sitofp %sub3A_17 : vector<16x1xi32> to vector<16x1xf32>
    %iota3A = tpu.iota {dimensions = array<i32: 0>} : vector<2048x2048xi32>
    %iota3A_19 = tpu.iota {dimensions = array<i32: 1>} : vector<2048x2048xi32>
    %le3A = arith.cmpi sle, %iota3A, %iota3A_19 : vector<2048x2048xi32>
    %convert_element_type3A_20 = arith.extui %le3A : vector<2048x2048xi1> to vector<2048x2048xi32>
    %convert_element_type3A_21 = arith.sitofp %convert_element_type3A_20 : vector<2048x2048xi32> to vector<2048x2048xf32>
    %convert_element_type3A_22 = arith.extui %eq3A_13 : vector<16x2048xi1> to vector<16x2048xi32>
    %convert_element_type3A_23 = arith.sitofp %convert_element_type3A_22 : vector<16x2048xi32> to vector<16x2048xf32>
    %dot_general3A = arith.constant dense<0.000000e+00> : vector<16x2048xf32>
    %dot_general3A_24 = tpu.matmul %convert_element_type3A_23, %convert_element_type3A_21, %dot_general3A {dimension_numbers = #tpu.dot_dimension_numbers<[1], [0], [0], [1], [0, 0, 1, 1], [], []>, transpose_lhs_hint = false} : vector<16x2048xf32>, vector<2048x2048xf32>, vector<16x2048xf32> -> vector<16x2048xf32>
    %le3A_25 = vector.broadcast %convert_element_type3A_18 : vector<16x1xf32> to vector<16x2048xf32>
    %le3A_26 = arith.cmpf ole, %dot_general3A_24, %le3A_25 : vector<16x2048xf32>
    %and3A = arith.andi %eq3A_13, %le3A_26 : vector<16x2048xi1>
    %or3A = arith.ori %gt3A_12, %and3A : vector<16x2048xi1>
    %convert_element_type3A_27 = arith.extui %or3A : vector<16x2048xi1> to vector<16x2048xi32>
    %convert_element_type3A_28 = arith.sitofp %convert_element_type3A_27 : vector<16x2048xi32> to vector<16x2048xf32>
    %swap3A = arith.constant 0 : index
    %swap3A_29 = arith.constant 0 : index
    %swap3A_30 = vector.load %arg2[%swap3A, %swap3A_29] : memref<16x2048xf32, #tpu.memory_space<vmem>>, vector<16x2048xf32>
    tpu.vector_store %arg2[%swap3A, %swap3A_29], %convert_element_type3A_28 {strides = array<i32>} : memref<16x2048xf32, #tpu.memory_space<vmem>>, vector<16x2048xf32>,
    %dot_general3A_31 = arith.constant dense<0.000000e+00> : vector<16x2048xf32>
    %dot_general3A_32 = tpu.matmul %convert_element_type3A_28, %convert_element_type3A_21, %dot_general3A_31 {dimension_numbers = #tpu.dot_dimension_numbers<[1], [0], [0], [1], [0, 0, 1, 1], [], []>, transpose_lhs_hint = false} : vector<16x2048xf32>, vector<2048x2048xf32>, vector<16x2048xf32> -> vector<16x2048xf32>
    %convert_element_type3A_33 = arith.fptosi %dot_general3A_32 : vector<16x2048xf32> to vector<16x2048xi32>
    %broadcast_in_dim3A_34 = arith.constant 0 : i32
    %broadcast_in_dim3A_35 = vector.broadcast %broadcast_in_dim3A_34 : i32 to vector<16x256xi32>
    %iota3A_36 = tpu.iota {dimensions = array<i32: 2>} : vector<16x256x256xi32>
    %slice3A = vector.extract_strided_slice %convert_element_type3A_33 {offsets = [0, 0], sizes = [16, 256], strides = [1, 1]} : vector<16x2048xi32> to vector<16x256xi32>
    %broadcast_in_dim3A_37 = vector.shape_cast %slice3A : vector<16x256xi32> to vector<16x256x1xi32>
    %le3A_38 = vector.broadcast %broadcast_in_dim3A_37 : vector<16x256x1xi32> to vector<16x256x256xi32>
    %le3A_39 = arith.cmpi sle, %le3A_38, %iota3A_36 : vector<16x256x256xi32>
    %convert_element_type3A_40 = arith.extui %le3A_39 : vector<16x256x256xi1> to vector<16x256x256xi32>
    %reduce_sum3A_41 = arith.constant dense<0> : vector<16x256xi32>
    %reduce_sum3A_42 = vector.multi_reduction <add>, %convert_element_type3A_40, %reduce_sum3A_41 [1] : vector<16x256x256xi32> to vector<16x256xi32>
    %add3A = arith.addi %broadcast_in_dim3A_35, %reduce_sum3A_42 : vector<16x256xi32>
    %slice3A_43 = vector.extract_strided_slice %convert_element_type3A_33 {offsets = [0, 256], sizes = [16, 256], strides = [1, 1]} : vector<16x2048xi32> to vector<16x256xi32>
    %broadcast_in_dim3A_44 = vector.shape_cast %slice3A_43 : vector<16x256xi32> to vector<16x256x1xi32>
    %le3A_45 = vector.broadcast %broadcast_in_dim3A_44 : vector<16x256x1xi32> to vector<16x256x256xi32>
    %le3A_46 = arith.cmpi sle, %le3A_45, %iota3A_36 : vector<16x256x256xi32>
    %convert_element_type3A_47 = arith.extui %le3A_46 : vector<16x256x256xi1> to vector<16x256x256xi32>
    %reduce_sum3A_48 = arith.constant dense<0> : vector<16x256xi32>
    %reduce_sum3A_49 = vector.multi_reduction <add>, %convert_element_type3A_47, %reduce_sum3A_48 [1] : vector<16x256x256xi32> to vector<16x256xi32>
    %add3A_50 = arith.addi %add3A, %reduce_sum3A_49 : vector<16x256xi32>
    %slice3A_51 = vector.extract_strided_slice %convert_element_type3A_33 {offsets = [0, 512], sizes = [16, 256], strides = [1, 1]} : vector<16x2048xi32> to vector<16x256xi32>
    %broadcast_in_dim3A_52 = vector.shape_cast %slice3A_51 : vector<16x256xi32> to vector<16x256x1xi32>
    %le3A_53 = vector.broadcast %broadcast_in_dim3A_52 : vector<16x256x1xi32> to vector<16x256x256xi32>
    %le3A_54 = arith.cmpi sle, %le3A_53, %iota3A_36 : vector<16x256x256xi32>
    %convert_element_type3A_55 = arith.extui %le3A_54 : vector<16x256x256xi1> to vector<16x256x256xi32>
    %reduce_sum3A_56 = arith.constant dense<0> : vector<16x256xi32>
    %reduce_sum3A_57 = vector.multi_reduction <add>, %convert_element_type3A_55, %reduce_sum3A_56 [1] : vector<16x256x256xi32> to vector<16x256xi32>
    %add3A_58 = arith.addi %add3A_50, %reduce_sum3A_57 : vector<16x256xi32>
    %slice3A_59 = vector.extract_strided_slice %convert_element_type3A_33 {offsets = [0, 768], sizes = [16, 256], strides = [1, 1]} : vector<16x2048xi32> to vector<16x256xi32>
    %broadcast_in_dim3A_60 = vector.shape_cast %slice3A_59 : vector<16x256xi32> to vector<16x256x1xi32>
    %le3A_61 = vector.broadcast %broadcast_in_dim3A_60 : vector<16x256x1xi32> to vector<16x256x256xi32>
    %le3A_62 = arith.cmpi sle, %le3A_61, %iota3A_36 : vector<16x256x256xi32>
    %convert_element_type3A_63 = arith.extui %le3A_62 : vector<16x256x256xi1> to vector<16x256x256xi32>
    %reduce_sum3A_64 = arith.constant dense<0> : vector<16x256xi32>
    %reduce_sum3A_65 = vector.multi_reduction <add>, %convert_element_type3A_63, %reduce_sum3A_64 [1] : vector<16x256x256xi32> to vector<16x256xi32>
    %add3A_66 = arith.addi %add3A_58, %reduce_sum3A_65 : vector<16x256xi32>
    %slice3A_67 = vector.extract_strided_slice %convert_element_type3A_33 {offsets = [0, 1024], sizes = [16, 256], strides = [1, 1]} : vector<16x2048xi32> to vector<16x256xi32>
    %broadcast_in_dim3A_68 = vector.shape_cast %slice3A_67 : vector<16x256xi32> to vector<16x256x1xi32>
    %le3A_69 = vector.broadcast %broadcast_in_dim3A_68 : vector<16x256x1xi32> to vector<16x256x256xi32>
    %le3A_70 = arith.cmpi sle, %le3A_69, %iota3A_36 : vector<16x256x256xi32>
    %convert_element_type3A_71 = arith.extui %le3A_70 : vector<16x256x256xi1> to vector<16x256x256xi32>
    %reduce_sum3A_72 = arith.constant dense<0> : vector<16x256xi32>
    %reduce_sum3A_73 = vector.multi_reduction <add>, %convert_element_type3A_71, %reduce_sum3A_72 [1] : vector<16x256x256xi32> to vector<16x256xi32>
    %add3A_74 = arith.addi %add3A_66, %reduce_sum3A_73 : vector<16x256xi32>
    %slice3A_75 = vector.extract_strided_slice %convert_element_type3A_33 {offsets = [0, 1280], sizes = [16, 256], strides = [1, 1]} : vector<16x2048xi32> to vector<16x256xi32>
    %broadcast_in_dim3A_76 = vector.shape_cast %slice3A_75 : vector<16x256xi32> to vector<16x256x1xi32>
    %le3A_77 = vector.broadcast %broadcast_in_dim3A_76 : vector<16x256x1xi32> to vector<16x256x256xi32>
    %le3A_78 = arith.cmpi sle, %le3A_77, %iota3A_36 : vector<16x256x256xi32>
    %convert_element_type3A_79 = arith.extui %le3A_78 : vector<16x256x256xi1> to vector<16x256x256xi32>
    %reduce_sum3A_80 = arith.constant dense<0> : vector<16x256xi32>
    %reduce_sum3A_81 = vector.multi_reduction <add>, %convert_element_type3A_79, %reduce_sum3A_80 [1] : vector<16x256x256xi32> to vector<16x256xi32>
    %add3A_82 = arith.addi %add3A_74, %reduce_sum3A_81 : vector<16x256xi32>
    %slice3A_83 = vector.extract_strided_slice %convert_element_type3A_33 {offsets = [0, 1536], sizes = [16, 256], strides = [1, 1]} : vector<16x2048xi32> to vector<16x256xi32>
    %broadcast_in_dim3A_84 = vector.shape_cast %slice3A_83 : vector<16x256xi32> to vector<16x256x1xi32>
    %le3A_85 = vector.broadcast %broadcast_in_dim3A_84 : vector<16x256x1xi32> to vector<16x256x256xi32>
    %le3A_86 = arith.cmpi sle, %le3A_85, %iota3A_36 : vector<16x256x256xi32>
    %convert_element_type3A_87 = arith.extui %le3A_86 : vector<16x256x256xi1> to vector<16x256x256xi32>
    %reduce_sum3A_88 = arith.constant dense<0> : vector<16x256xi32>
    %reduce_sum3A_89 = vector.multi_reduction <add>, %convert_element_type3A_87, %reduce_sum3A_88 [1] : vector<16x256x256xi32> to vector<16x256xi32>
    %add3A_90 = arith.addi %add3A_82, %reduce_sum3A_89 : vector<16x256xi32>
    %slice3A_91 = vector.extract_strided_slice %convert_element_type3A_33 {offsets = [0, 1792], sizes = [16, 256], strides = [1, 1]} : vector<16x2048xi32> to vector<16x256xi32>
    %broadcast_in_dim3A_92 = vector.shape_cast %slice3A_91 : vector<16x256xi32> to vector<16x256x1xi32>
    %le3A_93 = vector.broadcast %broadcast_in_dim3A_92 : vector<16x256x1xi32> to vector<16x256x256xi32>
    %le3A_94 = arith.cmpi sle, %le3A_93, %iota3A_36 : vector<16x256x256xi32>
    %convert_element_type3A_95 = arith.extui %le3A_94 : vector<16x256x256xi1> to vector<16x256x256xi32>
    %reduce_sum3A_96 = arith.constant dense<0> : vector<16x256xi32>
    %reduce_sum3A_97 = vector.multi_reduction <add>, %convert_element_type3A_95, %reduce_sum3A_96 [1] : vector<16x256x256xi32> to vector<16x256xi32>
    %add3A_98 = arith.addi %add3A_90, %reduce_sum3A_97 : vector<16x256xi32>
    %swap3A_99 = arith.constant 0 : index
    %swap3A_100 = arith.constant 0 : index
    %swap3A_101 = vector.load %arg3[%swap3A_99, %swap3A_100] : memref<16x256xi32, #tpu.memory_space<vmem>>, vector<16x256xi32>
    tpu.vector_store %arg3[%swap3A_99, %swap3A_100], %add3A_98 {strides = array<i32>} : memref<16x256xi32, #tpu.memory_space<vmem>>, vector<16x256xi32>,
    %iota3A_102 = tpu.iota {dimensions = array<i32: 0>} : vector<16x256xi32>
    %mul3A = arith.constant 2048 : i32
    %mul3A_103 = vector.broadcast %mul3A : i32 to vector<16x256xi32>
    %mul3A_104 = arith.muli %iota3A_102, %mul3A_103 : vector<16x256xi32>
    %add3A_105 = arith.addi %add3A_98, %mul3A_104 : vector<16x256xi32>
    %swap3A_106 = arith.constant 0 : index
    %swap3A_107 = arith.constant 0 : index
    %swap3A_108 = vector.load %arg4[%swap3A_106, %swap3A_107] : memref<16x256xi32, #tpu.memory_space<vmem>>, vector<16x256xi32>
    tpu.vector_store %arg4[%swap3A_106, %swap3A_107], %add3A_105 {strides = array<i32>} : memref<16x256xi32, #tpu.memory_space<vmem>>, vector<16x256xi32>,
    return
  }
  func.func @transform_0(%arg0: i32) -> (i32, i32) {
    %c0_i32 = arith.constant 0 : i32
    %c0_i32_0 = arith.constant 0 : i32
    %c0_i32_1 = arith.constant 0 : i32
    return %c0_i32, %c0_i32_0 : i32, i32
  }
  func.func @transform_1(%arg0: i32) -> (i32, i32) {
    %c0_i32 = arith.constant 0 : i32
    %c0_i32_0 = arith.constant 0 : i32
    %c0_i32_1 = arith.constant 0 : i32
    return %c0_i32, %c0_i32_0 : i32, i32
  }
  func.func @transform_2(%arg0: i32) -> (i32, i32) {
    %c0_i32 = arith.constant 0 : i32
    %c0_i32_0 = arith.constant 0 : i32
    %c0_i32_1 = arith.constant 0 : i32
    return %c0_i32, %c0_i32_0 : i32, i32
  }
  func.func @transform_3(%arg0: i32) -> (i32, i32) {
    %c0_i32 = arith.constant 0 : i32
    %c0_i32_0 = arith.constant 0 : i32
    %c0_i32_1 = arith.constant 0 : i32
    return %c0_i32, %c0_i32_0 : i32, i32
  }
}

module attributes {stable_mosaic.version = 14 : i64} {
  func.func @_qkv_kernel(%arg0: i32, %arg1: memref<1024x768xf32, #tpu.memory_space<vmem>>, %arg2: memref<768x768xf32, #tpu.memory_space<vmem>>, %arg3: memref<768x768xf32, #tpu.memory_space<vmem>>, %arg4: memref<768x768xf32, #tpu.memory_space<vmem>>, %arg5: memref<1024x768xbf16, #tpu.memory_space<vmem>>, %arg6: memref<1024x768xbf16, #tpu.memory_space<vmem>>, %arg7: memref<1024x768xbf16, #tpu.memory_space<vmem>>) attributes {dimension_semantics = [#tpu.dimension_semantics<arbitrary>], iteration_bounds = array<i64: 4>, scalar_prefetch = 0 : i64, scratch_operands = 0 : i64, tpu.core_type = #tpu.core_type<tc>, window_params = [{transform_indices = @transform_0, window_bounds = array<i64: 1024, 768>}, {pipeline_mode = #tpu.pipeline_mode<synchronous>, transform_indices = @transform_1, window_bounds = array<i64: 768, 768>}, {pipeline_mode = #tpu.pipeline_mode<synchronous>, transform_indices = @transform_2, window_bounds = array<i64: 768, 768>}, {pipeline_mode = #tpu.pipeline_mode<synchronous>, transform_indices = @transform_3, window_bounds = array<i64: 768, 768>}, {transform_indices = @transform_4, window_bounds = array<i64: 1024, 768>}, {transform_indices = @transform_5, window_bounds = array<i64: 1024, 768>}, {transform_indices = @transform_6, window_bounds = array<i64: 1024, 768>}]} {
    %get3A = arith.constant 0 : index
    %get3A_0 = arith.constant 0 : index
    %get3A_1 = vector.load %arg1[%get3A, %get3A_0] : memref<1024x768xf32, #tpu.memory_space<vmem>>, vector<1024x768xf32>
    %get3A_2 = arith.constant 0 : index
    %get3A_3 = arith.constant 0 : index
    %get3A_4 = vector.load %arg2[%get3A_2, %get3A_3] : memref<768x768xf32, #tpu.memory_space<vmem>>, vector<768x768xf32>
    %dot_general3A = arith.constant dense<0.000000e+00> : vector<1024x768xf32>
    %dot_general3A_5 = tpu.matmul %get3A_1, %get3A_4, %dot_general3A {dimension_numbers = #tpu.dot_dimension_numbers<[1], [0], [0], [1], [0, 0, 1, 1], [], []>, transpose_lhs_hint = false} : vector<1024x768xf32>, vector<768x768xf32>, vector<1024x768xf32> -> vector<1024x768xf32>
    %convert_element_type3A = arith.truncf %dot_general3A_5 : vector<1024x768xf32> to vector<1024x768xbf16>
    %swap3A = arith.constant 0 : index
    %swap3A_6 = arith.constant 0 : index
    %swap3A_7 = vector.load %arg5[%swap3A, %swap3A_6] : memref<1024x768xbf16, #tpu.memory_space<vmem>>, vector<1024x768xbf16>
    tpu.vector_store %arg5[%swap3A, %swap3A_6], %convert_element_type3A {strides = array<i32>} : memref<1024x768xbf16, #tpu.memory_space<vmem>>, vector<1024x768xbf16>,
    %get3A_8 = arith.constant 0 : index
    %get3A_9 = arith.constant 0 : index
    %get3A_10 = vector.load %arg3[%get3A_8, %get3A_9] : memref<768x768xf32, #tpu.memory_space<vmem>>, vector<768x768xf32>
    %dot_general3A_11 = arith.constant dense<0.000000e+00> : vector<1024x768xf32>
    %dot_general3A_12 = tpu.matmul %get3A_1, %get3A_10, %dot_general3A_11 {dimension_numbers = #tpu.dot_dimension_numbers<[1], [0], [0], [1], [0, 0, 1, 1], [], []>, transpose_lhs_hint = false} : vector<1024x768xf32>, vector<768x768xf32>, vector<1024x768xf32> -> vector<1024x768xf32>
    %convert_element_type3A_13 = arith.truncf %dot_general3A_12 : vector<1024x768xf32> to vector<1024x768xbf16>
    %swap3A_14 = arith.constant 0 : index
    %swap3A_15 = arith.constant 0 : index
    %swap3A_16 = vector.load %arg6[%swap3A_14, %swap3A_15] : memref<1024x768xbf16, #tpu.memory_space<vmem>>, vector<1024x768xbf16>
    tpu.vector_store %arg6[%swap3A_14, %swap3A_15], %convert_element_type3A_13 {strides = array<i32>} : memref<1024x768xbf16, #tpu.memory_space<vmem>>, vector<1024x768xbf16>,
    %get3A_17 = arith.constant 0 : index
    %get3A_18 = arith.constant 0 : index
    %get3A_19 = vector.load %arg4[%get3A_17, %get3A_18] : memref<768x768xf32, #tpu.memory_space<vmem>>, vector<768x768xf32>
    %dot_general3A_20 = arith.constant dense<0.000000e+00> : vector<1024x768xf32>
    %dot_general3A_21 = tpu.matmul %get3A_1, %get3A_19, %dot_general3A_20 {dimension_numbers = #tpu.dot_dimension_numbers<[1], [0], [0], [1], [0, 0, 1, 1], [], []>, transpose_lhs_hint = false} : vector<1024x768xf32>, vector<768x768xf32>, vector<1024x768xf32> -> vector<1024x768xf32>
    %convert_element_type3A_22 = arith.truncf %dot_general3A_21 : vector<1024x768xf32> to vector<1024x768xbf16>
    %swap3A_23 = arith.constant 0 : index
    %swap3A_24 = arith.constant 0 : index
    %swap3A_25 = vector.load %arg7[%swap3A_23, %swap3A_24] : memref<1024x768xbf16, #tpu.memory_space<vmem>>, vector<1024x768xbf16>
    tpu.vector_store %arg7[%swap3A_23, %swap3A_24], %convert_element_type3A_22 {strides = array<i32>} : memref<1024x768xbf16, #tpu.memory_space<vmem>>, vector<1024x768xbf16>,
    return
  }
  func.func @transform_0(%arg0: i32) -> (i32, i32) {
    %c0_i32 = arith.constant 0 : i32
    %c0_i32_0 = arith.constant 0 : i32
    return %arg0, %c0_i32 : i32, i32
  }
  func.func @transform_1(%arg0: i32) -> (i32, i32) {
    %c0_i32 = arith.constant 0 : i32
    %c0_i32_0 = arith.constant 0 : i32
    %c0_i32_1 = arith.constant 0 : i32
    return %c0_i32, %c0_i32_0 : i32, i32
  }
  func.func @transform_2(%arg0: i32) -> (i32, i32) {
    %c0_i32 = arith.constant 0 : i32
    %c0_i32_0 = arith.constant 0 : i32
    %c0_i32_1 = arith.constant 0 : i32
    return %c0_i32, %c0_i32_0 : i32, i32
  }
  func.func @transform_3(%arg0: i32) -> (i32, i32) {
    %c0_i32 = arith.constant 0 : i32
    %c0_i32_0 = arith.constant 0 : i32
    %c0_i32_1 = arith.constant 0 : i32
    return %c0_i32, %c0_i32_0 : i32, i32
  }
  func.func @transform_4(%arg0: i32) -> (i32, i32) {
    %c0_i32 = arith.constant 0 : i32
    %c0_i32_0 = arith.constant 0 : i32
    return %arg0, %c0_i32 : i32, i32
  }
  func.func @transform_5(%arg0: i32) -> (i32, i32) {
    %c0_i32 = arith.constant 0 : i32
    %c0_i32_0 = arith.constant 0 : i32
    return %arg0, %c0_i32 : i32, i32
  }
  func.func @transform_6(%arg0: i32) -> (i32, i32) {
    %c0_i32 = arith.constant 0 : i32
    %c0_i32_0 = arith.constant 0 : i32
    return %arg0, %c0_i32 : i32, i32
  }
}

module attributes {stable_mosaic.version = 14 : i64} {
  func.func @_attn_kernel(%arg0: i32, %arg1: i32, %arg2: memref<1x6x1024x64xbf16, #tpu.memory_space<vmem>>, %arg3: memref<1x6x1024x64xbf16, #tpu.memory_space<vmem>>, %arg4: memref<1x6x1024x64xbf16, #tpu.memory_space<vmem>>, %arg5: memref<1x6x1x64xf32, #tpu.memory_space<vmem>>, %arg6: memref<1x4x6x256x64xbf16, #tpu.memory_space<vmem>>) attributes {dimension_semantics = [#tpu.dimension_semantics<arbitrary>, #tpu.dimension_semantics<arbitrary>], iteration_bounds = array<i64: 4, 2>, scalar_prefetch = 0 : i64, scratch_operands = 0 : i64, tpu.core_type = #tpu.core_type<tc>, window_params = [{transform_indices = @transform_0, window_bounds = array<i64: 1, 6, 1024, 64>}, {transform_indices = @transform_1, window_bounds = array<i64: 1, 6, 1024, 64>}, {transform_indices = @transform_2, window_bounds = array<i64: 1, 6, 1024, 64>}, {transform_indices = @transform_3, window_bounds = array<i64: 1, 6, 1, 64>}, {transform_indices = @transform_4, window_bounds = array<i64: 1, 4, 6, 256, 64>}]} {
    %broadcast_in_dim3A = arith.constant 0.000000e+00 : f32
    %broadcast_in_dim3A_0 = vector.broadcast %broadcast_in_dim3A : f32 to vector<64x64xf32>
    %broadcast_in_dim3A_1 = arith.constant 0.000000e+00 : f32
    %broadcast_in_dim3A_2 = vector.broadcast %broadcast_in_dim3A_1 : f32 to vector<64x64xf32>
    %broadcast_in_dim3A_3 = arith.constant 0.000000e+00 : f32
    %broadcast_in_dim3A_4 = vector.broadcast %broadcast_in_dim3A_3 : f32 to vector<64x64xf32>
    %broadcast_in_dim3A_5 = arith.constant 0.000000e+00 : f32
    %broadcast_in_dim3A_6 = vector.broadcast %broadcast_in_dim3A_5 : f32 to vector<64x64xf32>
    %broadcast_in_dim3A_7 = arith.constant 0.000000e+00 : f32
    %broadcast_in_dim3A_8 = vector.broadcast %broadcast_in_dim3A_7 : f32 to vector<64x64xf32>
    %broadcast_in_dim3A_9 = arith.constant 0.000000e+00 : f32
    %broadcast_in_dim3A_10 = vector.broadcast %broadcast_in_dim3A_9 : f32 to vector<64x64xf32>
    %broadcast_in_dim3A_11 = arith.constant 1.562500e-02 : f32
    %broadcast_in_dim3A_12 = vector.broadcast %broadcast_in_dim3A_11 : f32 to vector<1x64xf32>
    %broadcast_in_dim3A_13 = arith.constant 1.562500e-02 : f32
    %broadcast_in_dim3A_14 = vector.broadcast %broadcast_in_dim3A_13 : f32 to vector<1x64xf32>
    %broadcast_in_dim3A_15 = arith.constant 1.562500e-02 : f32
    %broadcast_in_dim3A_16 = vector.broadcast %broadcast_in_dim3A_15 : f32 to vector<1x64xf32>
    %broadcast_in_dim3A_17 = arith.constant 1.562500e-02 : f32
    %broadcast_in_dim3A_18 = vector.broadcast %broadcast_in_dim3A_17 : f32 to vector<1x64xf32>
    %broadcast_in_dim3A_19 = arith.constant 1.562500e-02 : f32
    %broadcast_in_dim3A_20 = vector.broadcast %broadcast_in_dim3A_19 : f32 to vector<1x64xf32>
    %broadcast_in_dim3A_21 = arith.constant 1.562500e-02 : f32
    %broadcast_in_dim3A_22 = vector.broadcast %broadcast_in_dim3A_21 : f32 to vector<1x64xf32>
    %get3A = arith.constant 0 : index
    %get3A_23 = arith.constant 0 : index
    %get3A_24 = arith.constant 0 : index
    %get3A_25 = arith.constant 0 : index
    %get3A_26 = vector.load %arg5[%get3A, %get3A_23, %get3A_24, %get3A_25] : memref<1x6x1x64xf32, #tpu.memory_space<vmem>>, vector<1x1x1x64xf32>
    %get3A_27 = vector.shape_cast %get3A_26 : vector<1x1x1x64xf32> to vector<1x64xf32>
    %logistic3A = arith.negf %get3A_27 : vector<1x64xf32>
    %logistic3A_28 = math.exp %logistic3A : vector<1x64xf32>
    %logistic3A_29 = arith.constant 1.000000e+00 : f32
    %logistic3A_30 = vector.broadcast %logistic3A_29 : f32 to vector<1x64xf32>
    %logistic3A_31 = arith.addf %logistic3A_30, %logistic3A_28 : vector<1x64xf32>
    %logistic3A_32 = arith.divf %logistic3A_30, %logistic3A_31 : vector<1x64xf32>
    %get3A_33 = arith.constant 0 : index
    %get3A_34 = arith.constant 1 : index
    %get3A_35 = arith.constant 0 : index
    %get3A_36 = arith.constant 0 : index
    %get3A_37 = vector.load %arg5[%get3A_33, %get3A_34, %get3A_35, %get3A_36] : memref<1x6x1x64xf32, #tpu.memory_space<vmem>>, vector<1x1x1x64xf32>
    %get3A_38 = vector.shape_cast %get3A_37 : vector<1x1x1x64xf32> to vector<1x64xf32>
    %logistic3A_39 = arith.negf %get3A_38 : vector<1x64xf32>
    %logistic3A_40 = math.exp %logistic3A_39 : vector<1x64xf32>
    %logistic3A_41 = arith.constant 1.000000e+00 : f32
    %logistic3A_42 = vector.broadcast %logistic3A_41 : f32 to vector<1x64xf32>
    %logistic3A_43 = arith.addf %logistic3A_42, %logistic3A_40 : vector<1x64xf32>
    %logistic3A_44 = arith.divf %logistic3A_42, %logistic3A_43 : vector<1x64xf32>
    %get3A_45 = arith.constant 0 : index
    %get3A_46 = arith.constant 2 : index
    %get3A_47 = arith.constant 0 : index
    %get3A_48 = arith.constant 0 : index
    %get3A_49 = vector.load %arg5[%get3A_45, %get3A_46, %get3A_47, %get3A_48] : memref<1x6x1x64xf32, #tpu.memory_space<vmem>>, vector<1x1x1x64xf32>
    %get3A_50 = vector.shape_cast %get3A_49 : vector<1x1x1x64xf32> to vector<1x64xf32>
    %logistic3A_51 = arith.negf %get3A_50 : vector<1x64xf32>
    %logistic3A_52 = math.exp %logistic3A_51 : vector<1x64xf32>
    %logistic3A_53 = arith.constant 1.000000e+00 : f32
    %logistic3A_54 = vector.broadcast %logistic3A_53 : f32 to vector<1x64xf32>
    %logistic3A_55 = arith.addf %logistic3A_54, %logistic3A_52 : vector<1x64xf32>
    %logistic3A_56 = arith.divf %logistic3A_54, %logistic3A_55 : vector<1x64xf32>
    %get3A_57 = arith.constant 0 : index
    %get3A_58 = arith.constant 3 : index
    %get3A_59 = arith.constant 0 : index
    %get3A_60 = arith.constant 0 : index
    %get3A_61 = vector.load %arg5[%get3A_57, %get3A_58, %get3A_59, %get3A_60] : memref<1x6x1x64xf32, #tpu.memory_space<vmem>>, vector<1x1x1x64xf32>
    %get3A_62 = vector.shape_cast %get3A_61 : vector<1x1x1x64xf32> to vector<1x64xf32>
    %logistic3A_63 = arith.negf %get3A_62 : vector<1x64xf32>
    %logistic3A_64 = math.exp %logistic3A_63 : vector<1x64xf32>
    %logistic3A_65 = arith.constant 1.000000e+00 : f32
    %logistic3A_66 = vector.broadcast %logistic3A_65 : f32 to vector<1x64xf32>
    %logistic3A_67 = arith.addf %logistic3A_66, %logistic3A_64 : vector<1x64xf32>
    %logistic3A_68 = arith.divf %logistic3A_66, %logistic3A_67 : vector<1x64xf32>
    %get3A_69 = arith.constant 0 : index
    %get3A_70 = arith.constant 4 : index
    %get3A_71 = arith.constant 0 : index
    %get3A_72 = arith.constant 0 : index
    %get3A_73 = vector.load %arg5[%get3A_69, %get3A_70, %get3A_71, %get3A_72] : memref<1x6x1x64xf32, #tpu.memory_space<vmem>>, vector<1x1x1x64xf32>
    %get3A_74 = vector.shape_cast %get3A_73 : vector<1x1x1x64xf32> to vector<1x64xf32>
    %logistic3A_75 = arith.negf %get3A_74 : vector<1x64xf32>
    %logistic3A_76 = math.exp %logistic3A_75 : vector<1x64xf32>
    %logistic3A_77 = arith.constant 1.000000e+00 : f32
    %logistic3A_78 = vector.broadcast %logistic3A_77 : f32 to vector<1x64xf32>
    %logistic3A_79 = arith.addf %logistic3A_78, %logistic3A_76 : vector<1x64xf32>
    %logistic3A_80 = arith.divf %logistic3A_78, %logistic3A_79 : vector<1x64xf32>
    %get3A_81 = arith.constant 0 : index
    %get3A_82 = arith.constant 5 : index
    %get3A_83 = arith.constant 0 : index
    %get3A_84 = arith.constant 0 : index
    %get3A_85 = vector.load %arg5[%get3A_81, %get3A_82, %get3A_83, %get3A_84] : memref<1x6x1x64xf32, #tpu.memory_space<vmem>>, vector<1x1x1x64xf32>
    %get3A_86 = vector.shape_cast %get3A_85 : vector<1x1x1x64xf32> to vector<1x64xf32>
    %logistic3A_87 = arith.negf %get3A_86 : vector<1x64xf32>
    %logistic3A_88 = math.exp %logistic3A_87 : vector<1x64xf32>
    %logistic3A_89 = arith.constant 1.000000e+00 : f32
    %logistic3A_90 = vector.broadcast %logistic3A_89 : f32 to vector<1x64xf32>
    %logistic3A_91 = arith.addf %logistic3A_90, %logistic3A_88 : vector<1x64xf32>
    %logistic3A_92 = arith.divf %logistic3A_90, %logistic3A_91 : vector<1x64xf32>
    %broadcast_in_dim3A_93 = arith.constant 1.000000e+00 : f32
    %broadcast_in_dim3A_94 = vector.broadcast %broadcast_in_dim3A_93 : f32 to vector<256x1xf32>
    %get3A_95 = arith.constant 0 : index
    %get3A_96 = arith.constant 0 : index
    %get3A_97 = arith.constant 0 : index
    %get3A_98 = arith.constant 0 : index
    %get3A_99 = vector.load %arg2[%get3A_95, %get3A_96, %get3A_97, %get3A_98] : memref<1x6x1024x64xbf16, #tpu.memory_space<vmem>>, vector<1x1x256x64xbf16>
    %get3A_100 = vector.shape_cast %get3A_99 : vector<1x1x256x64xbf16> to vector<256x64xbf16>
    %convert_element_type3A = arith.extf %get3A_100 : vector<256x64xbf16> to vector<256x64xf32>
    %get3A_101 = arith.constant 0 : index
    %get3A_102 = arith.constant 0 : index
    %get3A_103 = arith.constant 0 : index
    %get3A_104 = arith.constant 0 : index
    %get3A_105 = vector.load %arg3[%get3A_101, %get3A_102, %get3A_103, %get3A_104] : memref<1x6x1024x64xbf16, #tpu.memory_space<vmem>>, vector<1x1x256x64xbf16>
    %get3A_106 = vector.shape_cast %get3A_105 : vector<1x1x256x64xbf16> to vector<256x64xbf16>
    %convert_element_type3A_107 = arith.extf %get3A_106 : vector<256x64xbf16> to vector<256x64xf32>
    %get3A_108 = arith.constant 0 : index
    %get3A_109 = arith.constant 0 : index
    %get3A_110 = arith.constant 0 : index
    %get3A_111 = arith.constant 0 : index
    %get3A_112 = vector.load %arg4[%get3A_108, %get3A_109, %get3A_110, %get3A_111] : memref<1x6x1024x64xbf16, #tpu.memory_space<vmem>>, vector<1x1x256x64xbf16>
    %get3A_113 = vector.shape_cast %get3A_112 : vector<1x1x256x64xbf16> to vector<256x64xbf16>
    %convert_element_type3A_114 = arith.extf %get3A_113 : vector<256x64xbf16> to vector<256x64xf32>
    %gt3A = arith.constant 0.000000e+00 : f32
    %gt3A_115 = vector.broadcast %gt3A : f32 to vector<256x64xf32>
    %gt3A_116 = arith.cmpf ogt, %convert_element_type3A, %gt3A_115 : vector<256x64xf32>
    %add3A = arith.constant 1.000000e+00 : f32
    %add3A_117 = vector.broadcast %add3A : f32 to vector<256x64xf32>
    %add3A_118 = arith.addf %convert_element_type3A, %add3A_117 : vector<256x64xf32>
    %exp3A = math.exp %convert_element_type3A : vector<256x64xf32>
    %select_n3A = arith.select %gt3A_116, %add3A_118, %exp3A : vector<256x64xi1>, vector<256x64xf32>
    %dot_general3A = arith.constant dense<0.000000e+00> : vector<256x64xf32>
    %dot_general3A_119 = tpu.matmul %select_n3A, %broadcast_in_dim3A_0, %dot_general3A {dimension_numbers = #tpu.dot_dimension_numbers<[1], [0], [0], [1], [0, 0, 1, 1], [], []>, transpose_lhs_hint = false} : vector<256x64xf32>, vector<64x64xf32>, vector<256x64xf32> -> vector<256x64xf32>
    %mul3A = vector.broadcast %broadcast_in_dim3A_12 : vector<1x64xf32> to vector<256x64xf32>
    %mul3A_120 = arith.mulf %select_n3A, %mul3A : vector<256x64xf32>
    %reduce_sum3A = arith.constant dense<0.000000e+00> : vector<256xf32>
    %reduce_sum3A_121 = vector.multi_reduction <add>, %mul3A_120, %reduce_sum3A [1] : vector<256x64xf32> to vector<256xf32>
    %broadcast_in_dim3A_122 = vector.shape_cast %reduce_sum3A_121 : vector<256xf32> to vector<256x1xf32>
    %integer_pow3A = arith.constant 1.000000e+00 : f32
    %integer_pow3A_123 = vector.broadcast %integer_pow3A : f32 to vector<256x1xf32>
    %integer_pow3A_124 = arith.divf %integer_pow3A_123, %broadcast_in_dim3A_122 : vector<256x1xf32>
    %mul3A_125 = vector.broadcast %integer_pow3A_124 : vector<256x1xf32> to vector<256x64xf32>
    %mul3A_126 = arith.mulf %dot_general3A_119, %mul3A_125 : vector<256x64xf32>
    %dot_general3A_127 = arith.constant dense<0.000000e+00> : vector<256x256xf32>
    %dot_general3A_128 = tpu.matmul %convert_element_type3A, %convert_element_type3A_107, %dot_general3A_127 {dimension_numbers = #tpu.dot_dimension_numbers<[1], [1], [0], [0], [0, 0, 1, 0], [], []>, transpose_lhs_hint = false} : vector<256x64xf32>, vector<256x64xf32>, vector<256x256xf32> -> vector<256x256xf32>
    %mul3A_129 = arith.constant 1.250000e-01 : f32
    %mul3A_130 = vector.broadcast %mul3A_129 : f32 to vector<256x256xf32>
    %mul3A_131 = arith.mulf %dot_general3A_128, %mul3A_130 : vector<256x256xf32>
    %exp3A_132 = math.exp %mul3A_131 : vector<256x256xf32>
    %concatenate3A = tpu.concatenate %convert_element_type3A_114, %broadcast_in_dim3A_94 in 1 : vector<256x64xf32>, vector<256x1xf32> -> vector<256x65xf32>
    %dot_general3A_133 = arith.constant dense<0.000000e+00> : vector<256x65xf32>
    %dot_general3A_134 = tpu.matmul %exp3A_132, %concatenate3A, %dot_general3A_133 {dimension_numbers = #tpu.dot_dimension_numbers<[1], [0], [0], [1], [0, 0, 1, 1], [], []>, transpose_lhs_hint = false} : vector<256x256xf32>, vector<256x65xf32>, vector<256x65xf32> -> vector<256x65xf32>
    %slice3A = vector.extract_strided_slice %dot_general3A_134 {offsets = [0, 0], sizes = [256, 64], strides = [1, 1]} : vector<256x65xf32> to vector<256x64xf32>
    %slice3A_135 = vector.extract_strided_slice %dot_general3A_134 {offsets = [0, 64], sizes = [256, 1], strides = [1, 1]} : vector<256x65xf32> to vector<256x1xf32>
    %integer_pow3A_136 = arith.constant 1.000000e+00 : f32
    %integer_pow3A_137 = vector.broadcast %integer_pow3A_136 : f32 to vector<256x1xf32>
    %integer_pow3A_138 = arith.divf %integer_pow3A_137, %slice3A_135 : vector<256x1xf32>
    %mul3A_139 = vector.broadcast %integer_pow3A_138 : vector<256x1xf32> to vector<256x64xf32>
    %mul3A_140 = arith.mulf %slice3A, %mul3A_139 : vector<256x64xf32>
    %gt3A_141 = arith.constant 0.000000e+00 : f32
    %gt3A_142 = vector.broadcast %gt3A_141 : f32 to vector<256x64xf32>
    %gt3A_143 = arith.cmpf ogt, %convert_element_type3A_107, %gt3A_142 : vector<256x64xf32>
    %add3A_144 = arith.constant 1.000000e+00 : f32
    %add3A_145 = vector.broadcast %add3A_144 : f32 to vector<256x64xf32>
    %add3A_146 = arith.addf %convert_element_type3A_107, %add3A_145 : vector<256x64xf32>
    %exp3A_147 = math.exp %convert_element_type3A_107 : vector<256x64xf32>
    %select_n3A_148 = arith.select %gt3A_143, %add3A_146, %exp3A_147 : vector<256x64xi1>, vector<256x64xf32>
    %dot_general3A_149 = arith.constant dense<0.000000e+00> : vector<64x64xf32>
    %dot_general3A_150 = tpu.matmul %select_n3A_148, %convert_element_type3A_114, %dot_general3A_149 {dimension_numbers = #tpu.dot_dimension_numbers<[0], [0], [1], [1], [0, 1, 1, 1], [], []>, transpose_lhs_hint = false} : vector<256x64xf32>, vector<256x64xf32>, vector<64x64xf32> -> vector<64x64xf32>
    %add3A_151 = arith.addf %broadcast_in_dim3A_0, %dot_general3A_150 : vector<64x64xf32>
    %reduce_sum3A_152 = arith.constant dense<0.000000e+00> : vector<64xf32>
    %reduce_sum3A_153 = vector.multi_reduction <add>, %select_n3A_148, %reduce_sum3A_152 [0] : vector<256x64xf32> to vector<64xf32>
    %broadcast_in_dim3A_154 = vector.shape_cast %reduce_sum3A_153 : vector<64xf32> to vector<1x64xf32>
    %add3A_155 = arith.addf %broadcast_in_dim3A_12, %broadcast_in_dim3A_154 : vector<1x64xf32>
    %mul3A_156 = vector.broadcast %logistic3A_32 : vector<1x64xf32> to vector<256x64xf32>
    %mul3A_157 = arith.mulf %mul3A_156, %mul3A_126 : vector<256x64xf32>
    %sub3A = arith.constant 1.000000e+00 : f32
    %sub3A_158 = vector.broadcast %sub3A : f32 to vector<1x64xf32>
    %sub3A_159 = arith.subf %sub3A_158, %logistic3A_32 : vector<1x64xf32>
    %mul3A_160 = vector.broadcast %sub3A_159 : vector<1x64xf32> to vector<256x64xf32>
    %mul3A_161 = arith.mulf %mul3A_160, %mul3A_140 : vector<256x64xf32>
    %add3A_162 = arith.addf %mul3A_157, %mul3A_161 : vector<256x64xf32>
    %convert_element_type3A_163 = arith.truncf %add3A_162 : vector<256x64xf32> to vector<256x64xbf16>
    %swap3A = arith.constant 0 : index
    %swap3A_164 = arith.constant 0 : index
    %swap3A_165 = arith.constant 0 : index
    %swap3A_166 = arith.constant 0 : index
    %swap3A_167 = arith.constant 0 : index
    %swap3A_168 = vector.load %arg6[%swap3A, %swap3A_164, %swap3A_165, %swap3A_166, %swap3A_167] : memref<1x4x6x256x64xbf16, #tpu.memory_space<vmem>>, vector<1x1x1x256x64xbf16>
    %swap3A_169 = vector.shape_cast %swap3A_168 : vector<1x1x1x256x64xbf16> to vector<256x64xbf16>
    %swap3A_170 = vector.shape_cast %convert_element_type3A_163 : vector<256x64xbf16> to vector<1x1x1x256x64xbf16>
    tpu.vector_store %arg6[%swap3A, %swap3A_164, %swap3A_165, %swap3A_166, %swap3A_167], %swap3A_170 {strides = array<i32>} : memref<1x4x6x256x64xbf16, #tpu.memory_space<vmem>>, vector<1x1x1x256x64xbf16>,
    %get3A_171 = arith.constant 0 : index
    %get3A_172 = arith.constant 1 : index
    %get3A_173 = arith.constant 0 : index
    %get3A_174 = arith.constant 0 : index
    %get3A_175 = vector.load %arg2[%get3A_171, %get3A_172, %get3A_173, %get3A_174] : memref<1x6x1024x64xbf16, #tpu.memory_space<vmem>>, vector<1x1x256x64xbf16>
    %get3A_176 = vector.shape_cast %get3A_175 : vector<1x1x256x64xbf16> to vector<256x64xbf16>
    %convert_element_type3A_177 = arith.extf %get3A_176 : vector<256x64xbf16> to vector<256x64xf32>
    %get3A_178 = arith.constant 0 : index
    %get3A_179 = arith.constant 1 : index
    %get3A_180 = arith.constant 0 : index
    %get3A_181 = arith.constant 0 : index
    %get3A_182 = vector.load %arg3[%get3A_178, %get3A_179, %get3A_180, %get3A_181] : memref<1x6x1024x64xbf16, #tpu.memory_space<vmem>>, vector<1x1x256x64xbf16>
    %get3A_183 = vector.shape_cast %get3A_182 : vector<1x1x256x64xbf16> to vector<256x64xbf16>
    %convert_element_type3A_184 = arith.extf %get3A_183 : vector<256x64xbf16> to vector<256x64xf32>
    %get3A_185 = arith.constant 0 : index
    %get3A_186 = arith.constant 1 : index
    %get3A_187 = arith.constant 0 : index
    %get3A_188 = arith.constant 0 : index
    %get3A_189 = vector.load %arg4[%get3A_185, %get3A_186, %get3A_187, %get3A_188] : memref<1x6x1024x64xbf16, #tpu.memory_space<vmem>>, vector<1x1x256x64xbf16>
    %get3A_190 = vector.shape_cast %get3A_189 : vector<1x1x256x64xbf16> to vector<256x64xbf16>
    %convert_element_type3A_191 = arith.extf %get3A_190 : vector<256x64xbf16> to vector<256x64xf32>
    %gt3A_192 = arith.constant 0.000000e+00 : f32
    %gt3A_193 = vector.broadcast %gt3A_192 : f32 to vector<256x64xf32>
    %gt3A_194 = arith.cmpf ogt, %convert_element_type3A_177, %gt3A_193 : vector<256x64xf32>
    %add3A_195 = arith.constant 1.000000e+00 : f32
    %add3A_196 = vector.broadcast %add3A_195 : f32 to vector<256x64xf32>
    %add3A_197 = arith.addf %convert_element_type3A_177, %add3A_196 : vector<256x64xf32>
    %exp3A_198 = math.exp %convert_element_type3A_177 : vector<256x64xf32>
    %select_n3A_199 = arith.select %gt3A_194, %add3A_197, %exp3A_198 : vector<256x64xi1>, vector<256x64xf32>
    %dot_general3A_200 = arith.constant dense<0.000000e+00> : vector<256x64xf32>
    %dot_general3A_201 = tpu.matmul %select_n3A_199, %broadcast_in_dim3A_2, %dot_general3A_200 {dimension_numbers = #tpu.dot_dimension_numbers<[1], [0], [0], [1], [0, 0, 1, 1], [], []>, transpose_lhs_hint = false} : vector<256x64xf32>, vector<64x64xf32>, vector<256x64xf32> -> vector<256x64xf32>
    %mul3A_202 = vector.broadcast %broadcast_in_dim3A_14 : vector<1x64xf32> to vector<256x64xf32>
    %mul3A_203 = arith.mulf %select_n3A_199, %mul3A_202 : vector<256x64xf32>
    %reduce_sum3A_204 = arith.constant dense<0.000000e+00> : vector<256xf32>
    %reduce_sum3A_205 = vector.multi_reduction <add>, %mul3A_203, %reduce_sum3A_204 [1] : vector<256x64xf32> to vector<256xf32>
    %broadcast_in_dim3A_206 = vector.shape_cast %reduce_sum3A_205 : vector<256xf32> to vector<256x1xf32>
    %integer_pow3A_207 = arith.constant 1.000000e+00 : f32
    %integer_pow3A_208 = vector.broadcast %integer_pow3A_207 : f32 to vector<256x1xf32>
    %integer_pow3A_209 = arith.divf %integer_pow3A_208, %broadcast_in_dim3A_206 : vector<256x1xf32>
    %mul3A_210 = vector.broadcast %integer_pow3A_209 : vector<256x1xf32> to vector<256x64xf32>
    %mul3A_211 = arith.mulf %dot_general3A_201, %mul3A_210 : vector<256x64xf32>
    %dot_general3A_212 = arith.constant dense<0.000000e+00> : vector<256x256xf32>
    %dot_general3A_213 = tpu.matmul %convert_element_type3A_177, %convert_element_type3A_184, %dot_general3A_212 {dimension_numbers = #tpu.dot_dimension_numbers<[1], [1], [0], [0], [0, 0, 1, 0], [], []>, transpose_lhs_hint = false} : vector<256x64xf32>, vector<256x64xf32>, vector<256x256xf32> -> vector<256x256xf32>
    %mul3A_214 = arith.constant 1.250000e-01 : f32
    %mul3A_215 = vector.broadcast %mul3A_214 : f32 to vector<256x256xf32>
    %mul3A_216 = arith.mulf %dot_general3A_213, %mul3A_215 : vector<256x256xf32>
    %exp3A_217 = math.exp %mul3A_216 : vector<256x256xf32>
    %concatenate3A_218 = tpu.concatenate %convert_element_type3A_191, %broadcast_in_dim3A_94 in 1 : vector<256x64xf32>, vector<256x1xf32> -> vector<256x65xf32>
    %dot_general3A_219 = arith.constant dense<0.000000e+00> : vector<256x65xf32>
    %dot_general3A_220 = tpu.matmul %exp3A_217, %concatenate3A_218, %dot_general3A_219 {dimension_numbers = #tpu.dot_dimension_numbers<[1], [0], [0], [1], [0, 0, 1, 1], [], []>, transpose_lhs_hint = false} : vector<256x256xf32>, vector<256x65xf32>, vector<256x65xf32> -> vector<256x65xf32>
    %slice3A_221 = vector.extract_strided_slice %dot_general3A_220 {offsets = [0, 0], sizes = [256, 64], strides = [1, 1]} : vector<256x65xf32> to vector<256x64xf32>
    %slice3A_222 = vector.extract_strided_slice %dot_general3A_220 {offsets = [0, 64], sizes = [256, 1], strides = [1, 1]} : vector<256x65xf32> to vector<256x1xf32>
    %integer_pow3A_223 = arith.constant 1.000000e+00 : f32
    %integer_pow3A_224 = vector.broadcast %integer_pow3A_223 : f32 to vector<256x1xf32>
    %integer_pow3A_225 = arith.divf %integer_pow3A_224, %slice3A_222 : vector<256x1xf32>
    %mul3A_226 = vector.broadcast %integer_pow3A_225 : vector<256x1xf32> to vector<256x64xf32>
    %mul3A_227 = arith.mulf %slice3A_221, %mul3A_226 : vector<256x64xf32>
    %gt3A_228 = arith.constant 0.000000e+00 : f32
    %gt3A_229 = vector.broadcast %gt3A_228 : f32 to vector<256x64xf32>
    %gt3A_230 = arith.cmpf ogt, %convert_element_type3A_184, %gt3A_229 : vector<256x64xf32>
    %add3A_231 = arith.constant 1.000000e+00 : f32
    %add3A_232 = vector.broadcast %add3A_231 : f32 to vector<256x64xf32>
    %add3A_233 = arith.addf %convert_element_type3A_184, %add3A_232 : vector<256x64xf32>
    %exp3A_234 = math.exp %convert_element_type3A_184 : vector<256x64xf32>
    %select_n3A_235 = arith.select %gt3A_230, %add3A_233, %exp3A_234 : vector<256x64xi1>, vector<256x64xf32>
    %dot_general3A_236 = arith.constant dense<0.000000e+00> : vector<64x64xf32>
    %dot_general3A_237 = tpu.matmul %select_n3A_235, %convert_element_type3A_191, %dot_general3A_236 {dimension_numbers = #tpu.dot_dimension_numbers<[0], [0], [1], [1], [0, 1, 1, 1], [], []>, transpose_lhs_hint = false} : vector<256x64xf32>, vector<256x64xf32>, vector<64x64xf32> -> vector<64x64xf32>
    %add3A_238 = arith.addf %broadcast_in_dim3A_2, %dot_general3A_237 : vector<64x64xf32>
    %reduce_sum3A_239 = arith.constant dense<0.000000e+00> : vector<64xf32>
    %reduce_sum3A_240 = vector.multi_reduction <add>, %select_n3A_235, %reduce_sum3A_239 [0] : vector<256x64xf32> to vector<64xf32>
    %broadcast_in_dim3A_241 = vector.shape_cast %reduce_sum3A_240 : vector<64xf32> to vector<1x64xf32>
    %add3A_242 = arith.addf %broadcast_in_dim3A_14, %broadcast_in_dim3A_241 : vector<1x64xf32>
    %mul3A_243 = vector.broadcast %logistic3A_44 : vector<1x64xf32> to vector<256x64xf32>
    %mul3A_244 = arith.mulf %mul3A_243, %mul3A_211 : vector<256x64xf32>
    %sub3A_245 = arith.constant 1.000000e+00 : f32
    %sub3A_246 = vector.broadcast %sub3A_245 : f32 to vector<1x64xf32>
    %sub3A_247 = arith.subf %sub3A_246, %logistic3A_44 : vector<1x64xf32>
    %mul3A_248 = vector.broadcast %sub3A_247 : vector<1x64xf32> to vector<256x64xf32>
    %mul3A_249 = arith.mulf %mul3A_248, %mul3A_227 : vector<256x64xf32>
    %add3A_250 = arith.addf %mul3A_244, %mul3A_249 : vector<256x64xf32>
    %convert_element_type3A_251 = arith.truncf %add3A_250 : vector<256x64xf32> to vector<256x64xbf16>
    %swap3A_252 = arith.constant 0 : index
    %swap3A_253 = arith.constant 0 : index
    %swap3A_254 = arith.constant 1 : index
    %swap3A_255 = arith.constant 0 : index
    %swap3A_256 = arith.constant 0 : index
    %swap3A_257 = vector.load %arg6[%swap3A_252, %swap3A_253, %swap3A_254, %swap3A_255, %swap3A_256] : memref<1x4x6x256x64xbf16, #tpu.memory_space<vmem>>, vector<1x1x1x256x64xbf16>
    %swap3A_258 = vector.shape_cast %swap3A_257 : vector<1x1x1x256x64xbf16> to vector<256x64xbf16>
    %swap3A_259 = vector.shape_cast %convert_element_type3A_251 : vector<256x64xbf16> to vector<1x1x1x256x64xbf16>
    tpu.vector_store %arg6[%swap3A_252, %swap3A_253, %swap3A_254, %swap3A_255, %swap3A_256], %swap3A_259 {strides = array<i32>} : memref<1x4x6x256x64xbf16, #tpu.memory_space<vmem>>, vector<1x1x1x256x64xbf16>,
    %get3A_260 = arith.constant 0 : index
    %get3A_261 = arith.constant 2 : index
    %get3A_262 = arith.constant 0 : index
    %get3A_263 = arith.constant 0 : index
    %get3A_264 = vector.load %arg2[%get3A_260, %get3A_261, %get3A_262, %get3A_263] : memref<1x6x1024x64xbf16, #tpu.memory_space<vmem>>, vector<1x1x256x64xbf16>
    %get3A_265 = vector.shape_cast %get3A_264 : vector<1x1x256x64xbf16> to vector<256x64xbf16>
    %convert_element_type3A_266 = arith.extf %get3A_265 : vector<256x64xbf16> to vector<256x64xf32>
    %get3A_267 = arith.constant 0 : index
    %get3A_268 = arith.constant 2 : index
    %get3A_269 = arith.constant 0 : index
    %get3A_270 = arith.constant 0 : index
    %get3A_271 = vector.load %arg3[%get3A_267, %get3A_268, %get3A_269, %get3A_270] : memref<1x6x1024x64xbf16, #tpu.memory_space<vmem>>, vector<1x1x256x64xbf16>
    %get3A_272 = vector.shape_cast %get3A_271 : vector<1x1x256x64xbf16> to vector<256x64xbf16>
    %convert_element_type3A_273 = arith.extf %get3A_272 : vector<256x64xbf16> to vector<256x64xf32>
    %get3A_274 = arith.constant 0 : index
    %get3A_275 = arith.constant 2 : index
    %get3A_276 = arith.constant 0 : index
    %get3A_277 = arith.constant 0 : index
    %get3A_278 = vector.load %arg4[%get3A_274, %get3A_275, %get3A_276, %get3A_277] : memref<1x6x1024x64xbf16, #tpu.memory_space<vmem>>, vector<1x1x256x64xbf16>
    %get3A_279 = vector.shape_cast %get3A_278 : vector<1x1x256x64xbf16> to vector<256x64xbf16>
    %convert_element_type3A_280 = arith.extf %get3A_279 : vector<256x64xbf16> to vector<256x64xf32>
    %gt3A_281 = arith.constant 0.000000e+00 : f32
    %gt3A_282 = vector.broadcast %gt3A_281 : f32 to vector<256x64xf32>
    %gt3A_283 = arith.cmpf ogt, %convert_element_type3A_266, %gt3A_282 : vector<256x64xf32>
    %add3A_284 = arith.constant 1.000000e+00 : f32
    %add3A_285 = vector.broadcast %add3A_284 : f32 to vector<256x64xf32>
    %add3A_286 = arith.addf %convert_element_type3A_266, %add3A_285 : vector<256x64xf32>
    %exp3A_287 = math.exp %convert_element_type3A_266 : vector<256x64xf32>
    %select_n3A_288 = arith.select %gt3A_283, %add3A_286, %exp3A_287 : vector<256x64xi1>, vector<256x64xf32>
    %dot_general3A_289 = arith.constant dense<0.000000e+00> : vector<256x64xf32>
    %dot_general3A_290 = tpu.matmul %select_n3A_288, %broadcast_in_dim3A_4, %dot_general3A_289 {dimension_numbers = #tpu.dot_dimension_numbers<[1], [0], [0], [1], [0, 0, 1, 1], [], []>, transpose_lhs_hint = false} : vector<256x64xf32>, vector<64x64xf32>, vector<256x64xf32> -> vector<256x64xf32>
    %mul3A_291 = vector.broadcast %broadcast_in_dim3A_16 : vector<1x64xf32> to vector<256x64xf32>
    %mul3A_292 = arith.mulf %select_n3A_288, %mul3A_291 : vector<256x64xf32>
    %reduce_sum3A_293 = arith.constant dense<0.000000e+00> : vector<256xf32>
    %reduce_sum3A_294 = vector.multi_reduction <add>, %mul3A_292, %reduce_sum3A_293 [1] : vector<256x64xf32> to vector<256xf32>
    %broadcast_in_dim3A_295 = vector.shape_cast %reduce_sum3A_294 : vector<256xf32> to vector<256x1xf32>
    %integer_pow3A_296 = arith.constant 1.000000e+00 : f32
    %integer_pow3A_297 = vector.broadcast %integer_pow3A_296 : f32 to vector<256x1xf32>
    %integer_pow3A_298 = arith.divf %integer_pow3A_297, %broadcast_in_dim3A_295 : vector<256x1xf32>
    %mul3A_299 = vector.broadcast %integer_pow3A_298 : vector<256x1xf32> to vector<256x64xf32>
    %mul3A_300 = arith.mulf %dot_general3A_290, %mul3A_299 : vector<256x64xf32>
    %dot_general3A_301 = arith.constant dense<0.000000e+00> : vector<256x256xf32>
    %dot_general3A_302 = tpu.matmul %convert_element_type3A_266, %convert_element_type3A_273, %dot_general3A_301 {dimension_numbers = #tpu.dot_dimension_numbers<[1], [1], [0], [0], [0, 0, 1, 0], [], []>, transpose_lhs_hint = false} : vector<256x64xf32>, vector<256x64xf32>, vector<256x256xf32> -> vector<256x256xf32>
    %mul3A_303 = arith.constant 1.250000e-01 : f32
    %mul3A_304 = vector.broadcast %mul3A_303 : f32 to vector<256x256xf32>
    %mul3A_305 = arith.mulf %dot_general3A_302, %mul3A_304 : vector<256x256xf32>
    %exp3A_306 = math.exp %mul3A_305 : vector<256x256xf32>
    %concatenate3A_307 = tpu.concatenate %convert_element_type3A_280, %broadcast_in_dim3A_94 in 1 : vector<256x64xf32>, vector<256x1xf32> -> vector<256x65xf32>
    %dot_general3A_308 = arith.constant dense<0.000000e+00> : vector<256x65xf32>
    %dot_general3A_309 = tpu.matmul %exp3A_306, %concatenate3A_307, %dot_general3A_308 {dimension_numbers = #tpu.dot_dimension_numbers<[1], [0], [0], [1], [0, 0, 1, 1], [], []>, transpose_lhs_hint = false} : vector<256x256xf32>, vector<256x65xf32>, vector<256x65xf32> -> vector<256x65xf32>
    %slice3A_310 = vector.extract_strided_slice %dot_general3A_309 {offsets = [0, 0], sizes = [256, 64], strides = [1, 1]} : vector<256x65xf32> to vector<256x64xf32>
    %slice3A_311 = vector.extract_strided_slice %dot_general3A_309 {offsets = [0, 64], sizes = [256, 1], strides = [1, 1]} : vector<256x65xf32> to vector<256x1xf32>
    %integer_pow3A_312 = arith.constant 1.000000e+00 : f32
    %integer_pow3A_313 = vector.broadcast %integer_pow3A_312 : f32 to vector<256x1xf32>
    %integer_pow3A_314 = arith.divf %integer_pow3A_313, %slice3A_311 : vector<256x1xf32>
    %mul3A_315 = vector.broadcast %integer_pow3A_314 : vector<256x1xf32> to vector<256x64xf32>
    %mul3A_316 = arith.mulf %slice3A_310, %mul3A_315 : vector<256x64xf32>
    %gt3A_317 = arith.constant 0.000000e+00 : f32
    %gt3A_318 = vector.broadcast %gt3A_317 : f32 to vector<256x64xf32>
    %gt3A_319 = arith.cmpf ogt, %convert_element_type3A_273, %gt3A_318 : vector<256x64xf32>
    %add3A_320 = arith.constant 1.000000e+00 : f32
    %add3A_321 = vector.broadcast %add3A_320 : f32 to vector<256x64xf32>
    %add3A_322 = arith.addf %convert_element_type3A_273, %add3A_321 : vector<256x64xf32>
    %exp3A_323 = math.exp %convert_element_type3A_273 : vector<256x64xf32>
    %select_n3A_324 = arith.select %gt3A_319, %add3A_322, %exp3A_323 : vector<256x64xi1>, vector<256x64xf32>
    %dot_general3A_325 = arith.constant dense<0.000000e+00> : vector<64x64xf32>
    %dot_general3A_326 = tpu.matmul %select_n3A_324, %convert_element_type3A_280, %dot_general3A_325 {dimension_numbers = #tpu.dot_dimension_numbers<[0], [0], [1], [1], [0, 1, 1, 1], [], []>, transpose_lhs_hint = false} : vector<256x64xf32>, vector<256x64xf32>, vector<64x64xf32> -> vector<64x64xf32>
    %add3A_327 = arith.addf %broadcast_in_dim3A_4, %dot_general3A_326 : vector<64x64xf32>
    %reduce_sum3A_328 = arith.constant dense<0.000000e+00> : vector<64xf32>
    %reduce_sum3A_329 = vector.multi_reduction <add>, %select_n3A_324, %reduce_sum3A_328 [0] : vector<256x64xf32> to vector<64xf32>
    %broadcast_in_dim3A_330 = vector.shape_cast %reduce_sum3A_329 : vector<64xf32> to vector<1x64xf32>
    %add3A_331 = arith.addf %broadcast_in_dim3A_16, %broadcast_in_dim3A_330 : vector<1x64xf32>
    %mul3A_332 = vector.broadcast %logistic3A_56 : vector<1x64xf32> to vector<256x64xf32>
    %mul3A_333 = arith.mulf %mul3A_332, %mul3A_300 : vector<256x64xf32>
    %sub3A_334 = arith.constant 1.000000e+00 : f32
    %sub3A_335 = vector.broadcast %sub3A_334 : f32 to vector<1x64xf32>
    %sub3A_336 = arith.subf %sub3A_335, %logistic3A_56 : vector<1x64xf32>
    %mul3A_337 = vector.broadcast %sub3A_336 : vector<1x64xf32> to vector<256x64xf32>
    %mul3A_338 = arith.mulf %mul3A_337, %mul3A_316 : vector<256x64xf32>
    %add3A_339 = arith.addf %mul3A_333, %mul3A_338 : vector<256x64xf32>
    %convert_element_type3A_340 = arith.truncf %add3A_339 : vector<256x64xf32> to vector<256x64xbf16>
    %swap3A_341 = arith.constant 0 : index
    %swap3A_342 = arith.constant 0 : index
    %swap3A_343 = arith.constant 2 : index
    %swap3A_344 = arith.constant 0 : index
    %swap3A_345 = arith.constant 0 : index
    %swap3A_346 = vector.load %arg6[%swap3A_341, %swap3A_342, %swap3A_343, %swap3A_344, %swap3A_345] : memref<1x4x6x256x64xbf16, #tpu.memory_space<vmem>>, vector<1x1x1x256x64xbf16>
    %swap3A_347 = vector.shape_cast %swap3A_346 : vector<1x1x1x256x64xbf16> to vector<256x64xbf16>
    %swap3A_348 = vector.shape_cast %convert_element_type3A_340 : vector<256x64xbf16> to vector<1x1x1x256x64xbf16>
    tpu.vector_store %arg6[%swap3A_341, %swap3A_342, %swap3A_343, %swap3A_344, %swap3A_345], %swap3A_348 {strides = array<i32>} : memref<1x4x6x256x64xbf16, #tpu.memory_space<vmem>>, vector<1x1x1x256x64xbf16>,
    %get3A_349 = arith.constant 0 : index
    %get3A_350 = arith.constant 3 : index
    %get3A_351 = arith.constant 0 : index
    %get3A_352 = arith.constant 0 : index
    %get3A_353 = vector.load %arg2[%get3A_349, %get3A_350, %get3A_351, %get3A_352] : memref<1x6x1024x64xbf16, #tpu.memory_space<vmem>>, vector<1x1x256x64xbf16>
    %get3A_354 = vector.shape_cast %get3A_353 : vector<1x1x256x64xbf16> to vector<256x64xbf16>
    %convert_element_type3A_355 = arith.extf %get3A_354 : vector<256x64xbf16> to vector<256x64xf32>
    %get3A_356 = arith.constant 0 : index
    %get3A_357 = arith.constant 3 : index
    %get3A_358 = arith.constant 0 : index
    %get3A_359 = arith.constant 0 : index
    %get3A_360 = vector.load %arg3[%get3A_356, %get3A_357, %get3A_358, %get3A_359] : memref<1x6x1024x64xbf16, #tpu.memory_space<vmem>>, vector<1x1x256x64xbf16>
    %get3A_361 = vector.shape_cast %get3A_360 : vector<1x1x256x64xbf16> to vector<256x64xbf16>
    %convert_element_type3A_362 = arith.extf %get3A_361 : vector<256x64xbf16> to vector<256x64xf32>
    %get3A_363 = arith.constant 0 : index
    %get3A_364 = arith.constant 3 : index
    %get3A_365 = arith.constant 0 : index
    %get3A_366 = arith.constant 0 : index
    %get3A_367 = vector.load %arg4[%get3A_363, %get3A_364, %get3A_365, %get3A_366] : memref<1x6x1024x64xbf16, #tpu.memory_space<vmem>>, vector<1x1x256x64xbf16>
    %get3A_368 = vector.shape_cast %get3A_367 : vector<1x1x256x64xbf16> to vector<256x64xbf16>
    %convert_element_type3A_369 = arith.extf %get3A_368 : vector<256x64xbf16> to vector<256x64xf32>
    %gt3A_370 = arith.constant 0.000000e+00 : f32
    %gt3A_371 = vector.broadcast %gt3A_370 : f32 to vector<256x64xf32>
    %gt3A_372 = arith.cmpf ogt, %convert_element_type3A_355, %gt3A_371 : vector<256x64xf32>
    %add3A_373 = arith.constant 1.000000e+00 : f32
    %add3A_374 = vector.broadcast %add3A_373 : f32 to vector<256x64xf32>
    %add3A_375 = arith.addf %convert_element_type3A_355, %add3A_374 : vector<256x64xf32>
    %exp3A_376 = math.exp %convert_element_type3A_355 : vector<256x64xf32>
    %select_n3A_377 = arith.select %gt3A_372, %add3A_375, %exp3A_376 : vector<256x64xi1>, vector<256x64xf32>
    %dot_general3A_378 = arith.constant dense<0.000000e+00> : vector<256x64xf32>
    %dot_general3A_379 = tpu.matmul %select_n3A_377, %broadcast_in_dim3A_6, %dot_general3A_378 {dimension_numbers = #tpu.dot_dimension_numbers<[1], [0], [0], [1], [0, 0, 1, 1], [], []>, transpose_lhs_hint = false} : vector<256x64xf32>, vector<64x64xf32>, vector<256x64xf32> -> vector<256x64xf32>
    %mul3A_380 = vector.broadcast %broadcast_in_dim3A_18 : vector<1x64xf32> to vector<256x64xf32>
    %mul3A_381 = arith.mulf %select_n3A_377, %mul3A_380 : vector<256x64xf32>
    %reduce_sum3A_382 = arith.constant dense<0.000000e+00> : vector<256xf32>
    %reduce_sum3A_383 = vector.multi_reduction <add>, %mul3A_381, %reduce_sum3A_382 [1] : vector<256x64xf32> to vector<256xf32>
    %broadcast_in_dim3A_384 = vector.shape_cast %reduce_sum3A_383 : vector<256xf32> to vector<256x1xf32>
    %integer_pow3A_385 = arith.constant 1.000000e+00 : f32
    %integer_pow3A_386 = vector.broadcast %integer_pow3A_385 : f32 to vector<256x1xf32>
    %integer_pow3A_387 = arith.divf %integer_pow3A_386, %broadcast_in_dim3A_384 : vector<256x1xf32>
    %mul3A_388 = vector.broadcast %integer_pow3A_387 : vector<256x1xf32> to vector<256x64xf32>
    %mul3A_389 = arith.mulf %dot_general3A_379, %mul3A_388 : vector<256x64xf32>
    %dot_general3A_390 = arith.constant dense<0.000000e+00> : vector<256x256xf32>
    %dot_general3A_391 = tpu.matmul %convert_element_type3A_355, %convert_element_type3A_362, %dot_general3A_390 {dimension_numbers = #tpu.dot_dimension_numbers<[1], [1], [0], [0], [0, 0, 1, 0], [], []>, transpose_lhs_hint = false} : vector<256x64xf32>, vector<256x64xf32>, vector<256x256xf32> -> vector<256x256xf32>
    %mul3A_392 = arith.constant 1.250000e-01 : f32
    %mul3A_393 = vector.broadcast %mul3A_392 : f32 to vector<256x256xf32>
    %mul3A_394 = arith.mulf %dot_general3A_391, %mul3A_393 : vector<256x256xf32>
    %exp3A_395 = math.exp %mul3A_394 : vector<256x256xf32>
    %concatenate3A_396 = tpu.concatenate %convert_element_type3A_369, %broadcast_in_dim3A_94 in 1 : vector<256x64xf32>, vector<256x1xf32> -> vector<256x65xf32>
    %dot_general3A_397 = arith.constant dense<0.000000e+00> : vector<256x65xf32>
    %dot_general3A_398 = tpu.matmul %exp3A_395, %concatenate3A_396, %dot_general3A_397 {dimension_numbers = #tpu.dot_dimension_numbers<[1], [0], [0], [1], [0, 0, 1, 1], [], []>, transpose_lhs_hint = false} : vector<256x256xf32>, vector<256x65xf32>, vector<256x65xf32> -> vector<256x65xf32>
    %slice3A_399 = vector.extract_strided_slice %dot_general3A_398 {offsets = [0, 0], sizes = [256, 64], strides = [1, 1]} : vector<256x65xf32> to vector<256x64xf32>
    %slice3A_400 = vector.extract_strided_slice %dot_general3A_398 {offsets = [0, 64], sizes = [256, 1], strides = [1, 1]} : vector<256x65xf32> to vector<256x1xf32>
    %integer_pow3A_401 = arith.constant 1.000000e+00 : f32
    %integer_pow3A_402 = vector.broadcast %integer_pow3A_401 : f32 to vector<256x1xf32>
    %integer_pow3A_403 = arith.divf %integer_pow3A_402, %slice3A_400 : vector<256x1xf32>
    %mul3A_404 = vector.broadcast %integer_pow3A_403 : vector<256x1xf32> to vector<256x64xf32>
    %mul3A_405 = arith.mulf %slice3A_399, %mul3A_404 : vector<256x64xf32>
    %gt3A_406 = arith.constant 0.000000e+00 : f32
    %gt3A_407 = vector.broadcast %gt3A_406 : f32 to vector<256x64xf32>
    %gt3A_408 = arith.cmpf ogt, %convert_element_type3A_362, %gt3A_407 : vector<256x64xf32>
    %add3A_409 = arith.constant 1.000000e+00 : f32
    %add3A_410 = vector.broadcast %add3A_409 : f32 to vector<256x64xf32>
    %add3A_411 = arith.addf %convert_element_type3A_362, %add3A_410 : vector<256x64xf32>
    %exp3A_412 = math.exp %convert_element_type3A_362 : vector<256x64xf32>
    %select_n3A_413 = arith.select %gt3A_408, %add3A_411, %exp3A_412 : vector<256x64xi1>, vector<256x64xf32>
    %dot_general3A_414 = arith.constant dense<0.000000e+00> : vector<64x64xf32>
    %dot_general3A_415 = tpu.matmul %select_n3A_413, %convert_element_type3A_369, %dot_general3A_414 {dimension_numbers = #tpu.dot_dimension_numbers<[0], [0], [1], [1], [0, 1, 1, 1], [], []>, transpose_lhs_hint = false} : vector<256x64xf32>, vector<256x64xf32>, vector<64x64xf32> -> vector<64x64xf32>
    %add3A_416 = arith.addf %broadcast_in_dim3A_6, %dot_general3A_415 : vector<64x64xf32>
    %reduce_sum3A_417 = arith.constant dense<0.000000e+00> : vector<64xf32>
    %reduce_sum3A_418 = vector.multi_reduction <add>, %select_n3A_413, %reduce_sum3A_417 [0] : vector<256x64xf32> to vector<64xf32>
    %broadcast_in_dim3A_419 = vector.shape_cast %reduce_sum3A_418 : vector<64xf32> to vector<1x64xf32>
    %add3A_420 = arith.addf %broadcast_in_dim3A_18, %broadcast_in_dim3A_419 : vector<1x64xf32>
    %mul3A_421 = vector.broadcast %logistic3A_68 : vector<1x64xf32> to vector<256x64xf32>
    %mul3A_422 = arith.mulf %mul3A_421, %mul3A_389 : vector<256x64xf32>
    %sub3A_423 = arith.constant 1.000000e+00 : f32
    %sub3A_424 = vector.broadcast %sub3A_423 : f32 to vector<1x64xf32>
    %sub3A_425 = arith.subf %sub3A_424, %logistic3A_68 : vector<1x64xf32>
    %mul3A_426 = vector.broadcast %sub3A_425 : vector<1x64xf32> to vector<256x64xf32>
    %mul3A_427 = arith.mulf %mul3A_426, %mul3A_405 : vector<256x64xf32>
    %add3A_428 = arith.addf %mul3A_422, %mul3A_427 : vector<256x64xf32>
    %convert_element_type3A_429 = arith.truncf %add3A_428 : vector<256x64xf32> to vector<256x64xbf16>
    %swap3A_430 = arith.constant 0 : index
    %swap3A_431 = arith.constant 0 : index
    %swap3A_432 = arith.constant 3 : index
    %swap3A_433 = arith.constant 0 : index
    %swap3A_434 = arith.constant 0 : index
    %swap3A_435 = vector.load %arg6[%swap3A_430, %swap3A_431, %swap3A_432, %swap3A_433, %swap3A_434] : memref<1x4x6x256x64xbf16, #tpu.memory_space<vmem>>, vector<1x1x1x256x64xbf16>
    %swap3A_436 = vector.shape_cast %swap3A_435 : vector<1x1x1x256x64xbf16> to vector<256x64xbf16>
    %swap3A_437 = vector.shape_cast %convert_element_type3A_429 : vector<256x64xbf16> to vector<1x1x1x256x64xbf16>
    tpu.vector_store %arg6[%swap3A_430, %swap3A_431, %swap3A_432, %swap3A_433, %swap3A_434], %swap3A_437 {strides = array<i32>} : memref<1x4x6x256x64xbf16, #tpu.memory_space<vmem>>, vector<1x1x1x256x64xbf16>,
    %get3A_438 = arith.constant 0 : index
    %get3A_439 = arith.constant 4 : index
    %get3A_440 = arith.constant 0 : index
    %get3A_441 = arith.constant 0 : index
    %get3A_442 = vector.load %arg2[%get3A_438, %get3A_439, %get3A_440, %get3A_441] : memref<1x6x1024x64xbf16, #tpu.memory_space<vmem>>, vector<1x1x256x64xbf16>
    %get3A_443 = vector.shape_cast %get3A_442 : vector<1x1x256x64xbf16> to vector<256x64xbf16>
    %convert_element_type3A_444 = arith.extf %get3A_443 : vector<256x64xbf16> to vector<256x64xf32>
    %get3A_445 = arith.constant 0 : index
    %get3A_446 = arith.constant 4 : index
    %get3A_447 = arith.constant 0 : index
    %get3A_448 = arith.constant 0 : index
    %get3A_449 = vector.load %arg3[%get3A_445, %get3A_446, %get3A_447, %get3A_448] : memref<1x6x1024x64xbf16, #tpu.memory_space<vmem>>, vector<1x1x256x64xbf16>
    %get3A_450 = vector.shape_cast %get3A_449 : vector<1x1x256x64xbf16> to vector<256x64xbf16>
    %convert_element_type3A_451 = arith.extf %get3A_450 : vector<256x64xbf16> to vector<256x64xf32>
    %get3A_452 = arith.constant 0 : index
    %get3A_453 = arith.constant 4 : index
    %get3A_454 = arith.constant 0 : index
    %get3A_455 = arith.constant 0 : index
    %get3A_456 = vector.load %arg4[%get3A_452, %get3A_453, %get3A_454, %get3A_455] : memref<1x6x1024x64xbf16, #tpu.memory_space<vmem>>, vector<1x1x256x64xbf16>
    %get3A_457 = vector.shape_cast %get3A_456 : vector<1x1x256x64xbf16> to vector<256x64xbf16>
    %convert_element_type3A_458 = arith.extf %get3A_457 : vector<256x64xbf16> to vector<256x64xf32>
    %gt3A_459 = arith.constant 0.000000e+00 : f32
    %gt3A_460 = vector.broadcast %gt3A_459 : f32 to vector<256x64xf32>
    %gt3A_461 = arith.cmpf ogt, %convert_element_type3A_444, %gt3A_460 : vector<256x64xf32>
    %add3A_462 = arith.constant 1.000000e+00 : f32
    %add3A_463 = vector.broadcast %add3A_462 : f32 to vector<256x64xf32>
    %add3A_464 = arith.addf %convert_element_type3A_444, %add3A_463 : vector<256x64xf32>
    %exp3A_465 = math.exp %convert_element_type3A_444 : vector<256x64xf32>
    %select_n3A_466 = arith.select %gt3A_461, %add3A_464, %exp3A_465 : vector<256x64xi1>, vector<256x64xf32>
    %dot_general3A_467 = arith.constant dense<0.000000e+00> : vector<256x64xf32>
    %dot_general3A_468 = tpu.matmul %select_n3A_466, %broadcast_in_dim3A_8, %dot_general3A_467 {dimension_numbers = #tpu.dot_dimension_numbers<[1], [0], [0], [1], [0, 0, 1, 1], [], []>, transpose_lhs_hint = false} : vector<256x64xf32>, vector<64x64xf32>, vector<256x64xf32> -> vector<256x64xf32>
    %mul3A_469 = vector.broadcast %broadcast_in_dim3A_20 : vector<1x64xf32> to vector<256x64xf32>
    %mul3A_470 = arith.mulf %select_n3A_466, %mul3A_469 : vector<256x64xf32>
    %reduce_sum3A_471 = arith.constant dense<0.000000e+00> : vector<256xf32>
    %reduce_sum3A_472 = vector.multi_reduction <add>, %mul3A_470, %reduce_sum3A_471 [1] : vector<256x64xf32> to vector<256xf32>
    %broadcast_in_dim3A_473 = vector.shape_cast %reduce_sum3A_472 : vector<256xf32> to vector<256x1xf32>
    %integer_pow3A_474 = arith.constant 1.000000e+00 : f32
    %integer_pow3A_475 = vector.broadcast %integer_pow3A_474 : f32 to vector<256x1xf32>
    %integer_pow3A_476 = arith.divf %integer_pow3A_475, %broadcast_in_dim3A_473 : vector<256x1xf32>
    %mul3A_477 = vector.broadcast %integer_pow3A_476 : vector<256x1xf32> to vector<256x64xf32>
    %mul3A_478 = arith.mulf %dot_general3A_468, %mul3A_477 : vector<256x64xf32>
    %dot_general3A_479 = arith.constant dense<0.000000e+00> : vector<256x256xf32>
    %dot_general3A_480 = tpu.matmul %convert_element_type3A_444, %convert_element_type3A_451, %dot_general3A_479 {dimension_numbers = #tpu.dot_dimension_numbers<[1], [1], [0], [0], [0, 0, 1, 0], [], []>, transpose_lhs_hint = false} : vector<256x64xf32>, vector<256x64xf32>, vector<256x256xf32> -> vector<256x256xf32>
    %mul3A_481 = arith.constant 1.250000e-01 : f32
    %mul3A_482 = vector.broadcast %mul3A_481 : f32 to vector<256x256xf32>
    %mul3A_483 = arith.mulf %dot_general3A_480, %mul3A_482 : vector<256x256xf32>
    %exp3A_484 = math.exp %mul3A_483 : vector<256x256xf32>
    %concatenate3A_485 = tpu.concatenate %convert_element_type3A_458, %broadcast_in_dim3A_94 in 1 : vector<256x64xf32>, vector<256x1xf32> -> vector<256x65xf32>
    %dot_general3A_486 = arith.constant dense<0.000000e+00> : vector<256x65xf32>
    %dot_general3A_487 = tpu.matmul %exp3A_484, %concatenate3A_485, %dot_general3A_486 {dimension_numbers = #tpu.dot_dimension_numbers<[1], [0], [0], [1], [0, 0, 1, 1], [], []>, transpose_lhs_hint = false} : vector<256x256xf32>, vector<256x65xf32>, vector<256x65xf32> -> vector<256x65xf32>
    %slice3A_488 = vector.extract_strided_slice %dot_general3A_487 {offsets = [0, 0], sizes = [256, 64], strides = [1, 1]} : vector<256x65xf32> to vector<256x64xf32>
    %slice3A_489 = vector.extract_strided_slice %dot_general3A_487 {offsets = [0, 64], sizes = [256, 1], strides = [1, 1]} : vector<256x65xf32> to vector<256x1xf32>
    %integer_pow3A_490 = arith.constant 1.000000e+00 : f32
    %integer_pow3A_491 = vector.broadcast %integer_pow3A_490 : f32 to vector<256x1xf32>
    %integer_pow3A_492 = arith.divf %integer_pow3A_491, %slice3A_489 : vector<256x1xf32>
    %mul3A_493 = vector.broadcast %integer_pow3A_492 : vector<256x1xf32> to vector<256x64xf32>
    %mul3A_494 = arith.mulf %slice3A_488, %mul3A_493 : vector<256x64xf32>
    %gt3A_495 = arith.constant 0.000000e+00 : f32
    %gt3A_496 = vector.broadcast %gt3A_495 : f32 to vector<256x64xf32>
    %gt3A_497 = arith.cmpf ogt, %convert_element_type3A_451, %gt3A_496 : vector<256x64xf32>
    %add3A_498 = arith.constant 1.000000e+00 : f32
    %add3A_499 = vector.broadcast %add3A_498 : f32 to vector<256x64xf32>
    %add3A_500 = arith.addf %convert_element_type3A_451, %add3A_499 : vector<256x64xf32>
    %exp3A_501 = math.exp %convert_element_type3A_451 : vector<256x64xf32>
    %select_n3A_502 = arith.select %gt3A_497, %add3A_500, %exp3A_501 : vector<256x64xi1>, vector<256x64xf32>
    %dot_general3A_503 = arith.constant dense<0.000000e+00> : vector<64x64xf32>
    %dot_general3A_504 = tpu.matmul %select_n3A_502, %convert_element_type3A_458, %dot_general3A_503 {dimension_numbers = #tpu.dot_dimension_numbers<[0], [0], [1], [1], [0, 1, 1, 1], [], []>, transpose_lhs_hint = false} : vector<256x64xf32>, vector<256x64xf32>, vector<64x64xf32> -> vector<64x64xf32>
    %add3A_505 = arith.addf %broadcast_in_dim3A_8, %dot_general3A_504 : vector<64x64xf32>
    %reduce_sum3A_506 = arith.constant dense<0.000000e+00> : vector<64xf32>
    %reduce_sum3A_507 = vector.multi_reduction <add>, %select_n3A_502, %reduce_sum3A_506 [0] : vector<256x64xf32> to vector<64xf32>
    %broadcast_in_dim3A_508 = vector.shape_cast %reduce_sum3A_507 : vector<64xf32> to vector<1x64xf32>
    %add3A_509 = arith.addf %broadcast_in_dim3A_20, %broadcast_in_dim3A_508 : vector<1x64xf32>
    %mul3A_510 = vector.broadcast %logistic3A_80 : vector<1x64xf32> to vector<256x64xf32>
    %mul3A_511 = arith.mulf %mul3A_510, %mul3A_478 : vector<256x64xf32>
    %sub3A_512 = arith.constant 1.000000e+00 : f32
    %sub3A_513 = vector.broadcast %sub3A_512 : f32 to vector<1x64xf32>
    %sub3A_514 = arith.subf %sub3A_513, %logistic3A_80 : vector<1x64xf32>
    %mul3A_515 = vector.broadcast %sub3A_514 : vector<1x64xf32> to vector<256x64xf32>
    %mul3A_516 = arith.mulf %mul3A_515, %mul3A_494 : vector<256x64xf32>
    %add3A_517 = arith.addf %mul3A_511, %mul3A_516 : vector<256x64xf32>
    %convert_element_type3A_518 = arith.truncf %add3A_517 : vector<256x64xf32> to vector<256x64xbf16>
    %swap3A_519 = arith.constant 0 : index
    %swap3A_520 = arith.constant 0 : index
    %swap3A_521 = arith.constant 4 : index
    %swap3A_522 = arith.constant 0 : index
    %swap3A_523 = arith.constant 0 : index
    %swap3A_524 = vector.load %arg6[%swap3A_519, %swap3A_520, %swap3A_521, %swap3A_522, %swap3A_523] : memref<1x4x6x256x64xbf16, #tpu.memory_space<vmem>>, vector<1x1x1x256x64xbf16>
    %swap3A_525 = vector.shape_cast %swap3A_524 : vector<1x1x1x256x64xbf16> to vector<256x64xbf16>
    %swap3A_526 = vector.shape_cast %convert_element_type3A_518 : vector<256x64xbf16> to vector<1x1x1x256x64xbf16>
    tpu.vector_store %arg6[%swap3A_519, %swap3A_520, %swap3A_521, %swap3A_522, %swap3A_523], %swap3A_526 {strides = array<i32>} : memref<1x4x6x256x64xbf16, #tpu.memory_space<vmem>>, vector<1x1x1x256x64xbf16>,
    %get3A_527 = arith.constant 0 : index
    %get3A_528 = arith.constant 5 : index
    %get3A_529 = arith.constant 0 : index
    %get3A_530 = arith.constant 0 : index
    %get3A_531 = vector.load %arg2[%get3A_527, %get3A_528, %get3A_529, %get3A_530] : memref<1x6x1024x64xbf16, #tpu.memory_space<vmem>>, vector<1x1x256x64xbf16>
    %get3A_532 = vector.shape_cast %get3A_531 : vector<1x1x256x64xbf16> to vector<256x64xbf16>
    %convert_element_type3A_533 = arith.extf %get3A_532 : vector<256x64xbf16> to vector<256x64xf32>
    %get3A_534 = arith.constant 0 : index
    %get3A_535 = arith.constant 5 : index
    %get3A_536 = arith.constant 0 : index
    %get3A_537 = arith.constant 0 : index
    %get3A_538 = vector.load %arg3[%get3A_534, %get3A_535, %get3A_536, %get3A_537] : memref<1x6x1024x64xbf16, #tpu.memory_space<vmem>>, vector<1x1x256x64xbf16>
    %get3A_539 = vector.shape_cast %get3A_538 : vector<1x1x256x64xbf16> to vector<256x64xbf16>
    %convert_element_type3A_540 = arith.extf %get3A_539 : vector<256x64xbf16> to vector<256x64xf32>
    %get3A_541 = arith.constant 0 : index
    %get3A_542 = arith.constant 5 : index
    %get3A_543 = arith.constant 0 : index
    %get3A_544 = arith.constant 0 : index
    %get3A_545 = vector.load %arg4[%get3A_541, %get3A_542, %get3A_543, %get3A_544] : memref<1x6x1024x64xbf16, #tpu.memory_space<vmem>>, vector<1x1x256x64xbf16>
    %get3A_546 = vector.shape_cast %get3A_545 : vector<1x1x256x64xbf16> to vector<256x64xbf16>
    %convert_element_type3A_547 = arith.extf %get3A_546 : vector<256x64xbf16> to vector<256x64xf32>
    %gt3A_548 = arith.constant 0.000000e+00 : f32
    %gt3A_549 = vector.broadcast %gt3A_548 : f32 to vector<256x64xf32>
    %gt3A_550 = arith.cmpf ogt, %convert_element_type3A_533, %gt3A_549 : vector<256x64xf32>
    %add3A_551 = arith.constant 1.000000e+00 : f32
    %add3A_552 = vector.broadcast %add3A_551 : f32 to vector<256x64xf32>
    %add3A_553 = arith.addf %convert_element_type3A_533, %add3A_552 : vector<256x64xf32>
    %exp3A_554 = math.exp %convert_element_type3A_533 : vector<256x64xf32>
    %select_n3A_555 = arith.select %gt3A_550, %add3A_553, %exp3A_554 : vector<256x64xi1>, vector<256x64xf32>
    %dot_general3A_556 = arith.constant dense<0.000000e+00> : vector<256x64xf32>
    %dot_general3A_557 = tpu.matmul %select_n3A_555, %broadcast_in_dim3A_10, %dot_general3A_556 {dimension_numbers = #tpu.dot_dimension_numbers<[1], [0], [0], [1], [0, 0, 1, 1], [], []>, transpose_lhs_hint = false} : vector<256x64xf32>, vector<64x64xf32>, vector<256x64xf32> -> vector<256x64xf32>
    %mul3A_558 = vector.broadcast %broadcast_in_dim3A_22 : vector<1x64xf32> to vector<256x64xf32>
    %mul3A_559 = arith.mulf %select_n3A_555, %mul3A_558 : vector<256x64xf32>
    %reduce_sum3A_560 = arith.constant dense<0.000000e+00> : vector<256xf32>
    %reduce_sum3A_561 = vector.multi_reduction <add>, %mul3A_559, %reduce_sum3A_560 [1] : vector<256x64xf32> to vector<256xf32>
    %broadcast_in_dim3A_562 = vector.shape_cast %reduce_sum3A_561 : vector<256xf32> to vector<256x1xf32>
    %integer_pow3A_563 = arith.constant 1.000000e+00 : f32
    %integer_pow3A_564 = vector.broadcast %integer_pow3A_563 : f32 to vector<256x1xf32>
    %integer_pow3A_565 = arith.divf %integer_pow3A_564, %broadcast_in_dim3A_562 : vector<256x1xf32>
    %mul3A_566 = vector.broadcast %integer_pow3A_565 : vector<256x1xf32> to vector<256x64xf32>
    %mul3A_567 = arith.mulf %dot_general3A_557, %mul3A_566 : vector<256x64xf32>
    %dot_general3A_568 = arith.constant dense<0.000000e+00> : vector<256x256xf32>
    %dot_general3A_569 = tpu.matmul %convert_element_type3A_533, %convert_element_type3A_540, %dot_general3A_568 {dimension_numbers = #tpu.dot_dimension_numbers<[1], [1], [0], [0], [0, 0, 1, 0], [], []>, transpose_lhs_hint = false} : vector<256x64xf32>, vector<256x64xf32>, vector<256x256xf32> -> vector<256x256xf32>
    %mul3A_570 = arith.constant 1.250000e-01 : f32
    %mul3A_571 = vector.broadcast %mul3A_570 : f32 to vector<256x256xf32>
    %mul3A_572 = arith.mulf %dot_general3A_569, %mul3A_571 : vector<256x256xf32>
    %exp3A_573 = math.exp %mul3A_572 : vector<256x256xf32>
    %concatenate3A_574 = tpu.concatenate %convert_element_type3A_547, %broadcast_in_dim3A_94 in 1 : vector<256x64xf32>, vector<256x1xf32> -> vector<256x65xf32>
    %dot_general3A_575 = arith.constant dense<0.000000e+00> : vector<256x65xf32>
    %dot_general3A_576 = tpu.matmul %exp3A_573, %concatenate3A_574, %dot_general3A_575 {dimension_numbers = #tpu.dot_dimension_numbers<[1], [0], [0], [1], [0, 0, 1, 1], [], []>, transpose_lhs_hint = false} : vector<256x256xf32>, vector<256x65xf32>, vector<256x65xf32> -> vector<256x65xf32>
    %slice3A_577 = vector.extract_strided_slice %dot_general3A_576 {offsets = [0, 0], sizes = [256, 64], strides = [1, 1]} : vector<256x65xf32> to vector<256x64xf32>
    %slice3A_578 = vector.extract_strided_slice %dot_general3A_576 {offsets = [0, 64], sizes = [256, 1], strides = [1, 1]} : vector<256x65xf32> to vector<256x1xf32>
    %integer_pow3A_579 = arith.constant 1.000000e+00 : f32
    %integer_pow3A_580 = vector.broadcast %integer_pow3A_579 : f32 to vector<256x1xf32>
    %integer_pow3A_581 = arith.divf %integer_pow3A_580, %slice3A_578 : vector<256x1xf32>
    %mul3A_582 = vector.broadcast %integer_pow3A_581 : vector<256x1xf32> to vector<256x64xf32>
    %mul3A_583 = arith.mulf %slice3A_577, %mul3A_582 : vector<256x64xf32>
    %gt3A_584 = arith.constant 0.000000e+00 : f32
    %gt3A_585 = vector.broadcast %gt3A_584 : f32 to vector<256x64xf32>
    %gt3A_586 = arith.cmpf ogt, %convert_element_type3A_540, %gt3A_585 : vector<256x64xf32>
    %add3A_587 = arith.constant 1.000000e+00 : f32
    %add3A_588 = vector.broadcast %add3A_587 : f32 to vector<256x64xf32>
    %add3A_589 = arith.addf %convert_element_type3A_540, %add3A_588 : vector<256x64xf32>
    %exp3A_590 = math.exp %convert_element_type3A_540 : vector<256x64xf32>
    %select_n3A_591 = arith.select %gt3A_586, %add3A_589, %exp3A_590 : vector<256x64xi1>, vector<256x64xf32>
    %dot_general3A_592 = arith.constant dense<0.000000e+00> : vector<64x64xf32>
    %dot_general3A_593 = tpu.matmul %select_n3A_591, %convert_element_type3A_547, %dot_general3A_592 {dimension_numbers = #tpu.dot_dimension_numbers<[0], [0], [1], [1], [0, 1, 1, 1], [], []>, transpose_lhs_hint = false} : vector<256x64xf32>, vector<256x64xf32>, vector<64x64xf32> -> vector<64x64xf32>
    %add3A_594 = arith.addf %broadcast_in_dim3A_10, %dot_general3A_593 : vector<64x64xf32>
    %reduce_sum3A_595 = arith.constant dense<0.000000e+00> : vector<64xf32>
    %reduce_sum3A_596 = vector.multi_reduction <add>, %select_n3A_591, %reduce_sum3A_595 [0] : vector<256x64xf32> to vector<64xf32>
    %broadcast_in_dim3A_597 = vector.shape_cast %reduce_sum3A_596 : vector<64xf32> to vector<1x64xf32>
    %add3A_598 = arith.addf %broadcast_in_dim3A_22, %broadcast_in_dim3A_597 : vector<1x64xf32>
    %mul3A_599 = vector.broadcast %logistic3A_92 : vector<1x64xf32> to vector<256x64xf32>
    %mul3A_600 = arith.mulf %mul3A_599, %mul3A_567 : vector<256x64xf32>
    %sub3A_601 = arith.constant 1.000000e+00 : f32
    %sub3A_602 = vector.broadcast %sub3A_601 : f32 to vector<1x64xf32>
    %sub3A_603 = arith.subf %sub3A_602, %logistic3A_92 : vector<1x64xf32>
    %mul3A_604 = vector.broadcast %sub3A_603 : vector<1x64xf32> to vector<256x64xf32>
    %mul3A_605 = arith.mulf %mul3A_604, %mul3A_583 : vector<256x64xf32>
    %add3A_606 = arith.addf %mul3A_600, %mul3A_605 : vector<256x64xf32>
    %convert_element_type3A_607 = arith.truncf %add3A_606 : vector<256x64xf32> to vector<256x64xbf16>
    %swap3A_608 = arith.constant 0 : index
    %swap3A_609 = arith.constant 0 : index
    %swap3A_610 = arith.constant 5 : index
    %swap3A_611 = arith.constant 0 : index
    %swap3A_612 = arith.constant 0 : index
    %swap3A_613 = vector.load %arg6[%swap3A_608, %swap3A_609, %swap3A_610, %swap3A_611, %swap3A_612] : memref<1x4x6x256x64xbf16, #tpu.memory_space<vmem>>, vector<1x1x1x256x64xbf16>
    %swap3A_614 = vector.shape_cast %swap3A_613 : vector<1x1x1x256x64xbf16> to vector<256x64xbf16>
    %swap3A_615 = vector.shape_cast %convert_element_type3A_607 : vector<256x64xbf16> to vector<1x1x1x256x64xbf16>
    tpu.vector_store %arg6[%swap3A_608, %swap3A_609, %swap3A_610, %swap3A_611, %swap3A_612], %swap3A_615 {strides = array<i32>} : memref<1x4x6x256x64xbf16, #tpu.memory_space<vmem>>, vector<1x1x1x256x64xbf16>,
    %get3A_616 = arith.constant 0 : index
    %get3A_617 = arith.constant 0 : index
    %get3A_618 = arith.constant 256 : index
    %get3A_619 = arith.constant 0 : index
    %get3A_620 = vector.load %arg2[%get3A_616, %get3A_617, %get3A_618, %get3A_619] : memref<1x6x1024x64xbf16, #tpu.memory_space<vmem>>, vector<1x1x256x64xbf16>
    %get3A_621 = vector.shape_cast %get3A_620 : vector<1x1x256x64xbf16> to vector<256x64xbf16>
    %convert_element_type3A_622 = arith.extf %get3A_621 : vector<256x64xbf16> to vector<256x64xf32>
    %get3A_623 = arith.constant 0 : index
    %get3A_624 = arith.constant 0 : index
    %get3A_625 = arith.constant 256 : index
    %get3A_626 = arith.constant 0 : index
    %get3A_627 = vector.load %arg3[%get3A_623, %get3A_624, %get3A_625, %get3A_626] : memref<1x6x1024x64xbf16, #tpu.memory_space<vmem>>, vector<1x1x256x64xbf16>
    %get3A_628 = vector.shape_cast %get3A_627 : vector<1x1x256x64xbf16> to vector<256x64xbf16>
    %convert_element_type3A_629 = arith.extf %get3A_628 : vector<256x64xbf16> to vector<256x64xf32>
    %get3A_630 = arith.constant 0 : index
    %get3A_631 = arith.constant 0 : index
    %get3A_632 = arith.constant 256 : index
    %get3A_633 = arith.constant 0 : index
    %get3A_634 = vector.load %arg4[%get3A_630, %get3A_631, %get3A_632, %get3A_633] : memref<1x6x1024x64xbf16, #tpu.memory_space<vmem>>, vector<1x1x256x64xbf16>
    %get3A_635 = vector.shape_cast %get3A_634 : vector<1x1x256x64xbf16> to vector<256x64xbf16>
    %convert_element_type3A_636 = arith.extf %get3A_635 : vector<256x64xbf16> to vector<256x64xf32>
    %gt3A_637 = arith.constant 0.000000e+00 : f32
    %gt3A_638 = vector.broadcast %gt3A_637 : f32 to vector<256x64xf32>
    %gt3A_639 = arith.cmpf ogt, %convert_element_type3A_622, %gt3A_638 : vector<256x64xf32>
    %add3A_640 = arith.constant 1.000000e+00 : f32
    %add3A_641 = vector.broadcast %add3A_640 : f32 to vector<256x64xf32>
    %add3A_642 = arith.addf %convert_element_type3A_622, %add3A_641 : vector<256x64xf32>
    %exp3A_643 = math.exp %convert_element_type3A_622 : vector<256x64xf32>
    %select_n3A_644 = arith.select %gt3A_639, %add3A_642, %exp3A_643 : vector<256x64xi1>, vector<256x64xf32>
    %dot_general3A_645 = arith.constant dense<0.000000e+00> : vector<256x64xf32>
    %dot_general3A_646 = tpu.matmul %select_n3A_644, %add3A_151, %dot_general3A_645 {dimension_numbers = #tpu.dot_dimension_numbers<[1], [0], [0], [1], [0, 0, 1, 1], [], []>, transpose_lhs_hint = false} : vector<256x64xf32>, vector<64x64xf32>, vector<256x64xf32> -> vector<256x64xf32>
    %mul3A_647 = vector.broadcast %add3A_155 : vector<1x64xf32> to vector<256x64xf32>
    %mul3A_648 = arith.mulf %select_n3A_644, %mul3A_647 : vector<256x64xf32>
    %reduce_sum3A_649 = arith.constant dense<0.000000e+00> : vector<256xf32>
    %reduce_sum3A_650 = vector.multi_reduction <add>, %mul3A_648, %reduce_sum3A_649 [1] : vector<256x64xf32> to vector<256xf32>
    %broadcast_in_dim3A_651 = vector.shape_cast %reduce_sum3A_650 : vector<256xf32> to vector<256x1xf32>
    %integer_pow3A_652 = arith.constant 1.000000e+00 : f32
    %integer_pow3A_653 = vector.broadcast %integer_pow3A_652 : f32 to vector<256x1xf32>
    %integer_pow3A_654 = arith.divf %integer_pow3A_653, %broadcast_in_dim3A_651 : vector<256x1xf32>
    %mul3A_655 = vector.broadcast %integer_pow3A_654 : vector<256x1xf32> to vector<256x64xf32>
    %mul3A_656 = arith.mulf %dot_general3A_646, %mul3A_655 : vector<256x64xf32>
    %dot_general3A_657 = arith.constant dense<0.000000e+00> : vector<256x256xf32>
    %dot_general3A_658 = tpu.matmul %convert_element_type3A_622, %convert_element_type3A_629, %dot_general3A_657 {dimension_numbers = #tpu.dot_dimension_numbers<[1], [1], [0], [0], [0, 0, 1, 0], [], []>, transpose_lhs_hint = false} : vector<256x64xf32>, vector<256x64xf32>, vector<256x256xf32> -> vector<256x256xf32>
    %mul3A_659 = arith.constant 1.250000e-01 : f32
    %mul3A_660 = vector.broadcast %mul3A_659 : f32 to vector<256x256xf32>
    %mul3A_661 = arith.mulf %dot_general3A_658, %mul3A_660 : vector<256x256xf32>
    %exp3A_662 = math.exp %mul3A_661 : vector<256x256xf32>
    %concatenate3A_663 = tpu.concatenate %convert_element_type3A_636, %broadcast_in_dim3A_94 in 1 : vector<256x64xf32>, vector<256x1xf32> -> vector<256x65xf32>
    %dot_general3A_664 = arith.constant dense<0.000000e+00> : vector<256x65xf32>
    %dot_general3A_665 = tpu.matmul %exp3A_662, %concatenate3A_663, %dot_general3A_664 {dimension_numbers = #tpu.dot_dimension_numbers<[1], [0], [0], [1], [0, 0, 1, 1], [], []>, transpose_lhs_hint = false} : vector<256x256xf32>, vector<256x65xf32>, vector<256x65xf32> -> vector<256x65xf32>
    %slice3A_666 = vector.extract_strided_slice %dot_general3A_665 {offsets = [0, 0], sizes = [256, 64], strides = [1, 1]} : vector<256x65xf32> to vector<256x64xf32>
    %slice3A_667 = vector.extract_strided_slice %dot_general3A_665 {offsets = [0, 64], sizes = [256, 1], strides = [1, 1]} : vector<256x65xf32> to vector<256x1xf32>
    %integer_pow3A_668 = arith.constant 1.000000e+00 : f32
    %integer_pow3A_669 = vector.broadcast %integer_pow3A_668 : f32 to vector<256x1xf32>
    %integer_pow3A_670 = arith.divf %integer_pow3A_669, %slice3A_667 : vector<256x1xf32>
    %mul3A_671 = vector.broadcast %integer_pow3A_670 : vector<256x1xf32> to vector<256x64xf32>
    %mul3A_672 = arith.mulf %slice3A_666, %mul3A_671 : vector<256x64xf32>
    %gt3A_673 = arith.constant 0.000000e+00 : f32
    %gt3A_674 = vector.broadcast %gt3A_673 : f32 to vector<256x64xf32>
    %gt3A_675 = arith.cmpf ogt, %convert_element_type3A_629, %gt3A_674 : vector<256x64xf32>
    %add3A_676 = arith.constant 1.000000e+00 : f32
    %add3A_677 = vector.broadcast %add3A_676 : f32 to vector<256x64xf32>
    %add3A_678 = arith.addf %convert_element_type3A_629, %add3A_677 : vector<256x64xf32>
    %exp3A_679 = math.exp %convert_element_type3A_629 : vector<256x64xf32>
    %select_n3A_680 = arith.select %gt3A_675, %add3A_678, %exp3A_679 : vector<256x64xi1>, vector<256x64xf32>
    %dot_general3A_681 = arith.constant dense<0.000000e+00> : vector<64x64xf32>
    %dot_general3A_682 = tpu.matmul %select_n3A_680, %convert_element_type3A_636, %dot_general3A_681 {dimension_numbers = #tpu.dot_dimension_numbers<[0], [0], [1], [1], [0, 1, 1, 1], [], []>, transpose_lhs_hint = false} : vector<256x64xf32>, vector<256x64xf32>, vector<64x64xf32> -> vector<64x64xf32>
    %add3A_683 = arith.addf %add3A_151, %dot_general3A_682 : vector<64x64xf32>
    %reduce_sum3A_684 = arith.constant dense<0.000000e+00> : vector<64xf32>
    %reduce_sum3A_685 = vector.multi_reduction <add>, %select_n3A_680, %reduce_sum3A_684 [0] : vector<256x64xf32> to vector<64xf32>
    %broadcast_in_dim3A_686 = vector.shape_cast %reduce_sum3A_685 : vector<64xf32> to vector<1x64xf32>
    %add3A_687 = arith.addf %add3A_155, %broadcast_in_dim3A_686 : vector<1x64xf32>
    %mul3A_688 = vector.broadcast %logistic3A_32 : vector<1x64xf32> to vector<256x64xf32>
    %mul3A_689 = arith.mulf %mul3A_688, %mul3A_656 : vector<256x64xf32>
    %sub3A_690 = arith.constant 1.000000e+00 : f32
    %sub3A_691 = vector.broadcast %sub3A_690 : f32 to vector<1x64xf32>
    %sub3A_692 = arith.subf %sub3A_691, %logistic3A_32 : vector<1x64xf32>
    %mul3A_693 = vector.broadcast %sub3A_692 : vector<1x64xf32> to vector<256x64xf32>
    %mul3A_694 = arith.mulf %mul3A_693, %mul3A_672 : vector<256x64xf32>
    %add3A_695 = arith.addf %mul3A_689, %mul3A_694 : vector<256x64xf32>
    %convert_element_type3A_696 = arith.truncf %add3A_695 : vector<256x64xf32> to vector<256x64xbf16>
    %swap3A_697 = arith.constant 0 : index
    %swap3A_698 = arith.constant 1 : index
    %swap3A_699 = arith.constant 0 : index
    %swap3A_700 = arith.constant 0 : index
    %swap3A_701 = arith.constant 0 : index
    %swap3A_702 = vector.load %arg6[%swap3A_697, %swap3A_698, %swap3A_699, %swap3A_700, %swap3A_701] : memref<1x4x6x256x64xbf16, #tpu.memory_space<vmem>>, vector<1x1x1x256x64xbf16>
    %swap3A_703 = vector.shape_cast %swap3A_702 : vector<1x1x1x256x64xbf16> to vector<256x64xbf16>
    %swap3A_704 = vector.shape_cast %convert_element_type3A_696 : vector<256x64xbf16> to vector<1x1x1x256x64xbf16>
    tpu.vector_store %arg6[%swap3A_697, %swap3A_698, %swap3A_699, %swap3A_700, %swap3A_701], %swap3A_704 {strides = array<i32>} : memref<1x4x6x256x64xbf16, #tpu.memory_space<vmem>>, vector<1x1x1x256x64xbf16>,
    %get3A_705 = arith.constant 0 : index
    %get3A_706 = arith.constant 1 : index
    %get3A_707 = arith.constant 256 : index
    %get3A_708 = arith.constant 0 : index
    %get3A_709 = vector.load %arg2[%get3A_705, %get3A_706, %get3A_707, %get3A_708] : memref<1x6x1024x64xbf16, #tpu.memory_space<vmem>>, vector<1x1x256x64xbf16>
    %get3A_710 = vector.shape_cast %get3A_709 : vector<1x1x256x64xbf16> to vector<256x64xbf16>
    %convert_element_type3A_711 = arith.extf %get3A_710 : vector<256x64xbf16> to vector<256x64xf32>
    %get3A_712 = arith.constant 0 : index
    %get3A_713 = arith.constant 1 : index
    %get3A_714 = arith.constant 256 : index
    %get3A_715 = arith.constant 0 : index
    %get3A_716 = vector.load %arg3[%get3A_712, %get3A_713, %get3A_714, %get3A_715] : memref<1x6x1024x64xbf16, #tpu.memory_space<vmem>>, vector<1x1x256x64xbf16>
    %get3A_717 = vector.shape_cast %get3A_716 : vector<1x1x256x64xbf16> to vector<256x64xbf16>
    %convert_element_type3A_718 = arith.extf %get3A_717 : vector<256x64xbf16> to vector<256x64xf32>
    %get3A_719 = arith.constant 0 : index
    %get3A_720 = arith.constant 1 : index
    %get3A_721 = arith.constant 256 : index
    %get3A_722 = arith.constant 0 : index
    %get3A_723 = vector.load %arg4[%get3A_719, %get3A_720, %get3A_721, %get3A_722] : memref<1x6x1024x64xbf16, #tpu.memory_space<vmem>>, vector<1x1x256x64xbf16>
    %get3A_724 = vector.shape_cast %get3A_723 : vector<1x1x256x64xbf16> to vector<256x64xbf16>
    %convert_element_type3A_725 = arith.extf %get3A_724 : vector<256x64xbf16> to vector<256x64xf32>
    %gt3A_726 = arith.constant 0.000000e+00 : f32
    %gt3A_727 = vector.broadcast %gt3A_726 : f32 to vector<256x64xf32>
    %gt3A_728 = arith.cmpf ogt, %convert_element_type3A_711, %gt3A_727 : vector<256x64xf32>
    %add3A_729 = arith.constant 1.000000e+00 : f32
    %add3A_730 = vector.broadcast %add3A_729 : f32 to vector<256x64xf32>
    %add3A_731 = arith.addf %convert_element_type3A_711, %add3A_730 : vector<256x64xf32>
    %exp3A_732 = math.exp %convert_element_type3A_711 : vector<256x64xf32>
    %select_n3A_733 = arith.select %gt3A_728, %add3A_731, %exp3A_732 : vector<256x64xi1>, vector<256x64xf32>
    %dot_general3A_734 = arith.constant dense<0.000000e+00> : vector<256x64xf32>
    %dot_general3A_735 = tpu.matmul %select_n3A_733, %add3A_238, %dot_general3A_734 {dimension_numbers = #tpu.dot_dimension_numbers<[1], [0], [0], [1], [0, 0, 1, 1], [], []>, transpose_lhs_hint = false} : vector<256x64xf32>, vector<64x64xf32>, vector<256x64xf32> -> vector<256x64xf32>
    %mul3A_736 = vector.broadcast %add3A_242 : vector<1x64xf32> to vector<256x64xf32>
    %mul3A_737 = arith.mulf %select_n3A_733, %mul3A_736 : vector<256x64xf32>
    %reduce_sum3A_738 = arith.constant dense<0.000000e+00> : vector<256xf32>
    %reduce_sum3A_739 = vector.multi_reduction <add>, %mul3A_737, %reduce_sum3A_738 [1] : vector<256x64xf32> to vector<256xf32>
    %broadcast_in_dim3A_740 = vector.shape_cast %reduce_sum3A_739 : vector<256xf32> to vector<256x1xf32>
    %integer_pow3A_741 = arith.constant 1.000000e+00 : f32
    %integer_pow3A_742 = vector.broadcast %integer_pow3A_741 : f32 to vector<256x1xf32>
    %integer_pow3A_743 = arith.divf %integer_pow3A_742, %broadcast_in_dim3A_740 : vector<256x1xf32>
    %mul3A_744 = vector.broadcast %integer_pow3A_743 : vector<256x1xf32> to vector<256x64xf32>
    %mul3A_745 = arith.mulf %dot_general3A_735, %mul3A_744 : vector<256x64xf32>
    %dot_general3A_746 = arith.constant dense<0.000000e+00> : vector<256x256xf32>
    %dot_general3A_747 = tpu.matmul %convert_element_type3A_711, %convert_element_type3A_718, %dot_general3A_746 {dimension_numbers = #tpu.dot_dimension_numbers<[1], [1], [0], [0], [0, 0, 1, 0], [], []>, transpose_lhs_hint = false} : vector<256x64xf32>, vector<256x64xf32>, vector<256x256xf32> -> vector<256x256xf32>
    %mul3A_748 = arith.constant 1.250000e-01 : f32
    %mul3A_749 = vector.broadcast %mul3A_748 : f32 to vector<256x256xf32>
    %mul3A_750 = arith.mulf %dot_general3A_747, %mul3A_749 : vector<256x256xf32>
    %exp3A_751 = math.exp %mul3A_750 : vector<256x256xf32>
    %concatenate3A_752 = tpu.concatenate %convert_element_type3A_725, %broadcast_in_dim3A_94 in 1 : vector<256x64xf32>, vector<256x1xf32> -> vector<256x65xf32>
    %dot_general3A_753 = arith.constant dense<0.000000e+00> : vector<256x65xf32>
    %dot_general3A_754 = tpu.matmul %exp3A_751, %concatenate3A_752, %dot_general3A_753 {dimension_numbers = #tpu.dot_dimension_numbers<[1], [0], [0], [1], [0, 0, 1, 1], [], []>, transpose_lhs_hint = false} : vector<256x256xf32>, vector<256x65xf32>, vector<256x65xf32> -> vector<256x65xf32>
    %slice3A_755 = vector.extract_strided_slice %dot_general3A_754 {offsets = [0, 0], sizes = [256, 64], strides = [1, 1]} : vector<256x65xf32> to vector<256x64xf32>
    %slice3A_756 = vector.extract_strided_slice %dot_general3A_754 {offsets = [0, 64], sizes = [256, 1], strides = [1, 1]} : vector<256x65xf32> to vector<256x1xf32>
    %integer_pow3A_757 = arith.constant 1.000000e+00 : f32
    %integer_pow3A_758 = vector.broadcast %integer_pow3A_757 : f32 to vector<256x1xf32>
    %integer_pow3A_759 = arith.divf %integer_pow3A_758, %slice3A_756 : vector<256x1xf32>
    %mul3A_760 = vector.broadcast %integer_pow3A_759 : vector<256x1xf32> to vector<256x64xf32>
    %mul3A_761 = arith.mulf %slice3A_755, %mul3A_760 : vector<256x64xf32>
    %gt3A_762 = arith.constant 0.000000e+00 : f32
    %gt3A_763 = vector.broadcast %gt3A_762 : f32 to vector<256x64xf32>
    %gt3A_764 = arith.cmpf ogt, %convert_element_type3A_718, %gt3A_763 : vector<256x64xf32>
    %add3A_765 = arith.constant 1.000000e+00 : f32
    %add3A_766 = vector.broadcast %add3A_765 : f32 to vector<256x64xf32>
    %add3A_767 = arith.addf %convert_element_type3A_718, %add3A_766 : vector<256x64xf32>
    %exp3A_768 = math.exp %convert_element_type3A_718 : vector<256x64xf32>
    %select_n3A_769 = arith.select %gt3A_764, %add3A_767, %exp3A_768 : vector<256x64xi1>, vector<256x64xf32>
    %dot_general3A_770 = arith.constant dense<0.000000e+00> : vector<64x64xf32>
    %dot_general3A_771 = tpu.matmul %select_n3A_769, %convert_element_type3A_725, %dot_general3A_770 {dimension_numbers = #tpu.dot_dimension_numbers<[0], [0], [1], [1], [0, 1, 1, 1], [], []>, transpose_lhs_hint = false} : vector<256x64xf32>, vector<256x64xf32>, vector<64x64xf32> -> vector<64x64xf32>
    %add3A_772 = arith.addf %add3A_238, %dot_general3A_771 : vector<64x64xf32>
    %reduce_sum3A_773 = arith.constant dense<0.000000e+00> : vector<64xf32>
    %reduce_sum3A_774 = vector.multi_reduction <add>, %select_n3A_769, %reduce_sum3A_773 [0] : vector<256x64xf32> to vector<64xf32>
    %broadcast_in_dim3A_775 = vector.shape_cast %reduce_sum3A_774 : vector<64xf32> to vector<1x64xf32>
    %add3A_776 = arith.addf %add3A_242, %broadcast_in_dim3A_775 : vector<1x64xf32>
    %mul3A_777 = vector.broadcast %logistic3A_44 : vector<1x64xf32> to vector<256x64xf32>
    %mul3A_778 = arith.mulf %mul3A_777, %mul3A_745 : vector<256x64xf32>
    %sub3A_779 = arith.constant 1.000000e+00 : f32
    %sub3A_780 = vector.broadcast %sub3A_779 : f32 to vector<1x64xf32>
    %sub3A_781 = arith.subf %sub3A_780, %logistic3A_44 : vector<1x64xf32>
    %mul3A_782 = vector.broadcast %sub3A_781 : vector<1x64xf32> to vector<256x64xf32>
    %mul3A_783 = arith.mulf %mul3A_782, %mul3A_761 : vector<256x64xf32>
    %add3A_784 = arith.addf %mul3A_778, %mul3A_783 : vector<256x64xf32>
    %convert_element_type3A_785 = arith.truncf %add3A_784 : vector<256x64xf32> to vector<256x64xbf16>
    %swap3A_786 = arith.constant 0 : index
    %swap3A_787 = arith.constant 1 : index
    %swap3A_788 = arith.constant 1 : index
    %swap3A_789 = arith.constant 0 : index
    %swap3A_790 = arith.constant 0 : index
    %swap3A_791 = vector.load %arg6[%swap3A_786, %swap3A_787, %swap3A_788, %swap3A_789, %swap3A_790] : memref<1x4x6x256x64xbf16, #tpu.memory_space<vmem>>, vector<1x1x1x256x64xbf16>
    %swap3A_792 = vector.shape_cast %swap3A_791 : vector<1x1x1x256x64xbf16> to vector<256x64xbf16>
    %swap3A_793 = vector.shape_cast %convert_element_type3A_785 : vector<256x64xbf16> to vector<1x1x1x256x64xbf16>
    tpu.vector_store %arg6[%swap3A_786, %swap3A_787, %swap3A_788, %swap3A_789, %swap3A_790], %swap3A_793 {strides = array<i32>} : memref<1x4x6x256x64xbf16, #tpu.memory_space<vmem>>, vector<1x1x1x256x64xbf16>,
    %get3A_794 = arith.constant 0 : index
    %get3A_795 = arith.constant 2 : index
    %get3A_796 = arith.constant 256 : index
    %get3A_797 = arith.constant 0 : index
    %get3A_798 = vector.load %arg2[%get3A_794, %get3A_795, %get3A_796, %get3A_797] : memref<1x6x1024x64xbf16, #tpu.memory_space<vmem>>, vector<1x1x256x64xbf16>
    %get3A_799 = vector.shape_cast %get3A_798 : vector<1x1x256x64xbf16> to vector<256x64xbf16>
    %convert_element_type3A_800 = arith.extf %get3A_799 : vector<256x64xbf16> to vector<256x64xf32>
    %get3A_801 = arith.constant 0 : index
    %get3A_802 = arith.constant 2 : index
    %get3A_803 = arith.constant 256 : index
    %get3A_804 = arith.constant 0 : index
    %get3A_805 = vector.load %arg3[%get3A_801, %get3A_802, %get3A_803, %get3A_804] : memref<1x6x1024x64xbf16, #tpu.memory_space<vmem>>, vector<1x1x256x64xbf16>
    %get3A_806 = vector.shape_cast %get3A_805 : vector<1x1x256x64xbf16> to vector<256x64xbf16>
    %convert_element_type3A_807 = arith.extf %get3A_806 : vector<256x64xbf16> to vector<256x64xf32>
    %get3A_808 = arith.constant 0 : index
    %get3A_809 = arith.constant 2 : index
    %get3A_810 = arith.constant 256 : index
    %get3A_811 = arith.constant 0 : index
    %get3A_812 = vector.load %arg4[%get3A_808, %get3A_809, %get3A_810, %get3A_811] : memref<1x6x1024x64xbf16, #tpu.memory_space<vmem>>, vector<1x1x256x64xbf16>
    %get3A_813 = vector.shape_cast %get3A_812 : vector<1x1x256x64xbf16> to vector<256x64xbf16>
    %convert_element_type3A_814 = arith.extf %get3A_813 : vector<256x64xbf16> to vector<256x64xf32>
    %gt3A_815 = arith.constant 0.000000e+00 : f32
    %gt3A_816 = vector.broadcast %gt3A_815 : f32 to vector<256x64xf32>
    %gt3A_817 = arith.cmpf ogt, %convert_element_type3A_800, %gt3A_816 : vector<256x64xf32>
    %add3A_818 = arith.constant 1.000000e+00 : f32
    %add3A_819 = vector.broadcast %add3A_818 : f32 to vector<256x64xf32>
    %add3A_820 = arith.addf %convert_element_type3A_800, %add3A_819 : vector<256x64xf32>
    %exp3A_821 = math.exp %convert_element_type3A_800 : vector<256x64xf32>
    %select_n3A_822 = arith.select %gt3A_817, %add3A_820, %exp3A_821 : vector<256x64xi1>, vector<256x64xf32>
    %dot_general3A_823 = arith.constant dense<0.000000e+00> : vector<256x64xf32>
    %dot_general3A_824 = tpu.matmul %select_n3A_822, %add3A_327, %dot_general3A_823 {dimension_numbers = #tpu.dot_dimension_numbers<[1], [0], [0], [1], [0, 0, 1, 1], [], []>, transpose_lhs_hint = false} : vector<256x64xf32>, vector<64x64xf32>, vector<256x64xf32> -> vector<256x64xf32>
    %mul3A_825 = vector.broadcast %add3A_331 : vector<1x64xf32> to vector<256x64xf32>
    %mul3A_826 = arith.mulf %select_n3A_822, %mul3A_825 : vector<256x64xf32>
    %reduce_sum3A_827 = arith.constant dense<0.000000e+00> : vector<256xf32>
    %reduce_sum3A_828 = vector.multi_reduction <add>, %mul3A_826, %reduce_sum3A_827 [1] : vector<256x64xf32> to vector<256xf32>
    %broadcast_in_dim3A_829 = vector.shape_cast %reduce_sum3A_828 : vector<256xf32> to vector<256x1xf32>
    %integer_pow3A_830 = arith.constant 1.000000e+00 : f32
    %integer_pow3A_831 = vector.broadcast %integer_pow3A_830 : f32 to vector<256x1xf32>
    %integer_pow3A_832 = arith.divf %integer_pow3A_831, %broadcast_in_dim3A_829 : vector<256x1xf32>
    %mul3A_833 = vector.broadcast %integer_pow3A_832 : vector<256x1xf32> to vector<256x64xf32>
    %mul3A_834 = arith.mulf %dot_general3A_824, %mul3A_833 : vector<256x64xf32>
    %dot_general3A_835 = arith.constant dense<0.000000e+00> : vector<256x256xf32>
    %dot_general3A_836 = tpu.matmul %convert_element_type3A_800, %convert_element_type3A_807, %dot_general3A_835 {dimension_numbers = #tpu.dot_dimension_numbers<[1], [1], [0], [0], [0, 0, 1, 0], [], []>, transpose_lhs_hint = false} : vector<256x64xf32>, vector<256x64xf32>, vector<256x256xf32> -> vector<256x256xf32>
    %mul3A_837 = arith.constant 1.250000e-01 : f32
    %mul3A_838 = vector.broadcast %mul3A_837 : f32 to vector<256x256xf32>
    %mul3A_839 = arith.mulf %dot_general3A_836, %mul3A_838 : vector<256x256xf32>
    %exp3A_840 = math.exp %mul3A_839 : vector<256x256xf32>
    %concatenate3A_841 = tpu.concatenate %convert_element_type3A_814, %broadcast_in_dim3A_94 in 1 : vector<256x64xf32>, vector<256x1xf32> -> vector<256x65xf32>
    %dot_general3A_842 = arith.constant dense<0.000000e+00> : vector<256x65xf32>
    %dot_general3A_843 = tpu.matmul %exp3A_840, %concatenate3A_841, %dot_general3A_842 {dimension_numbers = #tpu.dot_dimension_numbers<[1], [0], [0], [1], [0, 0, 1, 1], [], []>, transpose_lhs_hint = false} : vector<256x256xf32>, vector<256x65xf32>, vector<256x65xf32> -> vector<256x65xf32>
    %slice3A_844 = vector.extract_strided_slice %dot_general3A_843 {offsets = [0, 0], sizes = [256, 64], strides = [1, 1]} : vector<256x65xf32> to vector<256x64xf32>
    %slice3A_845 = vector.extract_strided_slice %dot_general3A_843 {offsets = [0, 64], sizes = [256, 1], strides = [1, 1]} : vector<256x65xf32> to vector<256x1xf32>
    %integer_pow3A_846 = arith.constant 1.000000e+00 : f32
    %integer_pow3A_847 = vector.broadcast %integer_pow3A_846 : f32 to vector<256x1xf32>
    %integer_pow3A_848 = arith.divf %integer_pow3A_847, %slice3A_845 : vector<256x1xf32>
    %mul3A_849 = vector.broadcast %integer_pow3A_848 : vector<256x1xf32> to vector<256x64xf32>
    %mul3A_850 = arith.mulf %slice3A_844, %mul3A_849 : vector<256x64xf32>
    %gt3A_851 = arith.constant 0.000000e+00 : f32
    %gt3A_852 = vector.broadcast %gt3A_851 : f32 to vector<256x64xf32>
    %gt3A_853 = arith.cmpf ogt, %convert_element_type3A_807, %gt3A_852 : vector<256x64xf32>
    %add3A_854 = arith.constant 1.000000e+00 : f32
    %add3A_855 = vector.broadcast %add3A_854 : f32 to vector<256x64xf32>
    %add3A_856 = arith.addf %convert_element_type3A_807, %add3A_855 : vector<256x64xf32>
    %exp3A_857 = math.exp %convert_element_type3A_807 : vector<256x64xf32>
    %select_n3A_858 = arith.select %gt3A_853, %add3A_856, %exp3A_857 : vector<256x64xi1>, vector<256x64xf32>
    %dot_general3A_859 = arith.constant dense<0.000000e+00> : vector<64x64xf32>
    %dot_general3A_860 = tpu.matmul %select_n3A_858, %convert_element_type3A_814, %dot_general3A_859 {dimension_numbers = #tpu.dot_dimension_numbers<[0], [0], [1], [1], [0, 1, 1, 1], [], []>, transpose_lhs_hint = false} : vector<256x64xf32>, vector<256x64xf32>, vector<64x64xf32> -> vector<64x64xf32>
    %add3A_861 = arith.addf %add3A_327, %dot_general3A_860 : vector<64x64xf32>
    %reduce_sum3A_862 = arith.constant dense<0.000000e+00> : vector<64xf32>
    %reduce_sum3A_863 = vector.multi_reduction <add>, %select_n3A_858, %reduce_sum3A_862 [0] : vector<256x64xf32> to vector<64xf32>
    %broadcast_in_dim3A_864 = vector.shape_cast %reduce_sum3A_863 : vector<64xf32> to vector<1x64xf32>
    %add3A_865 = arith.addf %add3A_331, %broadcast_in_dim3A_864 : vector<1x64xf32>
    %mul3A_866 = vector.broadcast %logistic3A_56 : vector<1x64xf32> to vector<256x64xf32>
    %mul3A_867 = arith.mulf %mul3A_866, %mul3A_834 : vector<256x64xf32>
    %sub3A_868 = arith.constant 1.000000e+00 : f32
    %sub3A_869 = vector.broadcast %sub3A_868 : f32 to vector<1x64xf32>
    %sub3A_870 = arith.subf %sub3A_869, %logistic3A_56 : vector<1x64xf32>
    %mul3A_871 = vector.broadcast %sub3A_870 : vector<1x64xf32> to vector<256x64xf32>
    %mul3A_872 = arith.mulf %mul3A_871, %mul3A_850 : vector<256x64xf32>
    %add3A_873 = arith.addf %mul3A_867, %mul3A_872 : vector<256x64xf32>
    %convert_element_type3A_874 = arith.truncf %add3A_873 : vector<256x64xf32> to vector<256x64xbf16>
    %swap3A_875 = arith.constant 0 : index
    %swap3A_876 = arith.constant 1 : index
    %swap3A_877 = arith.constant 2 : index
    %swap3A_878 = arith.constant 0 : index
    %swap3A_879 = arith.constant 0 : index
    %swap3A_880 = vector.load %arg6[%swap3A_875, %swap3A_876, %swap3A_877, %swap3A_878, %swap3A_879] : memref<1x4x6x256x64xbf16, #tpu.memory_space<vmem>>, vector<1x1x1x256x64xbf16>
    %swap3A_881 = vector.shape_cast %swap3A_880 : vector<1x1x1x256x64xbf16> to vector<256x64xbf16>
    %swap3A_882 = vector.shape_cast %convert_element_type3A_874 : vector<256x64xbf16> to vector<1x1x1x256x64xbf16>
    tpu.vector_store %arg6[%swap3A_875, %swap3A_876, %swap3A_877, %swap3A_878, %swap3A_879], %swap3A_882 {strides = array<i32>} : memref<1x4x6x256x64xbf16, #tpu.memory_space<vmem>>, vector<1x1x1x256x64xbf16>,
    %get3A_883 = arith.constant 0 : index
    %get3A_884 = arith.constant 3 : index
    %get3A_885 = arith.constant 256 : index
    %get3A_886 = arith.constant 0 : index
    %get3A_887 = vector.load %arg2[%get3A_883, %get3A_884, %get3A_885, %get3A_886] : memref<1x6x1024x64xbf16, #tpu.memory_space<vmem>>, vector<1x1x256x64xbf16>
    %get3A_888 = vector.shape_cast %get3A_887 : vector<1x1x256x64xbf16> to vector<256x64xbf16>
    %convert_element_type3A_889 = arith.extf %get3A_888 : vector<256x64xbf16> to vector<256x64xf32>
    %get3A_890 = arith.constant 0 : index
    %get3A_891 = arith.constant 3 : index
    %get3A_892 = arith.constant 256 : index
    %get3A_893 = arith.constant 0 : index
    %get3A_894 = vector.load %arg3[%get3A_890, %get3A_891, %get3A_892, %get3A_893] : memref<1x6x1024x64xbf16, #tpu.memory_space<vmem>>, vector<1x1x256x64xbf16>
    %get3A_895 = vector.shape_cast %get3A_894 : vector<1x1x256x64xbf16> to vector<256x64xbf16>
    %convert_element_type3A_896 = arith.extf %get3A_895 : vector<256x64xbf16> to vector<256x64xf32>
    %get3A_897 = arith.constant 0 : index
    %get3A_898 = arith.constant 3 : index
    %get3A_899 = arith.constant 256 : index
    %get3A_900 = arith.constant 0 : index
    %get3A_901 = vector.load %arg4[%get3A_897, %get3A_898, %get3A_899, %get3A_900] : memref<1x6x1024x64xbf16, #tpu.memory_space<vmem>>, vector<1x1x256x64xbf16>
    %get3A_902 = vector.shape_cast %get3A_901 : vector<1x1x256x64xbf16> to vector<256x64xbf16>
    %convert_element_type3A_903 = arith.extf %get3A_902 : vector<256x64xbf16> to vector<256x64xf32>
    %gt3A_904 = arith.constant 0.000000e+00 : f32
    %gt3A_905 = vector.broadcast %gt3A_904 : f32 to vector<256x64xf32>
    %gt3A_906 = arith.cmpf ogt, %convert_element_type3A_889, %gt3A_905 : vector<256x64xf32>
    %add3A_907 = arith.constant 1.000000e+00 : f32
    %add3A_908 = vector.broadcast %add3A_907 : f32 to vector<256x64xf32>
    %add3A_909 = arith.addf %convert_element_type3A_889, %add3A_908 : vector<256x64xf32>
    %exp3A_910 = math.exp %convert_element_type3A_889 : vector<256x64xf32>
    %select_n3A_911 = arith.select %gt3A_906, %add3A_909, %exp3A_910 : vector<256x64xi1>, vector<256x64xf32>
    %dot_general3A_912 = arith.constant dense<0.000000e+00> : vector<256x64xf32>
    %dot_general3A_913 = tpu.matmul %select_n3A_911, %add3A_416, %dot_general3A_912 {dimension_numbers = #tpu.dot_dimension_numbers<[1], [0], [0], [1], [0, 0, 1, 1], [], []>, transpose_lhs_hint = false} : vector<256x64xf32>, vector<64x64xf32>, vector<256x64xf32> -> vector<256x64xf32>
    %mul3A_914 = vector.broadcast %add3A_420 : vector<1x64xf32> to vector<256x64xf32>
    %mul3A_915 = arith.mulf %select_n3A_911, %mul3A_914 : vector<256x64xf32>
    %reduce_sum3A_916 = arith.constant dense<0.000000e+00> : vector<256xf32>
    %reduce_sum3A_917 = vector.multi_reduction <add>, %mul3A_915, %reduce_sum3A_916 [1] : vector<256x64xf32> to vector<256xf32>
    %broadcast_in_dim3A_918 = vector.shape_cast %reduce_sum3A_917 : vector<256xf32> to vector<256x1xf32>
    %integer_pow3A_919 = arith.constant 1.000000e+00 : f32
    %integer_pow3A_920 = vector.broadcast %integer_pow3A_919 : f32 to vector<256x1xf32>
    %integer_pow3A_921 = arith.divf %integer_pow3A_920, %broadcast_in_dim3A_918 : vector<256x1xf32>
    %mul3A_922 = vector.broadcast %integer_pow3A_921 : vector<256x1xf32> to vector<256x64xf32>
    %mul3A_923 = arith.mulf %dot_general3A_913, %mul3A_922 : vector<256x64xf32>
    %dot_general3A_924 = arith.constant dense<0.000000e+00> : vector<256x256xf32>
    %dot_general3A_925 = tpu.matmul %convert_element_type3A_889, %convert_element_type3A_896, %dot_general3A_924 {dimension_numbers = #tpu.dot_dimension_numbers<[1], [1], [0], [0], [0, 0, 1, 0], [], []>, transpose_lhs_hint = false} : vector<256x64xf32>, vector<256x64xf32>, vector<256x256xf32> -> vector<256x256xf32>
    %mul3A_926 = arith.constant 1.250000e-01 : f32
    %mul3A_927 = vector.broadcast %mul3A_926 : f32 to vector<256x256xf32>
    %mul3A_928 = arith.mulf %dot_general3A_925, %mul3A_927 : vector<256x256xf32>
    %exp3A_929 = math.exp %mul3A_928 : vector<256x256xf32>
    %concatenate3A_930 = tpu.concatenate %convert_element_type3A_903, %broadcast_in_dim3A_94 in 1 : vector<256x64xf32>, vector<256x1xf32> -> vector<256x65xf32>
    %dot_general3A_931 = arith.constant dense<0.000000e+00> : vector<256x65xf32>
    %dot_general3A_932 = tpu.matmul %exp3A_929, %concatenate3A_930, %dot_general3A_931 {dimension_numbers = #tpu.dot_dimension_numbers<[1], [0], [0], [1], [0, 0, 1, 1], [], []>, transpose_lhs_hint = false} : vector<256x256xf32>, vector<256x65xf32>, vector<256x65xf32> -> vector<256x65xf32>
    %slice3A_933 = vector.extract_strided_slice %dot_general3A_932 {offsets = [0, 0], sizes = [256, 64], strides = [1, 1]} : vector<256x65xf32> to vector<256x64xf32>
    %slice3A_934 = vector.extract_strided_slice %dot_general3A_932 {offsets = [0, 64], sizes = [256, 1], strides = [1, 1]} : vector<256x65xf32> to vector<256x1xf32>
    %integer_pow3A_935 = arith.constant 1.000000e+00 : f32
    %integer_pow3A_936 = vector.broadcast %integer_pow3A_935 : f32 to vector<256x1xf32>
    %integer_pow3A_937 = arith.divf %integer_pow3A_936, %slice3A_934 : vector<256x1xf32>
    %mul3A_938 = vector.broadcast %integer_pow3A_937 : vector<256x1xf32> to vector<256x64xf32>
    %mul3A_939 = arith.mulf %slice3A_933, %mul3A_938 : vector<256x64xf32>
    %gt3A_940 = arith.constant 0.000000e+00 : f32
    %gt3A_941 = vector.broadcast %gt3A_940 : f32 to vector<256x64xf32>
    %gt3A_942 = arith.cmpf ogt, %convert_element_type3A_896, %gt3A_941 : vector<256x64xf32>
    %add3A_943 = arith.constant 1.000000e+00 : f32
    %add3A_944 = vector.broadcast %add3A_943 : f32 to vector<256x64xf32>
    %add3A_945 = arith.addf %convert_element_type3A_896, %add3A_944 : vector<256x64xf32>
    %exp3A_946 = math.exp %convert_element_type3A_896 : vector<256x64xf32>
    %select_n3A_947 = arith.select %gt3A_942, %add3A_945, %exp3A_946 : vector<256x64xi1>, vector<256x64xf32>
    %dot_general3A_948 = arith.constant dense<0.000000e+00> : vector<64x64xf32>
    %dot_general3A_949 = tpu.matmul %select_n3A_947, %convert_element_type3A_903, %dot_general3A_948 {dimension_numbers = #tpu.dot_dimension_numbers<[0], [0], [1], [1], [0, 1, 1, 1], [], []>, transpose_lhs_hint = false} : vector<256x64xf32>, vector<256x64xf32>, vector<64x64xf32> -> vector<64x64xf32>
    %add3A_950 = arith.addf %add3A_416, %dot_general3A_949 : vector<64x64xf32>
    %reduce_sum3A_951 = arith.constant dense<0.000000e+00> : vector<64xf32>
    %reduce_sum3A_952 = vector.multi_reduction <add>, %select_n3A_947, %reduce_sum3A_951 [0] : vector<256x64xf32> to vector<64xf32>
    %broadcast_in_dim3A_953 = vector.shape_cast %reduce_sum3A_952 : vector<64xf32> to vector<1x64xf32>
    %add3A_954 = arith.addf %add3A_420, %broadcast_in_dim3A_953 : vector<1x64xf32>
    %mul3A_955 = vector.broadcast %logistic3A_68 : vector<1x64xf32> to vector<256x64xf32>
    %mul3A_956 = arith.mulf %mul3A_955, %mul3A_923 : vector<256x64xf32>
    %sub3A_957 = arith.constant 1.000000e+00 : f32
    %sub3A_958 = vector.broadcast %sub3A_957 : f32 to vector<1x64xf32>
    %sub3A_959 = arith.subf %sub3A_958, %logistic3A_68 : vector<1x64xf32>
    %mul3A_960 = vector.broadcast %sub3A_959 : vector<1x64xf32> to vector<256x64xf32>
    %mul3A_961 = arith.mulf %mul3A_960, %mul3A_939 : vector<256x64xf32>
    %add3A_962 = arith.addf %mul3A_956, %mul3A_961 : vector<256x64xf32>
    %convert_element_type3A_963 = arith.truncf %add3A_962 : vector<256x64xf32> to vector<256x64xbf16>
    %swap3A_964 = arith.constant 0 : index
    %swap3A_965 = arith.constant 1 : index
    %swap3A_966 = arith.constant 3 : index
    %swap3A_967 = arith.constant 0 : index
    %swap3A_968 = arith.constant 0 : index
    %swap3A_969 = vector.load %arg6[%swap3A_964, %swap3A_965, %swap3A_966, %swap3A_967, %swap3A_968] : memref<1x4x6x256x64xbf16, #tpu.memory_space<vmem>>, vector<1x1x1x256x64xbf16>
    %swap3A_970 = vector.shape_cast %swap3A_969 : vector<1x1x1x256x64xbf16> to vector<256x64xbf16>
    %swap3A_971 = vector.shape_cast %convert_element_type3A_963 : vector<256x64xbf16> to vector<1x1x1x256x64xbf16>
    tpu.vector_store %arg6[%swap3A_964, %swap3A_965, %swap3A_966, %swap3A_967, %swap3A_968], %swap3A_971 {strides = array<i32>} : memref<1x4x6x256x64xbf16, #tpu.memory_space<vmem>>, vector<1x1x1x256x64xbf16>,
    %get3A_972 = arith.constant 0 : index
    %get3A_973 = arith.constant 4 : index
    %get3A_974 = arith.constant 256 : index
    %get3A_975 = arith.constant 0 : index
    %get3A_976 = vector.load %arg2[%get3A_972, %get3A_973, %get3A_974, %get3A_975] : memref<1x6x1024x64xbf16, #tpu.memory_space<vmem>>, vector<1x1x256x64xbf16>
    %get3A_977 = vector.shape_cast %get3A_976 : vector<1x1x256x64xbf16> to vector<256x64xbf16>
    %convert_element_type3A_978 = arith.extf %get3A_977 : vector<256x64xbf16> to vector<256x64xf32>
    %get3A_979 = arith.constant 0 : index
    %get3A_980 = arith.constant 4 : index
    %get3A_981 = arith.constant 256 : index
    %get3A_982 = arith.constant 0 : index
    %get3A_983 = vector.load %arg3[%get3A_979, %get3A_980, %get3A_981, %get3A_982] : memref<1x6x1024x64xbf16, #tpu.memory_space<vmem>>, vector<1x1x256x64xbf16>
    %get3A_984 = vector.shape_cast %get3A_983 : vector<1x1x256x64xbf16> to vector<256x64xbf16>
    %convert_element_type3A_985 = arith.extf %get3A_984 : vector<256x64xbf16> to vector<256x64xf32>
    %get3A_986 = arith.constant 0 : index
    %get3A_987 = arith.constant 4 : index
    %get3A_988 = arith.constant 256 : index
    %get3A_989 = arith.constant 0 : index
    %get3A_990 = vector.load %arg4[%get3A_986, %get3A_987, %get3A_988, %get3A_989] : memref<1x6x1024x64xbf16, #tpu.memory_space<vmem>>, vector<1x1x256x64xbf16>
    %get3A_991 = vector.shape_cast %get3A_990 : vector<1x1x256x64xbf16> to vector<256x64xbf16>
    %convert_element_type3A_992 = arith.extf %get3A_991 : vector<256x64xbf16> to vector<256x64xf32>
    %gt3A_993 = arith.constant 0.000000e+00 : f32
    %gt3A_994 = vector.broadcast %gt3A_993 : f32 to vector<256x64xf32>
    %gt3A_995 = arith.cmpf ogt, %convert_element_type3A_978, %gt3A_994 : vector<256x64xf32>
    %add3A_996 = arith.constant 1.000000e+00 : f32
    %add3A_997 = vector.broadcast %add3A_996 : f32 to vector<256x64xf32>
    %add3A_998 = arith.addf %convert_element_type3A_978, %add3A_997 : vector<256x64xf32>
    %exp3A_999 = math.exp %convert_element_type3A_978 : vector<256x64xf32>
    %select_n3A_1000 = arith.select %gt3A_995, %add3A_998, %exp3A_999 : vector<256x64xi1>, vector<256x64xf32>
    %dot_general3A_1001 = arith.constant dense<0.000000e+00> : vector<256x64xf32>
    %dot_general3A_1002 = tpu.matmul %select_n3A_1000, %add3A_505, %dot_general3A_1001 {dimension_numbers = #tpu.dot_dimension_numbers<[1], [0], [0], [1], [0, 0, 1, 1], [], []>, transpose_lhs_hint = false} : vector<256x64xf32>, vector<64x64xf32>, vector<256x64xf32> -> vector<256x64xf32>
    %mul3A_1003 = vector.broadcast %add3A_509 : vector<1x64xf32> to vector<256x64xf32>
    %mul3A_1004 = arith.mulf %select_n3A_1000, %mul3A_1003 : vector<256x64xf32>
    %reduce_sum3A_1005 = arith.constant dense<0.000000e+00> : vector<256xf32>
    %reduce_sum3A_1006 = vector.multi_reduction <add>, %mul3A_1004, %reduce_sum3A_1005 [1] : vector<256x64xf32> to vector<256xf32>
    %broadcast_in_dim3A_1007 = vector.shape_cast %reduce_sum3A_1006 : vector<256xf32> to vector<256x1xf32>
    %integer_pow3A_1008 = arith.constant 1.000000e+00 : f32
    %integer_pow3A_1009 = vector.broadcast %integer_pow3A_1008 : f32 to vector<256x1xf32>
    %integer_pow3A_1010 = arith.divf %integer_pow3A_1009, %broadcast_in_dim3A_1007 : vector<256x1xf32>
    %mul3A_1011 = vector.broadcast %integer_pow3A_1010 : vector<256x1xf32> to vector<256x64xf32>
    %mul3A_1012 = arith.mulf %dot_general3A_1002, %mul3A_1011 : vector<256x64xf32>
    %dot_general3A_1013 = arith.constant dense<0.000000e+00> : vector<256x256xf32>
    %dot_general3A_1014 = tpu.matmul %convert_element_type3A_978, %convert_element_type3A_985, %dot_general3A_1013 {dimension_numbers = #tpu.dot_dimension_numbers<[1], [1], [0], [0], [0, 0, 1, 0], [], []>, transpose_lhs_hint = false} : vector<256x64xf32>, vector<256x64xf32>, vector<256x256xf32> -> vector<256x256xf32>
    %mul3A_1015 = arith.constant 1.250000e-01 : f32
    %mul3A_1016 = vector.broadcast %mul3A_1015 : f32 to vector<256x256xf32>
    %mul3A_1017 = arith.mulf %dot_general3A_1014, %mul3A_1016 : vector<256x256xf32>
    %exp3A_1018 = math.exp %mul3A_1017 : vector<256x256xf32>
    %concatenate3A_1019 = tpu.concatenate %convert_element_type3A_992, %broadcast_in_dim3A_94 in 1 : vector<256x64xf32>, vector<256x1xf32> -> vector<256x65xf32>
    %dot_general3A_1020 = arith.constant dense<0.000000e+00> : vector<256x65xf32>
    %dot_general3A_1021 = tpu.matmul %exp3A_1018, %concatenate3A_1019, %dot_general3A_1020 {dimension_numbers = #tpu.dot_dimension_numbers<[1], [0], [0], [1], [0, 0, 1, 1], [], []>, transpose_lhs_hint = false} : vector<256x256xf32>, vector<256x65xf32>, vector<256x65xf32> -> vector<256x65xf32>
    %slice3A_1022 = vector.extract_strided_slice %dot_general3A_1021 {offsets = [0, 0], sizes = [256, 64], strides = [1, 1]} : vector<256x65xf32> to vector<256x64xf32>
    %slice3A_1023 = vector.extract_strided_slice %dot_general3A_1021 {offsets = [0, 64], sizes = [256, 1], strides = [1, 1]} : vector<256x65xf32> to vector<256x1xf32>
    %integer_pow3A_1024 = arith.constant 1.000000e+00 : f32
    %integer_pow3A_1025 = vector.broadcast %integer_pow3A_1024 : f32 to vector<256x1xf32>
    %integer_pow3A_1026 = arith.divf %integer_pow3A_1025, %slice3A_1023 : vector<256x1xf32>
    %mul3A_1027 = vector.broadcast %integer_pow3A_1026 : vector<256x1xf32> to vector<256x64xf32>
    %mul3A_1028 = arith.mulf %slice3A_1022, %mul3A_1027 : vector<256x64xf32>
    %gt3A_1029 = arith.constant 0.000000e+00 : f32
    %gt3A_1030 = vector.broadcast %gt3A_1029 : f32 to vector<256x64xf32>
    %gt3A_1031 = arith.cmpf ogt, %convert_element_type3A_985, %gt3A_1030 : vector<256x64xf32>
    %add3A_1032 = arith.constant 1.000000e+00 : f32
    %add3A_1033 = vector.broadcast %add3A_1032 : f32 to vector<256x64xf32>
    %add3A_1034 = arith.addf %convert_element_type3A_985, %add3A_1033 : vector<256x64xf32>
    %exp3A_1035 = math.exp %convert_element_type3A_985 : vector<256x64xf32>
    %select_n3A_1036 = arith.select %gt3A_1031, %add3A_1034, %exp3A_1035 : vector<256x64xi1>, vector<256x64xf32>
    %dot_general3A_1037 = arith.constant dense<0.000000e+00> : vector<64x64xf32>
    %dot_general3A_1038 = tpu.matmul %select_n3A_1036, %convert_element_type3A_992, %dot_general3A_1037 {dimension_numbers = #tpu.dot_dimension_numbers<[0], [0], [1], [1], [0, 1, 1, 1], [], []>, transpose_lhs_hint = false} : vector<256x64xf32>, vector<256x64xf32>, vector<64x64xf32> -> vector<64x64xf32>
    %add3A_1039 = arith.addf %add3A_505, %dot_general3A_1038 : vector<64x64xf32>
    %reduce_sum3A_1040 = arith.constant dense<0.000000e+00> : vector<64xf32>
    %reduce_sum3A_1041 = vector.multi_reduction <add>, %select_n3A_1036, %reduce_sum3A_1040 [0] : vector<256x64xf32> to vector<64xf32>
    %broadcast_in_dim3A_1042 = vector.shape_cast %reduce_sum3A_1041 : vector<64xf32> to vector<1x64xf32>
    %add3A_1043 = arith.addf %add3A_509, %broadcast_in_dim3A_1042 : vector<1x64xf32>
    %mul3A_1044 = vector.broadcast %logistic3A_80 : vector<1x64xf32> to vector<256x64xf32>
    %mul3A_1045 = arith.mulf %mul3A_1044, %mul3A_1012 : vector<256x64xf32>
    %sub3A_1046 = arith.constant 1.000000e+00 : f32
    %sub3A_1047 = vector.broadcast %sub3A_1046 : f32 to vector<1x64xf32>
    %sub3A_1048 = arith.subf %sub3A_1047, %logistic3A_80 : vector<1x64xf32>
    %mul3A_1049 = vector.broadcast %sub3A_1048 : vector<1x64xf32> to vector<256x64xf32>
    %mul3A_1050 = arith.mulf %mul3A_1049, %mul3A_1028 : vector<256x64xf32>
    %add3A_1051 = arith.addf %mul3A_1045, %mul3A_1050 : vector<256x64xf32>
    %convert_element_type3A_1052 = arith.truncf %add3A_1051 : vector<256x64xf32> to vector<256x64xbf16>
    %swap3A_1053 = arith.constant 0 : index
    %swap3A_1054 = arith.constant 1 : index
    %swap3A_1055 = arith.constant 4 : index
    %swap3A_1056 = arith.constant 0 : index
    %swap3A_1057 = arith.constant 0 : index
    %swap3A_1058 = vector.load %arg6[%swap3A_1053, %swap3A_1054, %swap3A_1055, %swap3A_1056, %swap3A_1057] : memref<1x4x6x256x64xbf16, #tpu.memory_space<vmem>>, vector<1x1x1x256x64xbf16>
    %swap3A_1059 = vector.shape_cast %swap3A_1058 : vector<1x1x1x256x64xbf16> to vector<256x64xbf16>
    %swap3A_1060 = vector.shape_cast %convert_element_type3A_1052 : vector<256x64xbf16> to vector<1x1x1x256x64xbf16>
    tpu.vector_store %arg6[%swap3A_1053, %swap3A_1054, %swap3A_1055, %swap3A_1056, %swap3A_1057], %swap3A_1060 {strides = array<i32>} : memref<1x4x6x256x64xbf16, #tpu.memory_space<vmem>>, vector<1x1x1x256x64xbf16>,
    %get3A_1061 = arith.constant 0 : index
    %get3A_1062 = arith.constant 5 : index
    %get3A_1063 = arith.constant 256 : index
    %get3A_1064 = arith.constant 0 : index
    %get3A_1065 = vector.load %arg2[%get3A_1061, %get3A_1062, %get3A_1063, %get3A_1064] : memref<1x6x1024x64xbf16, #tpu.memory_space<vmem>>, vector<1x1x256x64xbf16>
    %get3A_1066 = vector.shape_cast %get3A_1065 : vector<1x1x256x64xbf16> to vector<256x64xbf16>
    %convert_element_type3A_1067 = arith.extf %get3A_1066 : vector<256x64xbf16> to vector<256x64xf32>
    %get3A_1068 = arith.constant 0 : index
    %get3A_1069 = arith.constant 5 : index
    %get3A_1070 = arith.constant 256 : index
    %get3A_1071 = arith.constant 0 : index
    %get3A_1072 = vector.load %arg3[%get3A_1068, %get3A_1069, %get3A_1070, %get3A_1071] : memref<1x6x1024x64xbf16, #tpu.memory_space<vmem>>, vector<1x1x256x64xbf16>
    %get3A_1073 = vector.shape_cast %get3A_1072 : vector<1x1x256x64xbf16> to vector<256x64xbf16>
    %convert_element_type3A_1074 = arith.extf %get3A_1073 : vector<256x64xbf16> to vector<256x64xf32>
    %get3A_1075 = arith.constant 0 : index
    %get3A_1076 = arith.constant 5 : index
    %get3A_1077 = arith.constant 256 : index
    %get3A_1078 = arith.constant 0 : index
    %get3A_1079 = vector.load %arg4[%get3A_1075, %get3A_1076, %get3A_1077, %get3A_1078] : memref<1x6x1024x64xbf16, #tpu.memory_space<vmem>>, vector<1x1x256x64xbf16>
    %get3A_1080 = vector.shape_cast %get3A_1079 : vector<1x1x256x64xbf16> to vector<256x64xbf16>
    %convert_element_type3A_1081 = arith.extf %get3A_1080 : vector<256x64xbf16> to vector<256x64xf32>
    %gt3A_1082 = arith.constant 0.000000e+00 : f32
    %gt3A_1083 = vector.broadcast %gt3A_1082 : f32 to vector<256x64xf32>
    %gt3A_1084 = arith.cmpf ogt, %convert_element_type3A_1067, %gt3A_1083 : vector<256x64xf32>
    %add3A_1085 = arith.constant 1.000000e+00 : f32
    %add3A_1086 = vector.broadcast %add3A_1085 : f32 to vector<256x64xf32>
    %add3A_1087 = arith.addf %convert_element_type3A_1067, %add3A_1086 : vector<256x64xf32>
    %exp3A_1088 = math.exp %convert_element_type3A_1067 : vector<256x64xf32>
    %select_n3A_1089 = arith.select %gt3A_1084, %add3A_1087, %exp3A_1088 : vector<256x64xi1>, vector<256x64xf32>
    %dot_general3A_1090 = arith.constant dense<0.000000e+00> : vector<256x64xf32>
    %dot_general3A_1091 = tpu.matmul %select_n3A_1089, %add3A_594, %dot_general3A_1090 {dimension_numbers = #tpu.dot_dimension_numbers<[1], [0], [0], [1], [0, 0, 1, 1], [], []>, transpose_lhs_hint = false} : vector<256x64xf32>, vector<64x64xf32>, vector<256x64xf32> -> vector<256x64xf32>
    %mul3A_1092 = vector.broadcast %add3A_598 : vector<1x64xf32> to vector<256x64xf32>
    %mul3A_1093 = arith.mulf %select_n3A_1089, %mul3A_1092 : vector<256x64xf32>
    %reduce_sum3A_1094 = arith.constant dense<0.000000e+00> : vector<256xf32>
    %reduce_sum3A_1095 = vector.multi_reduction <add>, %mul3A_1093, %reduce_sum3A_1094 [1] : vector<256x64xf32> to vector<256xf32>
    %broadcast_in_dim3A_1096 = vector.shape_cast %reduce_sum3A_1095 : vector<256xf32> to vector<256x1xf32>
    %integer_pow3A_1097 = arith.constant 1.000000e+00 : f32
    %integer_pow3A_1098 = vector.broadcast %integer_pow3A_1097 : f32 to vector<256x1xf32>
    %integer_pow3A_1099 = arith.divf %integer_pow3A_1098, %broadcast_in_dim3A_1096 : vector<256x1xf32>
    %mul3A_1100 = vector.broadcast %integer_pow3A_1099 : vector<256x1xf32> to vector<256x64xf32>
    %mul3A_1101 = arith.mulf %dot_general3A_1091, %mul3A_1100 : vector<256x64xf32>
    %dot_general3A_1102 = arith.constant dense<0.000000e+00> : vector<256x256xf32>
    %dot_general3A_1103 = tpu.matmul %convert_element_type3A_1067, %convert_element_type3A_1074, %dot_general3A_1102 {dimension_numbers = #tpu.dot_dimension_numbers<[1], [1], [0], [0], [0, 0, 1, 0], [], []>, transpose_lhs_hint = false} : vector<256x64xf32>, vector<256x64xf32>, vector<256x256xf32> -> vector<256x256xf32>
    %mul3A_1104 = arith.constant 1.250000e-01 : f32
    %mul3A_1105 = vector.broadcast %mul3A_1104 : f32 to vector<256x256xf32>
    %mul3A_1106 = arith.mulf %dot_general3A_1103, %mul3A_1105 : vector<256x256xf32>
    %exp3A_1107 = math.exp %mul3A_1106 : vector<256x256xf32>
    %concatenate3A_1108 = tpu.concatenate %convert_element_type3A_1081, %broadcast_in_dim3A_94 in 1 : vector<256x64xf32>, vector<256x1xf32> -> vector<256x65xf32>
    %dot_general3A_1109 = arith.constant dense<0.000000e+00> : vector<256x65xf32>
    %dot_general3A_1110 = tpu.matmul %exp3A_1107, %concatenate3A_1108, %dot_general3A_1109 {dimension_numbers = #tpu.dot_dimension_numbers<[1], [0], [0], [1], [0, 0, 1, 1], [], []>, transpose_lhs_hint = false} : vector<256x256xf32>, vector<256x65xf32>, vector<256x65xf32> -> vector<256x65xf32>
    %slice3A_1111 = vector.extract_strided_slice %dot_general3A_1110 {offsets = [0, 0], sizes = [256, 64], strides = [1, 1]} : vector<256x65xf32> to vector<256x64xf32>
    %slice3A_1112 = vector.extract_strided_slice %dot_general3A_1110 {offsets = [0, 64], sizes = [256, 1], strides = [1, 1]} : vector<256x65xf32> to vector<256x1xf32>
    %integer_pow3A_1113 = arith.constant 1.000000e+00 : f32
    %integer_pow3A_1114 = vector.broadcast %integer_pow3A_1113 : f32 to vector<256x1xf32>
    %integer_pow3A_1115 = arith.divf %integer_pow3A_1114, %slice3A_1112 : vector<256x1xf32>
    %mul3A_1116 = vector.broadcast %integer_pow3A_1115 : vector<256x1xf32> to vector<256x64xf32>
    %mul3A_1117 = arith.mulf %slice3A_1111, %mul3A_1116 : vector<256x64xf32>
    %gt3A_1118 = arith.constant 0.000000e+00 : f32
    %gt3A_1119 = vector.broadcast %gt3A_1118 : f32 to vector<256x64xf32>
    %gt3A_1120 = arith.cmpf ogt, %convert_element_type3A_1074, %gt3A_1119 : vector<256x64xf32>
    %add3A_1121 = arith.constant 1.000000e+00 : f32
    %add3A_1122 = vector.broadcast %add3A_1121 : f32 to vector<256x64xf32>
    %add3A_1123 = arith.addf %convert_element_type3A_1074, %add3A_1122 : vector<256x64xf32>
    %exp3A_1124 = math.exp %convert_element_type3A_1074 : vector<256x64xf32>
    %select_n3A_1125 = arith.select %gt3A_1120, %add3A_1123, %exp3A_1124 : vector<256x64xi1>, vector<256x64xf32>
    %dot_general3A_1126 = arith.constant dense<0.000000e+00> : vector<64x64xf32>
    %dot_general3A_1127 = tpu.matmul %select_n3A_1125, %convert_element_type3A_1081, %dot_general3A_1126 {dimension_numbers = #tpu.dot_dimension_numbers<[0], [0], [1], [1], [0, 1, 1, 1], [], []>, transpose_lhs_hint = false} : vector<256x64xf32>, vector<256x64xf32>, vector<64x64xf32> -> vector<64x64xf32>
    %add3A_1128 = arith.addf %add3A_594, %dot_general3A_1127 : vector<64x64xf32>
    %reduce_sum3A_1129 = arith.constant dense<0.000000e+00> : vector<64xf32>
    %reduce_sum3A_1130 = vector.multi_reduction <add>, %select_n3A_1125, %reduce_sum3A_1129 [0] : vector<256x64xf32> to vector<64xf32>
    %broadcast_in_dim3A_1131 = vector.shape_cast %reduce_sum3A_1130 : vector<64xf32> to vector<1x64xf32>
    %add3A_1132 = arith.addf %add3A_598, %broadcast_in_dim3A_1131 : vector<1x64xf32>
    %mul3A_1133 = vector.broadcast %logistic3A_92 : vector<1x64xf32> to vector<256x64xf32>
    %mul3A_1134 = arith.mulf %mul3A_1133, %mul3A_1101 : vector<256x64xf32>
    %sub3A_1135 = arith.constant 1.000000e+00 : f32
    %sub3A_1136 = vector.broadcast %sub3A_1135 : f32 to vector<1x64xf32>
    %sub3A_1137 = arith.subf %sub3A_1136, %logistic3A_92 : vector<1x64xf32>
    %mul3A_1138 = vector.broadcast %sub3A_1137 : vector<1x64xf32> to vector<256x64xf32>
    %mul3A_1139 = arith.mulf %mul3A_1138, %mul3A_1117 : vector<256x64xf32>
    %add3A_1140 = arith.addf %mul3A_1134, %mul3A_1139 : vector<256x64xf32>
    %convert_element_type3A_1141 = arith.truncf %add3A_1140 : vector<256x64xf32> to vector<256x64xbf16>
    %swap3A_1142 = arith.constant 0 : index
    %swap3A_1143 = arith.constant 1 : index
    %swap3A_1144 = arith.constant 5 : index
    %swap3A_1145 = arith.constant 0 : index
    %swap3A_1146 = arith.constant 0 : index
    %swap3A_1147 = vector.load %arg6[%swap3A_1142, %swap3A_1143, %swap3A_1144, %swap3A_1145, %swap3A_1146] : memref<1x4x6x256x64xbf16, #tpu.memory_space<vmem>>, vector<1x1x1x256x64xbf16>
    %swap3A_1148 = vector.shape_cast %swap3A_1147 : vector<1x1x1x256x64xbf16> to vector<256x64xbf16>
    %swap3A_1149 = vector.shape_cast %convert_element_type3A_1141 : vector<256x64xbf16> to vector<1x1x1x256x64xbf16>
    tpu.vector_store %arg6[%swap3A_1142, %swap3A_1143, %swap3A_1144, %swap3A_1145, %swap3A_1146], %swap3A_1149 {strides = array<i32>} : memref<1x4x6x256x64xbf16, #tpu.memory_space<vmem>>, vector<1x1x1x256x64xbf16>,
    %get3A_1150 = arith.constant 0 : index
    %get3A_1151 = arith.constant 0 : index
    %get3A_1152 = arith.constant 512 : index
    %get3A_1153 = arith.constant 0 : index
    %get3A_1154 = vector.load %arg2[%get3A_1150, %get3A_1151, %get3A_1152, %get3A_1153] : memref<1x6x1024x64xbf16, #tpu.memory_space<vmem>>, vector<1x1x256x64xbf16>
    %get3A_1155 = vector.shape_cast %get3A_1154 : vector<1x1x256x64xbf16> to vector<256x64xbf16>
    %convert_element_type3A_1156 = arith.extf %get3A_1155 : vector<256x64xbf16> to vector<256x64xf32>
    %get3A_1157 = arith.constant 0 : index
    %get3A_1158 = arith.constant 0 : index
    %get3A_1159 = arith.constant 512 : index
    %get3A_1160 = arith.constant 0 : index
    %get3A_1161 = vector.load %arg3[%get3A_1157, %get3A_1158, %get3A_1159, %get3A_1160] : memref<1x6x1024x64xbf16, #tpu.memory_space<vmem>>, vector<1x1x256x64xbf16>
    %get3A_1162 = vector.shape_cast %get3A_1161 : vector<1x1x256x64xbf16> to vector<256x64xbf16>
    %convert_element_type3A_1163 = arith.extf %get3A_1162 : vector<256x64xbf16> to vector<256x64xf32>
    %get3A_1164 = arith.constant 0 : index
    %get3A_1165 = arith.constant 0 : index
    %get3A_1166 = arith.constant 512 : index
    %get3A_1167 = arith.constant 0 : index
    %get3A_1168 = vector.load %arg4[%get3A_1164, %get3A_1165, %get3A_1166, %get3A_1167] : memref<1x6x1024x64xbf16, #tpu.memory_space<vmem>>, vector<1x1x256x64xbf16>
    %get3A_1169 = vector.shape_cast %get3A_1168 : vector<1x1x256x64xbf16> to vector<256x64xbf16>
    %convert_element_type3A_1170 = arith.extf %get3A_1169 : vector<256x64xbf16> to vector<256x64xf32>
    %gt3A_1171 = arith.constant 0.000000e+00 : f32
    %gt3A_1172 = vector.broadcast %gt3A_1171 : f32 to vector<256x64xf32>
    %gt3A_1173 = arith.cmpf ogt, %convert_element_type3A_1156, %gt3A_1172 : vector<256x64xf32>
    %add3A_1174 = arith.constant 1.000000e+00 : f32
    %add3A_1175 = vector.broadcast %add3A_1174 : f32 to vector<256x64xf32>
    %add3A_1176 = arith.addf %convert_element_type3A_1156, %add3A_1175 : vector<256x64xf32>
    %exp3A_1177 = math.exp %convert_element_type3A_1156 : vector<256x64xf32>
    %select_n3A_1178 = arith.select %gt3A_1173, %add3A_1176, %exp3A_1177 : vector<256x64xi1>, vector<256x64xf32>
    %dot_general3A_1179 = arith.constant dense<0.000000e+00> : vector<256x64xf32>
    %dot_general3A_1180 = tpu.matmul %select_n3A_1178, %add3A_683, %dot_general3A_1179 {dimension_numbers = #tpu.dot_dimension_numbers<[1], [0], [0], [1], [0, 0, 1, 1], [], []>, transpose_lhs_hint = false} : vector<256x64xf32>, vector<64x64xf32>, vector<256x64xf32> -> vector<256x64xf32>
    %mul3A_1181 = vector.broadcast %add3A_687 : vector<1x64xf32> to vector<256x64xf32>
    %mul3A_1182 = arith.mulf %select_n3A_1178, %mul3A_1181 : vector<256x64xf32>
    %reduce_sum3A_1183 = arith.constant dense<0.000000e+00> : vector<256xf32>
    %reduce_sum3A_1184 = vector.multi_reduction <add>, %mul3A_1182, %reduce_sum3A_1183 [1] : vector<256x64xf32> to vector<256xf32>
    %broadcast_in_dim3A_1185 = vector.shape_cast %reduce_sum3A_1184 : vector<256xf32> to vector<256x1xf32>
    %integer_pow3A_1186 = arith.constant 1.000000e+00 : f32
    %integer_pow3A_1187 = vector.broadcast %integer_pow3A_1186 : f32 to vector<256x1xf32>
    %integer_pow3A_1188 = arith.divf %integer_pow3A_1187, %broadcast_in_dim3A_1185 : vector<256x1xf32>
    %mul3A_1189 = vector.broadcast %integer_pow3A_1188 : vector<256x1xf32> to vector<256x64xf32>
    %mul3A_1190 = arith.mulf %dot_general3A_1180, %mul3A_1189 : vector<256x64xf32>
    %dot_general3A_1191 = arith.constant dense<0.000000e+00> : vector<256x256xf32>
    %dot_general3A_1192 = tpu.matmul %convert_element_type3A_1156, %convert_element_type3A_1163, %dot_general3A_1191 {dimension_numbers = #tpu.dot_dimension_numbers<[1], [1], [0], [0], [0, 0, 1, 0], [], []>, transpose_lhs_hint = false} : vector<256x64xf32>, vector<256x64xf32>, vector<256x256xf32> -> vector<256x256xf32>
    %mul3A_1193 = arith.constant 1.250000e-01 : f32
    %mul3A_1194 = vector.broadcast %mul3A_1193 : f32 to vector<256x256xf32>
    %mul3A_1195 = arith.mulf %dot_general3A_1192, %mul3A_1194 : vector<256x256xf32>
    %exp3A_1196 = math.exp %mul3A_1195 : vector<256x256xf32>
    %concatenate3A_1197 = tpu.concatenate %convert_element_type3A_1170, %broadcast_in_dim3A_94 in 1 : vector<256x64xf32>, vector<256x1xf32> -> vector<256x65xf32>
    %dot_general3A_1198 = arith.constant dense<0.000000e+00> : vector<256x65xf32>
    %dot_general3A_1199 = tpu.matmul %exp3A_1196, %concatenate3A_1197, %dot_general3A_1198 {dimension_numbers = #tpu.dot_dimension_numbers<[1], [0], [0], [1], [0, 0, 1, 1], [], []>, transpose_lhs_hint = false} : vector<256x256xf32>, vector<256x65xf32>, vector<256x65xf32> -> vector<256x65xf32>
    %slice3A_1200 = vector.extract_strided_slice %dot_general3A_1199 {offsets = [0, 0], sizes = [256, 64], strides = [1, 1]} : vector<256x65xf32> to vector<256x64xf32>
    %slice3A_1201 = vector.extract_strided_slice %dot_general3A_1199 {offsets = [0, 64], sizes = [256, 1], strides = [1, 1]} : vector<256x65xf32> to vector<256x1xf32>
    %integer_pow3A_1202 = arith.constant 1.000000e+00 : f32
    %integer_pow3A_1203 = vector.broadcast %integer_pow3A_1202 : f32 to vector<256x1xf32>
    %integer_pow3A_1204 = arith.divf %integer_pow3A_1203, %slice3A_1201 : vector<256x1xf32>
    %mul3A_1205 = vector.broadcast %integer_pow3A_1204 : vector<256x1xf32> to vector<256x64xf32>
    %mul3A_1206 = arith.mulf %slice3A_1200, %mul3A_1205 : vector<256x64xf32>
    %gt3A_1207 = arith.constant 0.000000e+00 : f32
    %gt3A_1208 = vector.broadcast %gt3A_1207 : f32 to vector<256x64xf32>
    %gt3A_1209 = arith.cmpf ogt, %convert_element_type3A_1163, %gt3A_1208 : vector<256x64xf32>
    %add3A_1210 = arith.constant 1.000000e+00 : f32
    %add3A_1211 = vector.broadcast %add3A_1210 : f32 to vector<256x64xf32>
    %add3A_1212 = arith.addf %convert_element_type3A_1163, %add3A_1211 : vector<256x64xf32>
    %exp3A_1213 = math.exp %convert_element_type3A_1163 : vector<256x64xf32>
    %select_n3A_1214 = arith.select %gt3A_1209, %add3A_1212, %exp3A_1213 : vector<256x64xi1>, vector<256x64xf32>
    %dot_general3A_1215 = arith.constant dense<0.000000e+00> : vector<64x64xf32>
    %dot_general3A_1216 = tpu.matmul %select_n3A_1214, %convert_element_type3A_1170, %dot_general3A_1215 {dimension_numbers = #tpu.dot_dimension_numbers<[0], [0], [1], [1], [0, 1, 1, 1], [], []>, transpose_lhs_hint = false} : vector<256x64xf32>, vector<256x64xf32>, vector<64x64xf32> -> vector<64x64xf32>
    %add3A_1217 = arith.addf %add3A_683, %dot_general3A_1216 : vector<64x64xf32>
    %reduce_sum3A_1218 = arith.constant dense<0.000000e+00> : vector<64xf32>
    %reduce_sum3A_1219 = vector.multi_reduction <add>, %select_n3A_1214, %reduce_sum3A_1218 [0] : vector<256x64xf32> to vector<64xf32>
    %broadcast_in_dim3A_1220 = vector.shape_cast %reduce_sum3A_1219 : vector<64xf32> to vector<1x64xf32>
    %add3A_1221 = arith.addf %add3A_687, %broadcast_in_dim3A_1220 : vector<1x64xf32>
    %mul3A_1222 = vector.broadcast %logistic3A_32 : vector<1x64xf32> to vector<256x64xf32>
    %mul3A_1223 = arith.mulf %mul3A_1222, %mul3A_1190 : vector<256x64xf32>
    %sub3A_1224 = arith.constant 1.000000e+00 : f32
    %sub3A_1225 = vector.broadcast %sub3A_1224 : f32 to vector<1x64xf32>
    %sub3A_1226 = arith.subf %sub3A_1225, %logistic3A_32 : vector<1x64xf32>
    %mul3A_1227 = vector.broadcast %sub3A_1226 : vector<1x64xf32> to vector<256x64xf32>
    %mul3A_1228 = arith.mulf %mul3A_1227, %mul3A_1206 : vector<256x64xf32>
    %add3A_1229 = arith.addf %mul3A_1223, %mul3A_1228 : vector<256x64xf32>
    %convert_element_type3A_1230 = arith.truncf %add3A_1229 : vector<256x64xf32> to vector<256x64xbf16>
    %swap3A_1231 = arith.constant 0 : index
    %swap3A_1232 = arith.constant 2 : index
    %swap3A_1233 = arith.constant 0 : index
    %swap3A_1234 = arith.constant 0 : index
    %swap3A_1235 = arith.constant 0 : index
    %swap3A_1236 = vector.load %arg6[%swap3A_1231, %swap3A_1232, %swap3A_1233, %swap3A_1234, %swap3A_1235] : memref<1x4x6x256x64xbf16, #tpu.memory_space<vmem>>, vector<1x1x1x256x64xbf16>
    %swap3A_1237 = vector.shape_cast %swap3A_1236 : vector<1x1x1x256x64xbf16> to vector<256x64xbf16>
    %swap3A_1238 = vector.shape_cast %convert_element_type3A_1230 : vector<256x64xbf16> to vector<1x1x1x256x64xbf16>
    tpu.vector_store %arg6[%swap3A_1231, %swap3A_1232, %swap3A_1233, %swap3A_1234, %swap3A_1235], %swap3A_1238 {strides = array<i32>} : memref<1x4x6x256x64xbf16, #tpu.memory_space<vmem>>, vector<1x1x1x256x64xbf16>,
    %get3A_1239 = arith.constant 0 : index
    %get3A_1240 = arith.constant 1 : index
    %get3A_1241 = arith.constant 512 : index
    %get3A_1242 = arith.constant 0 : index
    %get3A_1243 = vector.load %arg2[%get3A_1239, %get3A_1240, %get3A_1241, %get3A_1242] : memref<1x6x1024x64xbf16, #tpu.memory_space<vmem>>, vector<1x1x256x64xbf16>
    %get3A_1244 = vector.shape_cast %get3A_1243 : vector<1x1x256x64xbf16> to vector<256x64xbf16>
    %convert_element_type3A_1245 = arith.extf %get3A_1244 : vector<256x64xbf16> to vector<256x64xf32>
    %get3A_1246 = arith.constant 0 : index
    %get3A_1247 = arith.constant 1 : index
    %get3A_1248 = arith.constant 512 : index
    %get3A_1249 = arith.constant 0 : index
    %get3A_1250 = vector.load %arg3[%get3A_1246, %get3A_1247, %get3A_1248, %get3A_1249] : memref<1x6x1024x64xbf16, #tpu.memory_space<vmem>>, vector<1x1x256x64xbf16>
    %get3A_1251 = vector.shape_cast %get3A_1250 : vector<1x1x256x64xbf16> to vector<256x64xbf16>
    %convert_element_type3A_1252 = arith.extf %get3A_1251 : vector<256x64xbf16> to vector<256x64xf32>
    %get3A_1253 = arith.constant 0 : index
    %get3A_1254 = arith.constant 1 : index
    %get3A_1255 = arith.constant 512 : index
    %get3A_1256 = arith.constant 0 : index
    %get3A_1257 = vector.load %arg4[%get3A_1253, %get3A_1254, %get3A_1255, %get3A_1256] : memref<1x6x1024x64xbf16, #tpu.memory_space<vmem>>, vector<1x1x256x64xbf16>
    %get3A_1258 = vector.shape_cast %get3A_1257 : vector<1x1x256x64xbf16> to vector<256x64xbf16>
    %convert_element_type3A_1259 = arith.extf %get3A_1258 : vector<256x64xbf16> to vector<256x64xf32>
    %gt3A_1260 = arith.constant 0.000000e+00 : f32
    %gt3A_1261 = vector.broadcast %gt3A_1260 : f32 to vector<256x64xf32>
    %gt3A_1262 = arith.cmpf ogt, %convert_element_type3A_1245, %gt3A_1261 : vector<256x64xf32>
    %add3A_1263 = arith.constant 1.000000e+00 : f32
    %add3A_1264 = vector.broadcast %add3A_1263 : f32 to vector<256x64xf32>
    %add3A_1265 = arith.addf %convert_element_type3A_1245, %add3A_1264 : vector<256x64xf32>
    %exp3A_1266 = math.exp %convert_element_type3A_1245 : vector<256x64xf32>
    %select_n3A_1267 = arith.select %gt3A_1262, %add3A_1265, %exp3A_1266 : vector<256x64xi1>, vector<256x64xf32>
    %dot_general3A_1268 = arith.constant dense<0.000000e+00> : vector<256x64xf32>
    %dot_general3A_1269 = tpu.matmul %select_n3A_1267, %add3A_772, %dot_general3A_1268 {dimension_numbers = #tpu.dot_dimension_numbers<[1], [0], [0], [1], [0, 0, 1, 1], [], []>, transpose_lhs_hint = false} : vector<256x64xf32>, vector<64x64xf32>, vector<256x64xf32> -> vector<256x64xf32>
    %mul3A_1270 = vector.broadcast %add3A_776 : vector<1x64xf32> to vector<256x64xf32>
    %mul3A_1271 = arith.mulf %select_n3A_1267, %mul3A_1270 : vector<256x64xf32>
    %reduce_sum3A_1272 = arith.constant dense<0.000000e+00> : vector<256xf32>
    %reduce_sum3A_1273 = vector.multi_reduction <add>, %mul3A_1271, %reduce_sum3A_1272 [1] : vector<256x64xf32> to vector<256xf32>
    %broadcast_in_dim3A_1274 = vector.shape_cast %reduce_sum3A_1273 : vector<256xf32> to vector<256x1xf32>
    %integer_pow3A_1275 = arith.constant 1.000000e+00 : f32
    %integer_pow3A_1276 = vector.broadcast %integer_pow3A_1275 : f32 to vector<256x1xf32>
    %integer_pow3A_1277 = arith.divf %integer_pow3A_1276, %broadcast_in_dim3A_1274 : vector<256x1xf32>
    %mul3A_1278 = vector.broadcast %integer_pow3A_1277 : vector<256x1xf32> to vector<256x64xf32>
    %mul3A_1279 = arith.mulf %dot_general3A_1269, %mul3A_1278 : vector<256x64xf32>
    %dot_general3A_1280 = arith.constant dense<0.000000e+00> : vector<256x256xf32>
    %dot_general3A_1281 = tpu.matmul %convert_element_type3A_1245, %convert_element_type3A_1252, %dot_general3A_1280 {dimension_numbers = #tpu.dot_dimension_numbers<[1], [1], [0], [0], [0, 0, 1, 0], [], []>, transpose_lhs_hint = false} : vector<256x64xf32>, vector<256x64xf32>, vector<256x256xf32> -> vector<256x256xf32>
    %mul3A_1282 = arith.constant 1.250000e-01 : f32
    %mul3A_1283 = vector.broadcast %mul3A_1282 : f32 to vector<256x256xf32>
    %mul3A_1284 = arith.mulf %dot_general3A_1281, %mul3A_1283 : vector<256x256xf32>
    %exp3A_1285 = math.exp %mul3A_1284 : vector<256x256xf32>
    %concatenate3A_1286 = tpu.concatenate %convert_element_type3A_1259, %broadcast_in_dim3A_94 in 1 : vector<256x64xf32>, vector<256x1xf32> -> vector<256x65xf32>
    %dot_general3A_1287 = arith.constant dense<0.000000e+00> : vector<256x65xf32>
    %dot_general3A_1288 = tpu.matmul %exp3A_1285, %concatenate3A_1286, %dot_general3A_1287 {dimension_numbers = #tpu.dot_dimension_numbers<[1], [0], [0], [1], [0, 0, 1, 1], [], []>, transpose_lhs_hint = false} : vector<256x256xf32>, vector<256x65xf32>, vector<256x65xf32> -> vector<256x65xf32>
    %slice3A_1289 = vector.extract_strided_slice %dot_general3A_1288 {offsets = [0, 0], sizes = [256, 64], strides = [1, 1]} : vector<256x65xf32> to vector<256x64xf32>
    %slice3A_1290 = vector.extract_strided_slice %dot_general3A_1288 {offsets = [0, 64], sizes = [256, 1], strides = [1, 1]} : vector<256x65xf32> to vector<256x1xf32>
    %integer_pow3A_1291 = arith.constant 1.000000e+00 : f32
    %integer_pow3A_1292 = vector.broadcast %integer_pow3A_1291 : f32 to vector<256x1xf32>
    %integer_pow3A_1293 = arith.divf %integer_pow3A_1292, %slice3A_1290 : vector<256x1xf32>
    %mul3A_1294 = vector.broadcast %integer_pow3A_1293 : vector<256x1xf32> to vector<256x64xf32>
    %mul3A_1295 = arith.mulf %slice3A_1289, %mul3A_1294 : vector<256x64xf32>
    %gt3A_1296 = arith.constant 0.000000e+00 : f32
    %gt3A_1297 = vector.broadcast %gt3A_1296 : f32 to vector<256x64xf32>
    %gt3A_1298 = arith.cmpf ogt, %convert_element_type3A_1252, %gt3A_1297 : vector<256x64xf32>
    %add3A_1299 = arith.constant 1.000000e+00 : f32
    %add3A_1300 = vector.broadcast %add3A_1299 : f32 to vector<256x64xf32>
    %add3A_1301 = arith.addf %convert_element_type3A_1252, %add3A_1300 : vector<256x64xf32>
    %exp3A_1302 = math.exp %convert_element_type3A_1252 : vector<256x64xf32>
    %select_n3A_1303 = arith.select %gt3A_1298, %add3A_1301, %exp3A_1302 : vector<256x64xi1>, vector<256x64xf32>
    %dot_general3A_1304 = arith.constant dense<0.000000e+00> : vector<64x64xf32>
    %dot_general3A_1305 = tpu.matmul %select_n3A_1303, %convert_element_type3A_1259, %dot_general3A_1304 {dimension_numbers = #tpu.dot_dimension_numbers<[0], [0], [1], [1], [0, 1, 1, 1], [], []>, transpose_lhs_hint = false} : vector<256x64xf32>, vector<256x64xf32>, vector<64x64xf32> -> vector<64x64xf32>
    %add3A_1306 = arith.addf %add3A_772, %dot_general3A_1305 : vector<64x64xf32>
    %reduce_sum3A_1307 = arith.constant dense<0.000000e+00> : vector<64xf32>
    %reduce_sum3A_1308 = vector.multi_reduction <add>, %select_n3A_1303, %reduce_sum3A_1307 [0] : vector<256x64xf32> to vector<64xf32>
    %broadcast_in_dim3A_1309 = vector.shape_cast %reduce_sum3A_1308 : vector<64xf32> to vector<1x64xf32>
    %add3A_1310 = arith.addf %add3A_776, %broadcast_in_dim3A_1309 : vector<1x64xf32>
    %mul3A_1311 = vector.broadcast %logistic3A_44 : vector<1x64xf32> to vector<256x64xf32>
    %mul3A_1312 = arith.mulf %mul3A_1311, %mul3A_1279 : vector<256x64xf32>
    %sub3A_1313 = arith.constant 1.000000e+00 : f32
    %sub3A_1314 = vector.broadcast %sub3A_1313 : f32 to vector<1x64xf32>
    %sub3A_1315 = arith.subf %sub3A_1314, %logistic3A_44 : vector<1x64xf32>
    %mul3A_1316 = vector.broadcast %sub3A_1315 : vector<1x64xf32> to vector<256x64xf32>
    %mul3A_1317 = arith.mulf %mul3A_1316, %mul3A_1295 : vector<256x64xf32>
    %add3A_1318 = arith.addf %mul3A_1312, %mul3A_1317 : vector<256x64xf32>
    %convert_element_type3A_1319 = arith.truncf %add3A_1318 : vector<256x64xf32> to vector<256x64xbf16>
    %swap3A_1320 = arith.constant 0 : index
    %swap3A_1321 = arith.constant 2 : index
    %swap3A_1322 = arith.constant 1 : index
    %swap3A_1323 = arith.constant 0 : index
    %swap3A_1324 = arith.constant 0 : index
    %swap3A_1325 = vector.load %arg6[%swap3A_1320, %swap3A_1321, %swap3A_1322, %swap3A_1323, %swap3A_1324] : memref<1x4x6x256x64xbf16, #tpu.memory_space<vmem>>, vector<1x1x1x256x64xbf16>
    %swap3A_1326 = vector.shape_cast %swap3A_1325 : vector<1x1x1x256x64xbf16> to vector<256x64xbf16>
    %swap3A_1327 = vector.shape_cast %convert_element_type3A_1319 : vector<256x64xbf16> to vector<1x1x1x256x64xbf16>
    tpu.vector_store %arg6[%swap3A_1320, %swap3A_1321, %swap3A_1322, %swap3A_1323, %swap3A_1324], %swap3A_1327 {strides = array<i32>} : memref<1x4x6x256x64xbf16, #tpu.memory_space<vmem>>, vector<1x1x1x256x64xbf16>,
    %get3A_1328 = arith.constant 0 : index
    %get3A_1329 = arith.constant 2 : index
    %get3A_1330 = arith.constant 512 : index
    %get3A_1331 = arith.constant 0 : index
    %get3A_1332 = vector.load %arg2[%get3A_1328, %get3A_1329, %get3A_1330, %get3A_1331] : memref<1x6x1024x64xbf16, #tpu.memory_space<vmem>>, vector<1x1x256x64xbf16>
    %get3A_1333 = vector.shape_cast %get3A_1332 : vector<1x1x256x64xbf16> to vector<256x64xbf16>
    %convert_element_type3A_1334 = arith.extf %get3A_1333 : vector<256x64xbf16> to vector<256x64xf32>
    %get3A_1335 = arith.constant 0 : index
    %get3A_1336 = arith.constant 2 : index
    %get3A_1337 = arith.constant 512 : index
    %get3A_1338 = arith.constant 0 : index
    %get3A_1339 = vector.load %arg3[%get3A_1335, %get3A_1336, %get3A_1337, %get3A_1338] : memref<1x6x1024x64xbf16, #tpu.memory_space<vmem>>, vector<1x1x256x64xbf16>
    %get3A_1340 = vector.shape_cast %get3A_1339 : vector<1x1x256x64xbf16> to vector<256x64xbf16>
    %convert_element_type3A_1341 = arith.extf %get3A_1340 : vector<256x64xbf16> to vector<256x64xf32>
    %get3A_1342 = arith.constant 0 : index
    %get3A_1343 = arith.constant 2 : index
    %get3A_1344 = arith.constant 512 : index
    %get3A_1345 = arith.constant 0 : index
    %get3A_1346 = vector.load %arg4[%get3A_1342, %get3A_1343, %get3A_1344, %get3A_1345] : memref<1x6x1024x64xbf16, #tpu.memory_space<vmem>>, vector<1x1x256x64xbf16>
    %get3A_1347 = vector.shape_cast %get3A_1346 : vector<1x1x256x64xbf16> to vector<256x64xbf16>
    %convert_element_type3A_1348 = arith.extf %get3A_1347 : vector<256x64xbf16> to vector<256x64xf32>
    %gt3A_1349 = arith.constant 0.000000e+00 : f32
    %gt3A_1350 = vector.broadcast %gt3A_1349 : f32 to vector<256x64xf32>
    %gt3A_1351 = arith.cmpf ogt, %convert_element_type3A_1334, %gt3A_1350 : vector<256x64xf32>
    %add3A_1352 = arith.constant 1.000000e+00 : f32
    %add3A_1353 = vector.broadcast %add3A_1352 : f32 to vector<256x64xf32>
    %add3A_1354 = arith.addf %convert_element_type3A_1334, %add3A_1353 : vector<256x64xf32>
    %exp3A_1355 = math.exp %convert_element_type3A_1334 : vector<256x64xf32>
    %select_n3A_1356 = arith.select %gt3A_1351, %add3A_1354, %exp3A_1355 : vector<256x64xi1>, vector<256x64xf32>
    %dot_general3A_1357 = arith.constant dense<0.000000e+00> : vector<256x64xf32>
    %dot_general3A_1358 = tpu.matmul %select_n3A_1356, %add3A_861, %dot_general3A_1357 {dimension_numbers = #tpu.dot_dimension_numbers<[1], [0], [0], [1], [0, 0, 1, 1], [], []>, transpose_lhs_hint = false} : vector<256x64xf32>, vector<64x64xf32>, vector<256x64xf32> -> vector<256x64xf32>
    %mul3A_1359 = vector.broadcast %add3A_865 : vector<1x64xf32> to vector<256x64xf32>
    %mul3A_1360 = arith.mulf %select_n3A_1356, %mul3A_1359 : vector<256x64xf32>
    %reduce_sum3A_1361 = arith.constant dense<0.000000e+00> : vector<256xf32>
    %reduce_sum3A_1362 = vector.multi_reduction <add>, %mul3A_1360, %reduce_sum3A_1361 [1] : vector<256x64xf32> to vector<256xf32>
    %broadcast_in_dim3A_1363 = vector.shape_cast %reduce_sum3A_1362 : vector<256xf32> to vector<256x1xf32>
    %integer_pow3A_1364 = arith.constant 1.000000e+00 : f32
    %integer_pow3A_1365 = vector.broadcast %integer_pow3A_1364 : f32 to vector<256x1xf32>
    %integer_pow3A_1366 = arith.divf %integer_pow3A_1365, %broadcast_in_dim3A_1363 : vector<256x1xf32>
    %mul3A_1367 = vector.broadcast %integer_pow3A_1366 : vector<256x1xf32> to vector<256x64xf32>
    %mul3A_1368 = arith.mulf %dot_general3A_1358, %mul3A_1367 : vector<256x64xf32>
    %dot_general3A_1369 = arith.constant dense<0.000000e+00> : vector<256x256xf32>
    %dot_general3A_1370 = tpu.matmul %convert_element_type3A_1334, %convert_element_type3A_1341, %dot_general3A_1369 {dimension_numbers = #tpu.dot_dimension_numbers<[1], [1], [0], [0], [0, 0, 1, 0], [], []>, transpose_lhs_hint = false} : vector<256x64xf32>, vector<256x64xf32>, vector<256x256xf32> -> vector<256x256xf32>
    %mul3A_1371 = arith.constant 1.250000e-01 : f32
    %mul3A_1372 = vector.broadcast %mul3A_1371 : f32 to vector<256x256xf32>
    %mul3A_1373 = arith.mulf %dot_general3A_1370, %mul3A_1372 : vector<256x256xf32>
    %exp3A_1374 = math.exp %mul3A_1373 : vector<256x256xf32>
    %concatenate3A_1375 = tpu.concatenate %convert_element_type3A_1348, %broadcast_in_dim3A_94 in 1 : vector<256x64xf32>, vector<256x1xf32> -> vector<256x65xf32>
    %dot_general3A_1376 = arith.constant dense<0.000000e+00> : vector<256x65xf32>
    %dot_general3A_1377 = tpu.matmul %exp3A_1374, %concatenate3A_1375, %dot_general3A_1376 {dimension_numbers = #tpu.dot_dimension_numbers<[1], [0], [0], [1], [0, 0, 1, 1], [], []>, transpose_lhs_hint = false} : vector<256x256xf32>, vector<256x65xf32>, vector<256x65xf32> -> vector<256x65xf32>
    %slice3A_1378 = vector.extract_strided_slice %dot_general3A_1377 {offsets = [0, 0], sizes = [256, 64], strides = [1, 1]} : vector<256x65xf32> to vector<256x64xf32>
    %slice3A_1379 = vector.extract_strided_slice %dot_general3A_1377 {offsets = [0, 64], sizes = [256, 1], strides = [1, 1]} : vector<256x65xf32> to vector<256x1xf32>
    %integer_pow3A_1380 = arith.constant 1.000000e+00 : f32
    %integer_pow3A_1381 = vector.broadcast %integer_pow3A_1380 : f32 to vector<256x1xf32>
    %integer_pow3A_1382 = arith.divf %integer_pow3A_1381, %slice3A_1379 : vector<256x1xf32>
    %mul3A_1383 = vector.broadcast %integer_pow3A_1382 : vector<256x1xf32> to vector<256x64xf32>
    %mul3A_1384 = arith.mulf %slice3A_1378, %mul3A_1383 : vector<256x64xf32>
    %gt3A_1385 = arith.constant 0.000000e+00 : f32
    %gt3A_1386 = vector.broadcast %gt3A_1385 : f32 to vector<256x64xf32>
    %gt3A_1387 = arith.cmpf ogt, %convert_element_type3A_1341, %gt3A_1386 : vector<256x64xf32>
    %add3A_1388 = arith.constant 1.000000e+00 : f32
    %add3A_1389 = vector.broadcast %add3A_1388 : f32 to vector<256x64xf32>
    %add3A_1390 = arith.addf %convert_element_type3A_1341, %add3A_1389 : vector<256x64xf32>
    %exp3A_1391 = math.exp %convert_element_type3A_1341 : vector<256x64xf32>
    %select_n3A_1392 = arith.select %gt3A_1387, %add3A_1390, %exp3A_1391 : vector<256x64xi1>, vector<256x64xf32>
    %dot_general3A_1393 = arith.constant dense<0.000000e+00> : vector<64x64xf32>
    %dot_general3A_1394 = tpu.matmul %select_n3A_1392, %convert_element_type3A_1348, %dot_general3A_1393 {dimension_numbers = #tpu.dot_dimension_numbers<[0], [0], [1], [1], [0, 1, 1, 1], [], []>, transpose_lhs_hint = false} : vector<256x64xf32>, vector<256x64xf32>, vector<64x64xf32> -> vector<64x64xf32>
    %add3A_1395 = arith.addf %add3A_861, %dot_general3A_1394 : vector<64x64xf32>
    %reduce_sum3A_1396 = arith.constant dense<0.000000e+00> : vector<64xf32>
    %reduce_sum3A_1397 = vector.multi_reduction <add>, %select_n3A_1392, %reduce_sum3A_1396 [0] : vector<256x64xf32> to vector<64xf32>
    %broadcast_in_dim3A_1398 = vector.shape_cast %reduce_sum3A_1397 : vector<64xf32> to vector<1x64xf32>
    %add3A_1399 = arith.addf %add3A_865, %broadcast_in_dim3A_1398 : vector<1x64xf32>
    %mul3A_1400 = vector.broadcast %logistic3A_56 : vector<1x64xf32> to vector<256x64xf32>
    %mul3A_1401 = arith.mulf %mul3A_1400, %mul3A_1368 : vector<256x64xf32>
    %sub3A_1402 = arith.constant 1.000000e+00 : f32
    %sub3A_1403 = vector.broadcast %sub3A_1402 : f32 to vector<1x64xf32>
    %sub3A_1404 = arith.subf %sub3A_1403, %logistic3A_56 : vector<1x64xf32>
    %mul3A_1405 = vector.broadcast %sub3A_1404 : vector<1x64xf32> to vector<256x64xf32>
    %mul3A_1406 = arith.mulf %mul3A_1405, %mul3A_1384 : vector<256x64xf32>
    %add3A_1407 = arith.addf %mul3A_1401, %mul3A_1406 : vector<256x64xf32>
    %convert_element_type3A_1408 = arith.truncf %add3A_1407 : vector<256x64xf32> to vector<256x64xbf16>
    %swap3A_1409 = arith.constant 0 : index
    %swap3A_1410 = arith.constant 2 : index
    %swap3A_1411 = arith.constant 2 : index
    %swap3A_1412 = arith.constant 0 : index
    %swap3A_1413 = arith.constant 0 : index
    %swap3A_1414 = vector.load %arg6[%swap3A_1409, %swap3A_1410, %swap3A_1411, %swap3A_1412, %swap3A_1413] : memref<1x4x6x256x64xbf16, #tpu.memory_space<vmem>>, vector<1x1x1x256x64xbf16>
    %swap3A_1415 = vector.shape_cast %swap3A_1414 : vector<1x1x1x256x64xbf16> to vector<256x64xbf16>
    %swap3A_1416 = vector.shape_cast %convert_element_type3A_1408 : vector<256x64xbf16> to vector<1x1x1x256x64xbf16>
    tpu.vector_store %arg6[%swap3A_1409, %swap3A_1410, %swap3A_1411, %swap3A_1412, %swap3A_1413], %swap3A_1416 {strides = array<i32>} : memref<1x4x6x256x64xbf16, #tpu.memory_space<vmem>>, vector<1x1x1x256x64xbf16>,
    %get3A_1417 = arith.constant 0 : index
    %get3A_1418 = arith.constant 3 : index
    %get3A_1419 = arith.constant 512 : index
    %get3A_1420 = arith.constant 0 : index
    %get3A_1421 = vector.load %arg2[%get3A_1417, %get3A_1418, %get3A_1419, %get3A_1420] : memref<1x6x1024x64xbf16, #tpu.memory_space<vmem>>, vector<1x1x256x64xbf16>
    %get3A_1422 = vector.shape_cast %get3A_1421 : vector<1x1x256x64xbf16> to vector<256x64xbf16>
    %convert_element_type3A_1423 = arith.extf %get3A_1422 : vector<256x64xbf16> to vector<256x64xf32>
    %get3A_1424 = arith.constant 0 : index
    %get3A_1425 = arith.constant 3 : index
    %get3A_1426 = arith.constant 512 : index
    %get3A_1427 = arith.constant 0 : index
    %get3A_1428 = vector.load %arg3[%get3A_1424, %get3A_1425, %get3A_1426, %get3A_1427] : memref<1x6x1024x64xbf16, #tpu.memory_space<vmem>>, vector<1x1x256x64xbf16>
    %get3A_1429 = vector.shape_cast %get3A_1428 : vector<1x1x256x64xbf16> to vector<256x64xbf16>
    %convert_element_type3A_1430 = arith.extf %get3A_1429 : vector<256x64xbf16> to vector<256x64xf32>
    %get3A_1431 = arith.constant 0 : index
    %get3A_1432 = arith.constant 3 : index
    %get3A_1433 = arith.constant 512 : index
    %get3A_1434 = arith.constant 0 : index
    %get3A_1435 = vector.load %arg4[%get3A_1431, %get3A_1432, %get3A_1433, %get3A_1434] : memref<1x6x1024x64xbf16, #tpu.memory_space<vmem>>, vector<1x1x256x64xbf16>
    %get3A_1436 = vector.shape_cast %get3A_1435 : vector<1x1x256x64xbf16> to vector<256x64xbf16>
    %convert_element_type3A_1437 = arith.extf %get3A_1436 : vector<256x64xbf16> to vector<256x64xf32>
    %gt3A_1438 = arith.constant 0.000000e+00 : f32
    %gt3A_1439 = vector.broadcast %gt3A_1438 : f32 to vector<256x64xf32>
    %gt3A_1440 = arith.cmpf ogt, %convert_element_type3A_1423, %gt3A_1439 : vector<256x64xf32>
    %add3A_1441 = arith.constant 1.000000e+00 : f32
    %add3A_1442 = vector.broadcast %add3A_1441 : f32 to vector<256x64xf32>
    %add3A_1443 = arith.addf %convert_element_type3A_1423, %add3A_1442 : vector<256x64xf32>
    %exp3A_1444 = math.exp %convert_element_type3A_1423 : vector<256x64xf32>
    %select_n3A_1445 = arith.select %gt3A_1440, %add3A_1443, %exp3A_1444 : vector<256x64xi1>, vector<256x64xf32>
    %dot_general3A_1446 = arith.constant dense<0.000000e+00> : vector<256x64xf32>
    %dot_general3A_1447 = tpu.matmul %select_n3A_1445, %add3A_950, %dot_general3A_1446 {dimension_numbers = #tpu.dot_dimension_numbers<[1], [0], [0], [1], [0, 0, 1, 1], [], []>, transpose_lhs_hint = false} : vector<256x64xf32>, vector<64x64xf32>, vector<256x64xf32> -> vector<256x64xf32>
    %mul3A_1448 = vector.broadcast %add3A_954 : vector<1x64xf32> to vector<256x64xf32>
    %mul3A_1449 = arith.mulf %select_n3A_1445, %mul3A_1448 : vector<256x64xf32>
    %reduce_sum3A_1450 = arith.constant dense<0.000000e+00> : vector<256xf32>
    %reduce_sum3A_1451 = vector.multi_reduction <add>, %mul3A_1449, %reduce_sum3A_1450 [1] : vector<256x64xf32> to vector<256xf32>
    %broadcast_in_dim3A_1452 = vector.shape_cast %reduce_sum3A_1451 : vector<256xf32> to vector<256x1xf32>
    %integer_pow3A_1453 = arith.constant 1.000000e+00 : f32
    %integer_pow3A_1454 = vector.broadcast %integer_pow3A_1453 : f32 to vector<256x1xf32>
    %integer_pow3A_1455 = arith.divf %integer_pow3A_1454, %broadcast_in_dim3A_1452 : vector<256x1xf32>
    %mul3A_1456 = vector.broadcast %integer_pow3A_1455 : vector<256x1xf32> to vector<256x64xf32>
    %mul3A_1457 = arith.mulf %dot_general3A_1447, %mul3A_1456 : vector<256x64xf32>
    %dot_general3A_1458 = arith.constant dense<0.000000e+00> : vector<256x256xf32>
    %dot_general3A_1459 = tpu.matmul %convert_element_type3A_1423, %convert_element_type3A_1430, %dot_general3A_1458 {dimension_numbers = #tpu.dot_dimension_numbers<[1], [1], [0], [0], [0, 0, 1, 0], [], []>, transpose_lhs_hint = false} : vector<256x64xf32>, vector<256x64xf32>, vector<256x256xf32> -> vector<256x256xf32>
    %mul3A_1460 = arith.constant 1.250000e-01 : f32
    %mul3A_1461 = vector.broadcast %mul3A_1460 : f32 to vector<256x256xf32>
    %mul3A_1462 = arith.mulf %dot_general3A_1459, %mul3A_1461 : vector<256x256xf32>
    %exp3A_1463 = math.exp %mul3A_1462 : vector<256x256xf32>
    %concatenate3A_1464 = tpu.concatenate %convert_element_type3A_1437, %broadcast_in_dim3A_94 in 1 : vector<256x64xf32>, vector<256x1xf32> -> vector<256x65xf32>
    %dot_general3A_1465 = arith.constant dense<0.000000e+00> : vector<256x65xf32>
    %dot_general3A_1466 = tpu.matmul %exp3A_1463, %concatenate3A_1464, %dot_general3A_1465 {dimension_numbers = #tpu.dot_dimension_numbers<[1], [0], [0], [1], [0, 0, 1, 1], [], []>, transpose_lhs_hint = false} : vector<256x256xf32>, vector<256x65xf32>, vector<256x65xf32> -> vector<256x65xf32>
    %slice3A_1467 = vector.extract_strided_slice %dot_general3A_1466 {offsets = [0, 0], sizes = [256, 64], strides = [1, 1]} : vector<256x65xf32> to vector<256x64xf32>
    %slice3A_1468 = vector.extract_strided_slice %dot_general3A_1466 {offsets = [0, 64], sizes = [256, 1], strides = [1, 1]} : vector<256x65xf32> to vector<256x1xf32>
    %integer_pow3A_1469 = arith.constant 1.000000e+00 : f32
    %integer_pow3A_1470 = vector.broadcast %integer_pow3A_1469 : f32 to vector<256x1xf32>
    %integer_pow3A_1471 = arith.divf %integer_pow3A_1470, %slice3A_1468 : vector<256x1xf32>
    %mul3A_1472 = vector.broadcast %integer_pow3A_1471 : vector<256x1xf32> to vector<256x64xf32>
    %mul3A_1473 = arith.mulf %slice3A_1467, %mul3A_1472 : vector<256x64xf32>
    %gt3A_1474 = arith.constant 0.000000e+00 : f32
    %gt3A_1475 = vector.broadcast %gt3A_1474 : f32 to vector<256x64xf32>
    %gt3A_1476 = arith.cmpf ogt, %convert_element_type3A_1430, %gt3A_1475 : vector<256x64xf32>
    %add3A_1477 = arith.constant 1.000000e+00 : f32
    %add3A_1478 = vector.broadcast %add3A_1477 : f32 to vector<256x64xf32>
    %add3A_1479 = arith.addf %convert_element_type3A_1430, %add3A_1478 : vector<256x64xf32>
    %exp3A_1480 = math.exp %convert_element_type3A_1430 : vector<256x64xf32>
    %select_n3A_1481 = arith.select %gt3A_1476, %add3A_1479, %exp3A_1480 : vector<256x64xi1>, vector<256x64xf32>
    %dot_general3A_1482 = arith.constant dense<0.000000e+00> : vector<64x64xf32>
    %dot_general3A_1483 = tpu.matmul %select_n3A_1481, %convert_element_type3A_1437, %dot_general3A_1482 {dimension_numbers = #tpu.dot_dimension_numbers<[0], [0], [1], [1], [0, 1, 1, 1], [], []>, transpose_lhs_hint = false} : vector<256x64xf32>, vector<256x64xf32>, vector<64x64xf32> -> vector<64x64xf32>
    %add3A_1484 = arith.addf %add3A_950, %dot_general3A_1483 : vector<64x64xf32>
    %reduce_sum3A_1485 = arith.constant dense<0.000000e+00> : vector<64xf32>
    %reduce_sum3A_1486 = vector.multi_reduction <add>, %select_n3A_1481, %reduce_sum3A_1485 [0] : vector<256x64xf32> to vector<64xf32>
    %broadcast_in_dim3A_1487 = vector.shape_cast %reduce_sum3A_1486 : vector<64xf32> to vector<1x64xf32>
    %add3A_1488 = arith.addf %add3A_954, %broadcast_in_dim3A_1487 : vector<1x64xf32>
    %mul3A_1489 = vector.broadcast %logistic3A_68 : vector<1x64xf32> to vector<256x64xf32>
    %mul3A_1490 = arith.mulf %mul3A_1489, %mul3A_1457 : vector<256x64xf32>
    %sub3A_1491 = arith.constant 1.000000e+00 : f32
    %sub3A_1492 = vector.broadcast %sub3A_1491 : f32 to vector<1x64xf32>
    %sub3A_1493 = arith.subf %sub3A_1492, %logistic3A_68 : vector<1x64xf32>
    %mul3A_1494 = vector.broadcast %sub3A_1493 : vector<1x64xf32> to vector<256x64xf32>
    %mul3A_1495 = arith.mulf %mul3A_1494, %mul3A_1473 : vector<256x64xf32>
    %add3A_1496 = arith.addf %mul3A_1490, %mul3A_1495 : vector<256x64xf32>
    %convert_element_type3A_1497 = arith.truncf %add3A_1496 : vector<256x64xf32> to vector<256x64xbf16>
    %swap3A_1498 = arith.constant 0 : index
    %swap3A_1499 = arith.constant 2 : index
    %swap3A_1500 = arith.constant 3 : index
    %swap3A_1501 = arith.constant 0 : index
    %swap3A_1502 = arith.constant 0 : index
    %swap3A_1503 = vector.load %arg6[%swap3A_1498, %swap3A_1499, %swap3A_1500, %swap3A_1501, %swap3A_1502] : memref<1x4x6x256x64xbf16, #tpu.memory_space<vmem>>, vector<1x1x1x256x64xbf16>
    %swap3A_1504 = vector.shape_cast %swap3A_1503 : vector<1x1x1x256x64xbf16> to vector<256x64xbf16>
    %swap3A_1505 = vector.shape_cast %convert_element_type3A_1497 : vector<256x64xbf16> to vector<1x1x1x256x64xbf16>
    tpu.vector_store %arg6[%swap3A_1498, %swap3A_1499, %swap3A_1500, %swap3A_1501, %swap3A_1502], %swap3A_1505 {strides = array<i32>} : memref<1x4x6x256x64xbf16, #tpu.memory_space<vmem>>, vector<1x1x1x256x64xbf16>,
    %get3A_1506 = arith.constant 0 : index
    %get3A_1507 = arith.constant 4 : index
    %get3A_1508 = arith.constant 512 : index
    %get3A_1509 = arith.constant 0 : index
    %get3A_1510 = vector.load %arg2[%get3A_1506, %get3A_1507, %get3A_1508, %get3A_1509] : memref<1x6x1024x64xbf16, #tpu.memory_space<vmem>>, vector<1x1x256x64xbf16>
    %get3A_1511 = vector.shape_cast %get3A_1510 : vector<1x1x256x64xbf16> to vector<256x64xbf16>
    %convert_element_type3A_1512 = arith.extf %get3A_1511 : vector<256x64xbf16> to vector<256x64xf32>
    %get3A_1513 = arith.constant 0 : index
    %get3A_1514 = arith.constant 4 : index
    %get3A_1515 = arith.constant 512 : index
    %get3A_1516 = arith.constant 0 : index
    %get3A_1517 = vector.load %arg3[%get3A_1513, %get3A_1514, %get3A_1515, %get3A_1516] : memref<1x6x1024x64xbf16, #tpu.memory_space<vmem>>, vector<1x1x256x64xbf16>
    %get3A_1518 = vector.shape_cast %get3A_1517 : vector<1x1x256x64xbf16> to vector<256x64xbf16>
    %convert_element_type3A_1519 = arith.extf %get3A_1518 : vector<256x64xbf16> to vector<256x64xf32>
    %get3A_1520 = arith.constant 0 : index
    %get3A_1521 = arith.constant 4 : index
    %get3A_1522 = arith.constant 512 : index
    %get3A_1523 = arith.constant 0 : index
    %get3A_1524 = vector.load %arg4[%get3A_1520, %get3A_1521, %get3A_1522, %get3A_1523] : memref<1x6x1024x64xbf16, #tpu.memory_space<vmem>>, vector<1x1x256x64xbf16>
    %get3A_1525 = vector.shape_cast %get3A_1524 : vector<1x1x256x64xbf16> to vector<256x64xbf16>
    %convert_element_type3A_1526 = arith.extf %get3A_1525 : vector<256x64xbf16> to vector<256x64xf32>
    %gt3A_1527 = arith.constant 0.000000e+00 : f32
    %gt3A_1528 = vector.broadcast %gt3A_1527 : f32 to vector<256x64xf32>
    %gt3A_1529 = arith.cmpf ogt, %convert_element_type3A_1512, %gt3A_1528 : vector<256x64xf32>
    %add3A_1530 = arith.constant 1.000000e+00 : f32
    %add3A_1531 = vector.broadcast %add3A_1530 : f32 to vector<256x64xf32>
    %add3A_1532 = arith.addf %convert_element_type3A_1512, %add3A_1531 : vector<256x64xf32>
    %exp3A_1533 = math.exp %convert_element_type3A_1512 : vector<256x64xf32>
    %select_n3A_1534 = arith.select %gt3A_1529, %add3A_1532, %exp3A_1533 : vector<256x64xi1>, vector<256x64xf32>
    %dot_general3A_1535 = arith.constant dense<0.000000e+00> : vector<256x64xf32>
    %dot_general3A_1536 = tpu.matmul %select_n3A_1534, %add3A_1039, %dot_general3A_1535 {dimension_numbers = #tpu.dot_dimension_numbers<[1], [0], [0], [1], [0, 0, 1, 1], [], []>, transpose_lhs_hint = false} : vector<256x64xf32>, vector<64x64xf32>, vector<256x64xf32> -> vector<256x64xf32>
    %mul3A_1537 = vector.broadcast %add3A_1043 : vector<1x64xf32> to vector<256x64xf32>
    %mul3A_1538 = arith.mulf %select_n3A_1534, %mul3A_1537 : vector<256x64xf32>
    %reduce_sum3A_1539 = arith.constant dense<0.000000e+00> : vector<256xf32>
    %reduce_sum3A_1540 = vector.multi_reduction <add>, %mul3A_1538, %reduce_sum3A_1539 [1] : vector<256x64xf32> to vector<256xf32>
    %broadcast_in_dim3A_1541 = vector.shape_cast %reduce_sum3A_1540 : vector<256xf32> to vector<256x1xf32>
    %integer_pow3A_1542 = arith.constant 1.000000e+00 : f32
    %integer_pow3A_1543 = vector.broadcast %integer_pow3A_1542 : f32 to vector<256x1xf32>
    %integer_pow3A_1544 = arith.divf %integer_pow3A_1543, %broadcast_in_dim3A_1541 : vector<256x1xf32>
    %mul3A_1545 = vector.broadcast %integer_pow3A_1544 : vector<256x1xf32> to vector<256x64xf32>
    %mul3A_1546 = arith.mulf %dot_general3A_1536, %mul3A_1545 : vector<256x64xf32>
    %dot_general3A_1547 = arith.constant dense<0.000000e+00> : vector<256x256xf32>
    %dot_general3A_1548 = tpu.matmul %convert_element_type3A_1512, %convert_element_type3A_1519, %dot_general3A_1547 {dimension_numbers = #tpu.dot_dimension_numbers<[1], [1], [0], [0], [0, 0, 1, 0], [], []>, transpose_lhs_hint = false} : vector<256x64xf32>, vector<256x64xf32>, vector<256x256xf32> -> vector<256x256xf32>
    %mul3A_1549 = arith.constant 1.250000e-01 : f32
    %mul3A_1550 = vector.broadcast %mul3A_1549 : f32 to vector<256x256xf32>
    %mul3A_1551 = arith.mulf %dot_general3A_1548, %mul3A_1550 : vector<256x256xf32>
    %exp3A_1552 = math.exp %mul3A_1551 : vector<256x256xf32>
    %concatenate3A_1553 = tpu.concatenate %convert_element_type3A_1526, %broadcast_in_dim3A_94 in 1 : vector<256x64xf32>, vector<256x1xf32> -> vector<256x65xf32>
    %dot_general3A_1554 = arith.constant dense<0.000000e+00> : vector<256x65xf32>
    %dot_general3A_1555 = tpu.matmul %exp3A_1552, %concatenate3A_1553, %dot_general3A_1554 {dimension_numbers = #tpu.dot_dimension_numbers<[1], [0], [0], [1], [0, 0, 1, 1], [], []>, transpose_lhs_hint = false} : vector<256x256xf32>, vector<256x65xf32>, vector<256x65xf32> -> vector<256x65xf32>
    %slice3A_1556 = vector.extract_strided_slice %dot_general3A_1555 {offsets = [0, 0], sizes = [256, 64], strides = [1, 1]} : vector<256x65xf32> to vector<256x64xf32>
    %slice3A_1557 = vector.extract_strided_slice %dot_general3A_1555 {offsets = [0, 64], sizes = [256, 1], strides = [1, 1]} : vector<256x65xf32> to vector<256x1xf32>
    %integer_pow3A_1558 = arith.constant 1.000000e+00 : f32
    %integer_pow3A_1559 = vector.broadcast %integer_pow3A_1558 : f32 to vector<256x1xf32>
    %integer_pow3A_1560 = arith.divf %integer_pow3A_1559, %slice3A_1557 : vector<256x1xf32>
    %mul3A_1561 = vector.broadcast %integer_pow3A_1560 : vector<256x1xf32> to vector<256x64xf32>
    %mul3A_1562 = arith.mulf %slice3A_1556, %mul3A_1561 : vector<256x64xf32>
    %gt3A_1563 = arith.constant 0.000000e+00 : f32
    %gt3A_1564 = vector.broadcast %gt3A_1563 : f32 to vector<256x64xf32>
    %gt3A_1565 = arith.cmpf ogt, %convert_element_type3A_1519, %gt3A_1564 : vector<256x64xf32>
    %add3A_1566 = arith.constant 1.000000e+00 : f32
    %add3A_1567 = vector.broadcast %add3A_1566 : f32 to vector<256x64xf32>
    %add3A_1568 = arith.addf %convert_element_type3A_1519, %add3A_1567 : vector<256x64xf32>
    %exp3A_1569 = math.exp %convert_element_type3A_1519 : vector<256x64xf32>
    %select_n3A_1570 = arith.select %gt3A_1565, %add3A_1568, %exp3A_1569 : vector<256x64xi1>, vector<256x64xf32>
    %dot_general3A_1571 = arith.constant dense<0.000000e+00> : vector<64x64xf32>
    %dot_general3A_1572 = tpu.matmul %select_n3A_1570, %convert_element_type3A_1526, %dot_general3A_1571 {dimension_numbers = #tpu.dot_dimension_numbers<[0], [0], [1], [1], [0, 1, 1, 1], [], []>, transpose_lhs_hint = false} : vector<256x64xf32>, vector<256x64xf32>, vector<64x64xf32> -> vector<64x64xf32>
    %add3A_1573 = arith.addf %add3A_1039, %dot_general3A_1572 : vector<64x64xf32>
    %reduce_sum3A_1574 = arith.constant dense<0.000000e+00> : vector<64xf32>
    %reduce_sum3A_1575 = vector.multi_reduction <add>, %select_n3A_1570, %reduce_sum3A_1574 [0] : vector<256x64xf32> to vector<64xf32>
    %broadcast_in_dim3A_1576 = vector.shape_cast %reduce_sum3A_1575 : vector<64xf32> to vector<1x64xf32>
    %add3A_1577 = arith.addf %add3A_1043, %broadcast_in_dim3A_1576 : vector<1x64xf32>
    %mul3A_1578 = vector.broadcast %logistic3A_80 : vector<1x64xf32> to vector<256x64xf32>
    %mul3A_1579 = arith.mulf %mul3A_1578, %mul3A_1546 : vector<256x64xf32>
    %sub3A_1580 = arith.constant 1.000000e+00 : f32
    %sub3A_1581 = vector.broadcast %sub3A_1580 : f32 to vector<1x64xf32>
    %sub3A_1582 = arith.subf %sub3A_1581, %logistic3A_80 : vector<1x64xf32>
    %mul3A_1583 = vector.broadcast %sub3A_1582 : vector<1x64xf32> to vector<256x64xf32>
    %mul3A_1584 = arith.mulf %mul3A_1583, %mul3A_1562 : vector<256x64xf32>
    %add3A_1585 = arith.addf %mul3A_1579, %mul3A_1584 : vector<256x64xf32>
    %convert_element_type3A_1586 = arith.truncf %add3A_1585 : vector<256x64xf32> to vector<256x64xbf16>
    %swap3A_1587 = arith.constant 0 : index
    %swap3A_1588 = arith.constant 2 : index
    %swap3A_1589 = arith.constant 4 : index
    %swap3A_1590 = arith.constant 0 : index
    %swap3A_1591 = arith.constant 0 : index
    %swap3A_1592 = vector.load %arg6[%swap3A_1587, %swap3A_1588, %swap3A_1589, %swap3A_1590, %swap3A_1591] : memref<1x4x6x256x64xbf16, #tpu.memory_space<vmem>>, vector<1x1x1x256x64xbf16>
    %swap3A_1593 = vector.shape_cast %swap3A_1592 : vector<1x1x1x256x64xbf16> to vector<256x64xbf16>
    %swap3A_1594 = vector.shape_cast %convert_element_type3A_1586 : vector<256x64xbf16> to vector<1x1x1x256x64xbf16>
    tpu.vector_store %arg6[%swap3A_1587, %swap3A_1588, %swap3A_1589, %swap3A_1590, %swap3A_1591], %swap3A_1594 {strides = array<i32>} : memref<1x4x6x256x64xbf16, #tpu.memory_space<vmem>>, vector<1x1x1x256x64xbf16>,
    %get3A_1595 = arith.constant 0 : index
    %get3A_1596 = arith.constant 5 : index
    %get3A_1597 = arith.constant 512 : index
    %get3A_1598 = arith.constant 0 : index
    %get3A_1599 = vector.load %arg2[%get3A_1595, %get3A_1596, %get3A_1597, %get3A_1598] : memref<1x6x1024x64xbf16, #tpu.memory_space<vmem>>, vector<1x1x256x64xbf16>
    %get3A_1600 = vector.shape_cast %get3A_1599 : vector<1x1x256x64xbf16> to vector<256x64xbf16>
    %convert_element_type3A_1601 = arith.extf %get3A_1600 : vector<256x64xbf16> to vector<256x64xf32>
    %get3A_1602 = arith.constant 0 : index
    %get3A_1603 = arith.constant 5 : index
    %get3A_1604 = arith.constant 512 : index
    %get3A_1605 = arith.constant 0 : index
    %get3A_1606 = vector.load %arg3[%get3A_1602, %get3A_1603, %get3A_1604, %get3A_1605] : memref<1x6x1024x64xbf16, #tpu.memory_space<vmem>>, vector<1x1x256x64xbf16>
    %get3A_1607 = vector.shape_cast %get3A_1606 : vector<1x1x256x64xbf16> to vector<256x64xbf16>
    %convert_element_type3A_1608 = arith.extf %get3A_1607 : vector<256x64xbf16> to vector<256x64xf32>
    %get3A_1609 = arith.constant 0 : index
    %get3A_1610 = arith.constant 5 : index
    %get3A_1611 = arith.constant 512 : index
    %get3A_1612 = arith.constant 0 : index
    %get3A_1613 = vector.load %arg4[%get3A_1609, %get3A_1610, %get3A_1611, %get3A_1612] : memref<1x6x1024x64xbf16, #tpu.memory_space<vmem>>, vector<1x1x256x64xbf16>
    %get3A_1614 = vector.shape_cast %get3A_1613 : vector<1x1x256x64xbf16> to vector<256x64xbf16>
    %convert_element_type3A_1615 = arith.extf %get3A_1614 : vector<256x64xbf16> to vector<256x64xf32>
    %gt3A_1616 = arith.constant 0.000000e+00 : f32
    %gt3A_1617 = vector.broadcast %gt3A_1616 : f32 to vector<256x64xf32>
    %gt3A_1618 = arith.cmpf ogt, %convert_element_type3A_1601, %gt3A_1617 : vector<256x64xf32>
    %add3A_1619 = arith.constant 1.000000e+00 : f32
    %add3A_1620 = vector.broadcast %add3A_1619 : f32 to vector<256x64xf32>
    %add3A_1621 = arith.addf %convert_element_type3A_1601, %add3A_1620 : vector<256x64xf32>
    %exp3A_1622 = math.exp %convert_element_type3A_1601 : vector<256x64xf32>
    %select_n3A_1623 = arith.select %gt3A_1618, %add3A_1621, %exp3A_1622 : vector<256x64xi1>, vector<256x64xf32>
    %dot_general3A_1624 = arith.constant dense<0.000000e+00> : vector<256x64xf32>
    %dot_general3A_1625 = tpu.matmul %select_n3A_1623, %add3A_1128, %dot_general3A_1624 {dimension_numbers = #tpu.dot_dimension_numbers<[1], [0], [0], [1], [0, 0, 1, 1], [], []>, transpose_lhs_hint = false} : vector<256x64xf32>, vector<64x64xf32>, vector<256x64xf32> -> vector<256x64xf32>
    %mul3A_1626 = vector.broadcast %add3A_1132 : vector<1x64xf32> to vector<256x64xf32>
    %mul3A_1627 = arith.mulf %select_n3A_1623, %mul3A_1626 : vector<256x64xf32>
    %reduce_sum3A_1628 = arith.constant dense<0.000000e+00> : vector<256xf32>
    %reduce_sum3A_1629 = vector.multi_reduction <add>, %mul3A_1627, %reduce_sum3A_1628 [1] : vector<256x64xf32> to vector<256xf32>
    %broadcast_in_dim3A_1630 = vector.shape_cast %reduce_sum3A_1629 : vector<256xf32> to vector<256x1xf32>
    %integer_pow3A_1631 = arith.constant 1.000000e+00 : f32
    %integer_pow3A_1632 = vector.broadcast %integer_pow3A_1631 : f32 to vector<256x1xf32>
    %integer_pow3A_1633 = arith.divf %integer_pow3A_1632, %broadcast_in_dim3A_1630 : vector<256x1xf32>
    %mul3A_1634 = vector.broadcast %integer_pow3A_1633 : vector<256x1xf32> to vector<256x64xf32>
    %mul3A_1635 = arith.mulf %dot_general3A_1625, %mul3A_1634 : vector<256x64xf32>
    %dot_general3A_1636 = arith.constant dense<0.000000e+00> : vector<256x256xf32>
    %dot_general3A_1637 = tpu.matmul %convert_element_type3A_1601, %convert_element_type3A_1608, %dot_general3A_1636 {dimension_numbers = #tpu.dot_dimension_numbers<[1], [1], [0], [0], [0, 0, 1, 0], [], []>, transpose_lhs_hint = false} : vector<256x64xf32>, vector<256x64xf32>, vector<256x256xf32> -> vector<256x256xf32>
    %mul3A_1638 = arith.constant 1.250000e-01 : f32
    %mul3A_1639 = vector.broadcast %mul3A_1638 : f32 to vector<256x256xf32>
    %mul3A_1640 = arith.mulf %dot_general3A_1637, %mul3A_1639 : vector<256x256xf32>
    %exp3A_1641 = math.exp %mul3A_1640 : vector<256x256xf32>
    %concatenate3A_1642 = tpu.concatenate %convert_element_type3A_1615, %broadcast_in_dim3A_94 in 1 : vector<256x64xf32>, vector<256x1xf32> -> vector<256x65xf32>
    %dot_general3A_1643 = arith.constant dense<0.000000e+00> : vector<256x65xf32>
    %dot_general3A_1644 = tpu.matmul %exp3A_1641, %concatenate3A_1642, %dot_general3A_1643 {dimension_numbers = #tpu.dot_dimension_numbers<[1], [0], [0], [1], [0, 0, 1, 1], [], []>, transpose_lhs_hint = false} : vector<256x256xf32>, vector<256x65xf32>, vector<256x65xf32> -> vector<256x65xf32>
    %slice3A_1645 = vector.extract_strided_slice %dot_general3A_1644 {offsets = [0, 0], sizes = [256, 64], strides = [1, 1]} : vector<256x65xf32> to vector<256x64xf32>
    %slice3A_1646 = vector.extract_strided_slice %dot_general3A_1644 {offsets = [0, 64], sizes = [256, 1], strides = [1, 1]} : vector<256x65xf32> to vector<256x1xf32>
    %integer_pow3A_1647 = arith.constant 1.000000e+00 : f32
    %integer_pow3A_1648 = vector.broadcast %integer_pow3A_1647 : f32 to vector<256x1xf32>
    %integer_pow3A_1649 = arith.divf %integer_pow3A_1648, %slice3A_1646 : vector<256x1xf32>
    %mul3A_1650 = vector.broadcast %integer_pow3A_1649 : vector<256x1xf32> to vector<256x64xf32>
    %mul3A_1651 = arith.mulf %slice3A_1645, %mul3A_1650 : vector<256x64xf32>
    %gt3A_1652 = arith.constant 0.000000e+00 : f32
    %gt3A_1653 = vector.broadcast %gt3A_1652 : f32 to vector<256x64xf32>
    %gt3A_1654 = arith.cmpf ogt, %convert_element_type3A_1608, %gt3A_1653 : vector<256x64xf32>
    %add3A_1655 = arith.constant 1.000000e+00 : f32
    %add3A_1656 = vector.broadcast %add3A_1655 : f32 to vector<256x64xf32>
    %add3A_1657 = arith.addf %convert_element_type3A_1608, %add3A_1656 : vector<256x64xf32>
    %exp3A_1658 = math.exp %convert_element_type3A_1608 : vector<256x64xf32>
    %select_n3A_1659 = arith.select %gt3A_1654, %add3A_1657, %exp3A_1658 : vector<256x64xi1>, vector<256x64xf32>
    %dot_general3A_1660 = arith.constant dense<0.000000e+00> : vector<64x64xf32>
    %dot_general3A_1661 = tpu.matmul %select_n3A_1659, %convert_element_type3A_1615, %dot_general3A_1660 {dimension_numbers = #tpu.dot_dimension_numbers<[0], [0], [1], [1], [0, 1, 1, 1], [], []>, transpose_lhs_hint = false} : vector<256x64xf32>, vector<256x64xf32>, vector<64x64xf32> -> vector<64x64xf32>
    %add3A_1662 = arith.addf %add3A_1128, %dot_general3A_1661 : vector<64x64xf32>
    %reduce_sum3A_1663 = arith.constant dense<0.000000e+00> : vector<64xf32>
    %reduce_sum3A_1664 = vector.multi_reduction <add>, %select_n3A_1659, %reduce_sum3A_1663 [0] : vector<256x64xf32> to vector<64xf32>
    %broadcast_in_dim3A_1665 = vector.shape_cast %reduce_sum3A_1664 : vector<64xf32> to vector<1x64xf32>
    %add3A_1666 = arith.addf %add3A_1132, %broadcast_in_dim3A_1665 : vector<1x64xf32>
    %mul3A_1667 = vector.broadcast %logistic3A_92 : vector<1x64xf32> to vector<256x64xf32>
    %mul3A_1668 = arith.mulf %mul3A_1667, %mul3A_1635 : vector<256x64xf32>
    %sub3A_1669 = arith.constant 1.000000e+00 : f32
    %sub3A_1670 = vector.broadcast %sub3A_1669 : f32 to vector<1x64xf32>
    %sub3A_1671 = arith.subf %sub3A_1670, %logistic3A_92 : vector<1x64xf32>
    %mul3A_1672 = vector.broadcast %sub3A_1671 : vector<1x64xf32> to vector<256x64xf32>
    %mul3A_1673 = arith.mulf %mul3A_1672, %mul3A_1651 : vector<256x64xf32>
    %add3A_1674 = arith.addf %mul3A_1668, %mul3A_1673 : vector<256x64xf32>
    %convert_element_type3A_1675 = arith.truncf %add3A_1674 : vector<256x64xf32> to vector<256x64xbf16>
    %swap3A_1676 = arith.constant 0 : index
    %swap3A_1677 = arith.constant 2 : index
    %swap3A_1678 = arith.constant 5 : index
    %swap3A_1679 = arith.constant 0 : index
    %swap3A_1680 = arith.constant 0 : index
    %swap3A_1681 = vector.load %arg6[%swap3A_1676, %swap3A_1677, %swap3A_1678, %swap3A_1679, %swap3A_1680] : memref<1x4x6x256x64xbf16, #tpu.memory_space<vmem>>, vector<1x1x1x256x64xbf16>
    %swap3A_1682 = vector.shape_cast %swap3A_1681 : vector<1x1x1x256x64xbf16> to vector<256x64xbf16>
    %swap3A_1683 = vector.shape_cast %convert_element_type3A_1675 : vector<256x64xbf16> to vector<1x1x1x256x64xbf16>
    tpu.vector_store %arg6[%swap3A_1676, %swap3A_1677, %swap3A_1678, %swap3A_1679, %swap3A_1680], %swap3A_1683 {strides = array<i32>} : memref<1x4x6x256x64xbf16, #tpu.memory_space<vmem>>, vector<1x1x1x256x64xbf16>,
    %get3A_1684 = arith.constant 0 : index
    %get3A_1685 = arith.constant 0 : index
    %get3A_1686 = arith.constant 768 : index
    %get3A_1687 = arith.constant 0 : index
    %get3A_1688 = vector.load %arg2[%get3A_1684, %get3A_1685, %get3A_1686, %get3A_1687] : memref<1x6x1024x64xbf16, #tpu.memory_space<vmem>>, vector<1x1x256x64xbf16>
    %get3A_1689 = vector.shape_cast %get3A_1688 : vector<1x1x256x64xbf16> to vector<256x64xbf16>
    %convert_element_type3A_1690 = arith.extf %get3A_1689 : vector<256x64xbf16> to vector<256x64xf32>
    %get3A_1691 = arith.constant 0 : index
    %get3A_1692 = arith.constant 0 : index
    %get3A_1693 = arith.constant 768 : index
    %get3A_1694 = arith.constant 0 : index
    %get3A_1695 = vector.load %arg3[%get3A_1691, %get3A_1692, %get3A_1693, %get3A_1694] : memref<1x6x1024x64xbf16, #tpu.memory_space<vmem>>, vector<1x1x256x64xbf16>
    %get3A_1696 = vector.shape_cast %get3A_1695 : vector<1x1x256x64xbf16> to vector<256x64xbf16>
    %convert_element_type3A_1697 = arith.extf %get3A_1696 : vector<256x64xbf16> to vector<256x64xf32>
    %get3A_1698 = arith.constant 0 : index
    %get3A_1699 = arith.constant 0 : index
    %get3A_1700 = arith.constant 768 : index
    %get3A_1701 = arith.constant 0 : index
    %get3A_1702 = vector.load %arg4[%get3A_1698, %get3A_1699, %get3A_1700, %get3A_1701] : memref<1x6x1024x64xbf16, #tpu.memory_space<vmem>>, vector<1x1x256x64xbf16>
    %get3A_1703 = vector.shape_cast %get3A_1702 : vector<1x1x256x64xbf16> to vector<256x64xbf16>
    %convert_element_type3A_1704 = arith.extf %get3A_1703 : vector<256x64xbf16> to vector<256x64xf32>
    %gt3A_1705 = arith.constant 0.000000e+00 : f32
    %gt3A_1706 = vector.broadcast %gt3A_1705 : f32 to vector<256x64xf32>
    %gt3A_1707 = arith.cmpf ogt, %convert_element_type3A_1690, %gt3A_1706 : vector<256x64xf32>
    %add3A_1708 = arith.constant 1.000000e+00 : f32
    %add3A_1709 = vector.broadcast %add3A_1708 : f32 to vector<256x64xf32>
    %add3A_1710 = arith.addf %convert_element_type3A_1690, %add3A_1709 : vector<256x64xf32>
    %exp3A_1711 = math.exp %convert_element_type3A_1690 : vector<256x64xf32>
    %select_n3A_1712 = arith.select %gt3A_1707, %add3A_1710, %exp3A_1711 : vector<256x64xi1>, vector<256x64xf32>
    %dot_general3A_1713 = arith.constant dense<0.000000e+00> : vector<256x64xf32>
    %dot_general3A_1714 = tpu.matmul %select_n3A_1712, %add3A_1217, %dot_general3A_1713 {dimension_numbers = #tpu.dot_dimension_numbers<[1], [0], [0], [1], [0, 0, 1, 1], [], []>, transpose_lhs_hint = false} : vector<256x64xf32>, vector<64x64xf32>, vector<256x64xf32> -> vector<256x64xf32>
    %mul3A_1715 = vector.broadcast %add3A_1221 : vector<1x64xf32> to vector<256x64xf32>
    %mul3A_1716 = arith.mulf %select_n3A_1712, %mul3A_1715 : vector<256x64xf32>
    %reduce_sum3A_1717 = arith.constant dense<0.000000e+00> : vector<256xf32>
    %reduce_sum3A_1718 = vector.multi_reduction <add>, %mul3A_1716, %reduce_sum3A_1717 [1] : vector<256x64xf32> to vector<256xf32>
    %broadcast_in_dim3A_1719 = vector.shape_cast %reduce_sum3A_1718 : vector<256xf32> to vector<256x1xf32>
    %integer_pow3A_1720 = arith.constant 1.000000e+00 : f32
    %integer_pow3A_1721 = vector.broadcast %integer_pow3A_1720 : f32 to vector<256x1xf32>
    %integer_pow3A_1722 = arith.divf %integer_pow3A_1721, %broadcast_in_dim3A_1719 : vector<256x1xf32>
    %mul3A_1723 = vector.broadcast %integer_pow3A_1722 : vector<256x1xf32> to vector<256x64xf32>
    %mul3A_1724 = arith.mulf %dot_general3A_1714, %mul3A_1723 : vector<256x64xf32>
    %dot_general3A_1725 = arith.constant dense<0.000000e+00> : vector<256x256xf32>
    %dot_general3A_1726 = tpu.matmul %convert_element_type3A_1690, %convert_element_type3A_1697, %dot_general3A_1725 {dimension_numbers = #tpu.dot_dimension_numbers<[1], [1], [0], [0], [0, 0, 1, 0], [], []>, transpose_lhs_hint = false} : vector<256x64xf32>, vector<256x64xf32>, vector<256x256xf32> -> vector<256x256xf32>
    %mul3A_1727 = arith.constant 1.250000e-01 : f32
    %mul3A_1728 = vector.broadcast %mul3A_1727 : f32 to vector<256x256xf32>
    %mul3A_1729 = arith.mulf %dot_general3A_1726, %mul3A_1728 : vector<256x256xf32>
    %exp3A_1730 = math.exp %mul3A_1729 : vector<256x256xf32>
    %concatenate3A_1731 = tpu.concatenate %convert_element_type3A_1704, %broadcast_in_dim3A_94 in 1 : vector<256x64xf32>, vector<256x1xf32> -> vector<256x65xf32>
    %dot_general3A_1732 = arith.constant dense<0.000000e+00> : vector<256x65xf32>
    %dot_general3A_1733 = tpu.matmul %exp3A_1730, %concatenate3A_1731, %dot_general3A_1732 {dimension_numbers = #tpu.dot_dimension_numbers<[1], [0], [0], [1], [0, 0, 1, 1], [], []>, transpose_lhs_hint = false} : vector<256x256xf32>, vector<256x65xf32>, vector<256x65xf32> -> vector<256x65xf32>
    %slice3A_1734 = vector.extract_strided_slice %dot_general3A_1733 {offsets = [0, 0], sizes = [256, 64], strides = [1, 1]} : vector<256x65xf32> to vector<256x64xf32>
    %slice3A_1735 = vector.extract_strided_slice %dot_general3A_1733 {offsets = [0, 64], sizes = [256, 1], strides = [1, 1]} : vector<256x65xf32> to vector<256x1xf32>
    %integer_pow3A_1736 = arith.constant 1.000000e+00 : f32
    %integer_pow3A_1737 = vector.broadcast %integer_pow3A_1736 : f32 to vector<256x1xf32>
    %integer_pow3A_1738 = arith.divf %integer_pow3A_1737, %slice3A_1735 : vector<256x1xf32>
    %mul3A_1739 = vector.broadcast %integer_pow3A_1738 : vector<256x1xf32> to vector<256x64xf32>
    %mul3A_1740 = arith.mulf %slice3A_1734, %mul3A_1739 : vector<256x64xf32>
    %mul3A_1741 = vector.broadcast %logistic3A_32 : vector<1x64xf32> to vector<256x64xf32>
    %mul3A_1742 = arith.mulf %mul3A_1741, %mul3A_1724 : vector<256x64xf32>
    %sub3A_1743 = arith.constant 1.000000e+00 : f32
    %sub3A_1744 = vector.broadcast %sub3A_1743 : f32 to vector<1x64xf32>
    %sub3A_1745 = arith.subf %sub3A_1744, %logistic3A_32 : vector<1x64xf32>
    %mul3A_1746 = vector.broadcast %sub3A_1745 : vector<1x64xf32> to vector<256x64xf32>
    %mul3A_1747 = arith.mulf %mul3A_1746, %mul3A_1740 : vector<256x64xf32>
    %add3A_1748 = arith.addf %mul3A_1742, %mul3A_1747 : vector<256x64xf32>
    %convert_element_type3A_1749 = arith.truncf %add3A_1748 : vector<256x64xf32> to vector<256x64xbf16>
    %swap3A_1750 = arith.constant 0 : index
    %swap3A_1751 = arith.constant 3 : index
    %swap3A_1752 = arith.constant 0 : index
    %swap3A_1753 = arith.constant 0 : index
    %swap3A_1754 = arith.constant 0 : index
    %swap3A_1755 = vector.load %arg6[%swap3A_1750, %swap3A_1751, %swap3A_1752, %swap3A_1753, %swap3A_1754] : memref<1x4x6x256x64xbf16, #tpu.memory_space<vmem>>, vector<1x1x1x256x64xbf16>
    %swap3A_1756 = vector.shape_cast %swap3A_1755 : vector<1x1x1x256x64xbf16> to vector<256x64xbf16>
    %swap3A_1757 = vector.shape_cast %convert_element_type3A_1749 : vector<256x64xbf16> to vector<1x1x1x256x64xbf16>
    tpu.vector_store %arg6[%swap3A_1750, %swap3A_1751, %swap3A_1752, %swap3A_1753, %swap3A_1754], %swap3A_1757 {strides = array<i32>} : memref<1x4x6x256x64xbf16, #tpu.memory_space<vmem>>, vector<1x1x1x256x64xbf16>,
    %get3A_1758 = arith.constant 0 : index
    %get3A_1759 = arith.constant 1 : index
    %get3A_1760 = arith.constant 768 : index
    %get3A_1761 = arith.constant 0 : index
    %get3A_1762 = vector.load %arg2[%get3A_1758, %get3A_1759, %get3A_1760, %get3A_1761] : memref<1x6x1024x64xbf16, #tpu.memory_space<vmem>>, vector<1x1x256x64xbf16>
    %get3A_1763 = vector.shape_cast %get3A_1762 : vector<1x1x256x64xbf16> to vector<256x64xbf16>
    %convert_element_type3A_1764 = arith.extf %get3A_1763 : vector<256x64xbf16> to vector<256x64xf32>
    %get3A_1765 = arith.constant 0 : index
    %get3A_1766 = arith.constant 1 : index
    %get3A_1767 = arith.constant 768 : index
    %get3A_1768 = arith.constant 0 : index
    %get3A_1769 = vector.load %arg3[%get3A_1765, %get3A_1766, %get3A_1767, %get3A_1768] : memref<1x6x1024x64xbf16, #tpu.memory_space<vmem>>, vector<1x1x256x64xbf16>
    %get3A_1770 = vector.shape_cast %get3A_1769 : vector<1x1x256x64xbf16> to vector<256x64xbf16>
    %convert_element_type3A_1771 = arith.extf %get3A_1770 : vector<256x64xbf16> to vector<256x64xf32>
    %get3A_1772 = arith.constant 0 : index
    %get3A_1773 = arith.constant 1 : index
    %get3A_1774 = arith.constant 768 : index
    %get3A_1775 = arith.constant 0 : index
    %get3A_1776 = vector.load %arg4[%get3A_1772, %get3A_1773, %get3A_1774, %get3A_1775] : memref<1x6x1024x64xbf16, #tpu.memory_space<vmem>>, vector<1x1x256x64xbf16>
    %get3A_1777 = vector.shape_cast %get3A_1776 : vector<1x1x256x64xbf16> to vector<256x64xbf16>
    %convert_element_type3A_1778 = arith.extf %get3A_1777 : vector<256x64xbf16> to vector<256x64xf32>
    %gt3A_1779 = arith.constant 0.000000e+00 : f32
    %gt3A_1780 = vector.broadcast %gt3A_1779 : f32 to vector<256x64xf32>
    %gt3A_1781 = arith.cmpf ogt, %convert_element_type3A_1764, %gt3A_1780 : vector<256x64xf32>
    %add3A_1782 = arith.constant 1.000000e+00 : f32
    %add3A_1783 = vector.broadcast %add3A_1782 : f32 to vector<256x64xf32>
    %add3A_1784 = arith.addf %convert_element_type3A_1764, %add3A_1783 : vector<256x64xf32>
    %exp3A_1785 = math.exp %convert_element_type3A_1764 : vector<256x64xf32>
    %select_n3A_1786 = arith.select %gt3A_1781, %add3A_1784, %exp3A_1785 : vector<256x64xi1>, vector<256x64xf32>
    %dot_general3A_1787 = arith.constant dense<0.000000e+00> : vector<256x64xf32>
    %dot_general3A_1788 = tpu.matmul %select_n3A_1786, %add3A_1306, %dot_general3A_1787 {dimension_numbers = #tpu.dot_dimension_numbers<[1], [0], [0], [1], [0, 0, 1, 1], [], []>, transpose_lhs_hint = false} : vector<256x64xf32>, vector<64x64xf32>, vector<256x64xf32> -> vector<256x64xf32>
    %mul3A_1789 = vector.broadcast %add3A_1310 : vector<1x64xf32> to vector<256x64xf32>
    %mul3A_1790 = arith.mulf %select_n3A_1786, %mul3A_1789 : vector<256x64xf32>
    %reduce_sum3A_1791 = arith.constant dense<0.000000e+00> : vector<256xf32>
    %reduce_sum3A_1792 = vector.multi_reduction <add>, %mul3A_1790, %reduce_sum3A_1791 [1] : vector<256x64xf32> to vector<256xf32>
    %broadcast_in_dim3A_1793 = vector.shape_cast %reduce_sum3A_1792 : vector<256xf32> to vector<256x1xf32>
    %integer_pow3A_1794 = arith.constant 1.000000e+00 : f32
    %integer_pow3A_1795 = vector.broadcast %integer_pow3A_1794 : f32 to vector<256x1xf32>
    %integer_pow3A_1796 = arith.divf %integer_pow3A_1795, %broadcast_in_dim3A_1793 : vector<256x1xf32>
    %mul3A_1797 = vector.broadcast %integer_pow3A_1796 : vector<256x1xf32> to vector<256x64xf32>
    %mul3A_1798 = arith.mulf %dot_general3A_1788, %mul3A_1797 : vector<256x64xf32>
    %dot_general3A_1799 = arith.constant dense<0.000000e+00> : vector<256x256xf32>
    %dot_general3A_1800 = tpu.matmul %convert_element_type3A_1764, %convert_element_type3A_1771, %dot_general3A_1799 {dimension_numbers = #tpu.dot_dimension_numbers<[1], [1], [0], [0], [0, 0, 1, 0], [], []>, transpose_lhs_hint = false} : vector<256x64xf32>, vector<256x64xf32>, vector<256x256xf32> -> vector<256x256xf32>
    %mul3A_1801 = arith.constant 1.250000e-01 : f32
    %mul3A_1802 = vector.broadcast %mul3A_1801 : f32 to vector<256x256xf32>
    %mul3A_1803 = arith.mulf %dot_general3A_1800, %mul3A_1802 : vector<256x256xf32>
    %exp3A_1804 = math.exp %mul3A_1803 : vector<256x256xf32>
    %concatenate3A_1805 = tpu.concatenate %convert_element_type3A_1778, %broadcast_in_dim3A_94 in 1 : vector<256x64xf32>, vector<256x1xf32> -> vector<256x65xf32>
    %dot_general3A_1806 = arith.constant dense<0.000000e+00> : vector<256x65xf32>
    %dot_general3A_1807 = tpu.matmul %exp3A_1804, %concatenate3A_1805, %dot_general3A_1806 {dimension_numbers = #tpu.dot_dimension_numbers<[1], [0], [0], [1], [0, 0, 1, 1], [], []>, transpose_lhs_hint = false} : vector<256x256xf32>, vector<256x65xf32>, vector<256x65xf32> -> vector<256x65xf32>
    %slice3A_1808 = vector.extract_strided_slice %dot_general3A_1807 {offsets = [0, 0], sizes = [256, 64], strides = [1, 1]} : vector<256x65xf32> to vector<256x64xf32>
    %slice3A_1809 = vector.extract_strided_slice %dot_general3A_1807 {offsets = [0, 64], sizes = [256, 1], strides = [1, 1]} : vector<256x65xf32> to vector<256x1xf32>
    %integer_pow3A_1810 = arith.constant 1.000000e+00 : f32
    %integer_pow3A_1811 = vector.broadcast %integer_pow3A_1810 : f32 to vector<256x1xf32>
    %integer_pow3A_1812 = arith.divf %integer_pow3A_1811, %slice3A_1809 : vector<256x1xf32>
    %mul3A_1813 = vector.broadcast %integer_pow3A_1812 : vector<256x1xf32> to vector<256x64xf32>
    %mul3A_1814 = arith.mulf %slice3A_1808, %mul3A_1813 : vector<256x64xf32>
    %mul3A_1815 = vector.broadcast %logistic3A_44 : vector<1x64xf32> to vector<256x64xf32>
    %mul3A_1816 = arith.mulf %mul3A_1815, %mul3A_1798 : vector<256x64xf32>
    %sub3A_1817 = arith.constant 1.000000e+00 : f32
    %sub3A_1818 = vector.broadcast %sub3A_1817 : f32 to vector<1x64xf32>
    %sub3A_1819 = arith.subf %sub3A_1818, %logistic3A_44 : vector<1x64xf32>
    %mul3A_1820 = vector.broadcast %sub3A_1819 : vector<1x64xf32> to vector<256x64xf32>
    %mul3A_1821 = arith.mulf %mul3A_1820, %mul3A_1814 : vector<256x64xf32>
    %add3A_1822 = arith.addf %mul3A_1816, %mul3A_1821 : vector<256x64xf32>
    %convert_element_type3A_1823 = arith.truncf %add3A_1822 : vector<256x64xf32> to vector<256x64xbf16>
    %swap3A_1824 = arith.constant 0 : index
    %swap3A_1825 = arith.constant 3 : index
    %swap3A_1826 = arith.constant 1 : index
    %swap3A_1827 = arith.constant 0 : index
    %swap3A_1828 = arith.constant 0 : index
    %swap3A_1829 = vector.load %arg6[%swap3A_1824, %swap3A_1825, %swap3A_1826, %swap3A_1827, %swap3A_1828] : memref<1x4x6x256x64xbf16, #tpu.memory_space<vmem>>, vector<1x1x1x256x64xbf16>
    %swap3A_1830 = vector.shape_cast %swap3A_1829 : vector<1x1x1x256x64xbf16> to vector<256x64xbf16>
    %swap3A_1831 = vector.shape_cast %convert_element_type3A_1823 : vector<256x64xbf16> to vector<1x1x1x256x64xbf16>
    tpu.vector_store %arg6[%swap3A_1824, %swap3A_1825, %swap3A_1826, %swap3A_1827, %swap3A_1828], %swap3A_1831 {strides = array<i32>} : memref<1x4x6x256x64xbf16, #tpu.memory_space<vmem>>, vector<1x1x1x256x64xbf16>,
    %get3A_1832 = arith.constant 0 : index
    %get3A_1833 = arith.constant 2 : index
    %get3A_1834 = arith.constant 768 : index
    %get3A_1835 = arith.constant 0 : index
    %get3A_1836 = vector.load %arg2[%get3A_1832, %get3A_1833, %get3A_1834, %get3A_1835] : memref<1x6x1024x64xbf16, #tpu.memory_space<vmem>>, vector<1x1x256x64xbf16>
    %get3A_1837 = vector.shape_cast %get3A_1836 : vector<1x1x256x64xbf16> to vector<256x64xbf16>
    %convert_element_type3A_1838 = arith.extf %get3A_1837 : vector<256x64xbf16> to vector<256x64xf32>
    %get3A_1839 = arith.constant 0 : index
    %get3A_1840 = arith.constant 2 : index
    %get3A_1841 = arith.constant 768 : index
    %get3A_1842 = arith.constant 0 : index
    %get3A_1843 = vector.load %arg3[%get3A_1839, %get3A_1840, %get3A_1841, %get3A_1842] : memref<1x6x1024x64xbf16, #tpu.memory_space<vmem>>, vector<1x1x256x64xbf16>
    %get3A_1844 = vector.shape_cast %get3A_1843 : vector<1x1x256x64xbf16> to vector<256x64xbf16>
    %convert_element_type3A_1845 = arith.extf %get3A_1844 : vector<256x64xbf16> to vector<256x64xf32>
    %get3A_1846 = arith.constant 0 : index
    %get3A_1847 = arith.constant 2 : index
    %get3A_1848 = arith.constant 768 : index
    %get3A_1849 = arith.constant 0 : index
    %get3A_1850 = vector.load %arg4[%get3A_1846, %get3A_1847, %get3A_1848, %get3A_1849] : memref<1x6x1024x64xbf16, #tpu.memory_space<vmem>>, vector<1x1x256x64xbf16>
    %get3A_1851 = vector.shape_cast %get3A_1850 : vector<1x1x256x64xbf16> to vector<256x64xbf16>
    %convert_element_type3A_1852 = arith.extf %get3A_1851 : vector<256x64xbf16> to vector<256x64xf32>
    %gt3A_1853 = arith.constant 0.000000e+00 : f32
    %gt3A_1854 = vector.broadcast %gt3A_1853 : f32 to vector<256x64xf32>
    %gt3A_1855 = arith.cmpf ogt, %convert_element_type3A_1838, %gt3A_1854 : vector<256x64xf32>
    %add3A_1856 = arith.constant 1.000000e+00 : f32
    %add3A_1857 = vector.broadcast %add3A_1856 : f32 to vector<256x64xf32>
    %add3A_1858 = arith.addf %convert_element_type3A_1838, %add3A_1857 : vector<256x64xf32>
    %exp3A_1859 = math.exp %convert_element_type3A_1838 : vector<256x64xf32>
    %select_n3A_1860 = arith.select %gt3A_1855, %add3A_1858, %exp3A_1859 : vector<256x64xi1>, vector<256x64xf32>
    %dot_general3A_1861 = arith.constant dense<0.000000e+00> : vector<256x64xf32>
    %dot_general3A_1862 = tpu.matmul %select_n3A_1860, %add3A_1395, %dot_general3A_1861 {dimension_numbers = #tpu.dot_dimension_numbers<[1], [0], [0], [1], [0, 0, 1, 1], [], []>, transpose_lhs_hint = false} : vector<256x64xf32>, vector<64x64xf32>, vector<256x64xf32> -> vector<256x64xf32>
    %mul3A_1863 = vector.broadcast %add3A_1399 : vector<1x64xf32> to vector<256x64xf32>
    %mul3A_1864 = arith.mulf %select_n3A_1860, %mul3A_1863 : vector<256x64xf32>
    %reduce_sum3A_1865 = arith.constant dense<0.000000e+00> : vector<256xf32>
    %reduce_sum3A_1866 = vector.multi_reduction <add>, %mul3A_1864, %reduce_sum3A_1865 [1] : vector<256x64xf32> to vector<256xf32>
    %broadcast_in_dim3A_1867 = vector.shape_cast %reduce_sum3A_1866 : vector<256xf32> to vector<256x1xf32>
    %integer_pow3A_1868 = arith.constant 1.000000e+00 : f32
    %integer_pow3A_1869 = vector.broadcast %integer_pow3A_1868 : f32 to vector<256x1xf32>
    %integer_pow3A_1870 = arith.divf %integer_pow3A_1869, %broadcast_in_dim3A_1867 : vector<256x1xf32>
    %mul3A_1871 = vector.broadcast %integer_pow3A_1870 : vector<256x1xf32> to vector<256x64xf32>
    %mul3A_1872 = arith.mulf %dot_general3A_1862, %mul3A_1871 : vector<256x64xf32>
    %dot_general3A_1873 = arith.constant dense<0.000000e+00> : vector<256x256xf32>
    %dot_general3A_1874 = tpu.matmul %convert_element_type3A_1838, %convert_element_type3A_1845, %dot_general3A_1873 {dimension_numbers = #tpu.dot_dimension_numbers<[1], [1], [0], [0], [0, 0, 1, 0], [], []>, transpose_lhs_hint = false} : vector<256x64xf32>, vector<256x64xf32>, vector<256x256xf32> -> vector<256x256xf32>
    %mul3A_1875 = arith.constant 1.250000e-01 : f32
    %mul3A_1876 = vector.broadcast %mul3A_1875 : f32 to vector<256x256xf32>
    %mul3A_1877 = arith.mulf %dot_general3A_1874, %mul3A_1876 : vector<256x256xf32>
    %exp3A_1878 = math.exp %mul3A_1877 : vector<256x256xf32>
    %concatenate3A_1879 = tpu.concatenate %convert_element_type3A_1852, %broadcast_in_dim3A_94 in 1 : vector<256x64xf32>, vector<256x1xf32> -> vector<256x65xf32>
    %dot_general3A_1880 = arith.constant dense<0.000000e+00> : vector<256x65xf32>
    %dot_general3A_1881 = tpu.matmul %exp3A_1878, %concatenate3A_1879, %dot_general3A_1880 {dimension_numbers = #tpu.dot_dimension_numbers<[1], [0], [0], [1], [0, 0, 1, 1], [], []>, transpose_lhs_hint = false} : vector<256x256xf32>, vector<256x65xf32>, vector<256x65xf32> -> vector<256x65xf32>
    %slice3A_1882 = vector.extract_strided_slice %dot_general3A_1881 {offsets = [0, 0], sizes = [256, 64], strides = [1, 1]} : vector<256x65xf32> to vector<256x64xf32>
    %slice3A_1883 = vector.extract_strided_slice %dot_general3A_1881 {offsets = [0, 64], sizes = [256, 1], strides = [1, 1]} : vector<256x65xf32> to vector<256x1xf32>
    %integer_pow3A_1884 = arith.constant 1.000000e+00 : f32
    %integer_pow3A_1885 = vector.broadcast %integer_pow3A_1884 : f32 to vector<256x1xf32>
    %integer_pow3A_1886 = arith.divf %integer_pow3A_1885, %slice3A_1883 : vector<256x1xf32>
    %mul3A_1887 = vector.broadcast %integer_pow3A_1886 : vector<256x1xf32> to vector<256x64xf32>
    %mul3A_1888 = arith.mulf %slice3A_1882, %mul3A_1887 : vector<256x64xf32>
    %mul3A_1889 = vector.broadcast %logistic3A_56 : vector<1x64xf32> to vector<256x64xf32>
    %mul3A_1890 = arith.mulf %mul3A_1889, %mul3A_1872 : vector<256x64xf32>
    %sub3A_1891 = arith.constant 1.000000e+00 : f32
    %sub3A_1892 = vector.broadcast %sub3A_1891 : f32 to vector<1x64xf32>
    %sub3A_1893 = arith.subf %sub3A_1892, %logistic3A_56 : vector<1x64xf32>
    %mul3A_1894 = vector.broadcast %sub3A_1893 : vector<1x64xf32> to vector<256x64xf32>
    %mul3A_1895 = arith.mulf %mul3A_1894, %mul3A_1888 : vector<256x64xf32>
    %add3A_1896 = arith.addf %mul3A_1890, %mul3A_1895 : vector<256x64xf32>
    %convert_element_type3A_1897 = arith.truncf %add3A_1896 : vector<256x64xf32> to vector<256x64xbf16>
    %swap3A_1898 = arith.constant 0 : index
    %swap3A_1899 = arith.constant 3 : index
    %swap3A_1900 = arith.constant 2 : index
    %swap3A_1901 = arith.constant 0 : index
    %swap3A_1902 = arith.constant 0 : index
    %swap3A_1903 = vector.load %arg6[%swap3A_1898, %swap3A_1899, %swap3A_1900, %swap3A_1901, %swap3A_1902] : memref<1x4x6x256x64xbf16, #tpu.memory_space<vmem>>, vector<1x1x1x256x64xbf16>
    %swap3A_1904 = vector.shape_cast %swap3A_1903 : vector<1x1x1x256x64xbf16> to vector<256x64xbf16>
    %swap3A_1905 = vector.shape_cast %convert_element_type3A_1897 : vector<256x64xbf16> to vector<1x1x1x256x64xbf16>
    tpu.vector_store %arg6[%swap3A_1898, %swap3A_1899, %swap3A_1900, %swap3A_1901, %swap3A_1902], %swap3A_1905 {strides = array<i32>} : memref<1x4x6x256x64xbf16, #tpu.memory_space<vmem>>, vector<1x1x1x256x64xbf16>,
    %get3A_1906 = arith.constant 0 : index
    %get3A_1907 = arith.constant 3 : index
    %get3A_1908 = arith.constant 768 : index
    %get3A_1909 = arith.constant 0 : index
    %get3A_1910 = vector.load %arg2[%get3A_1906, %get3A_1907, %get3A_1908, %get3A_1909] : memref<1x6x1024x64xbf16, #tpu.memory_space<vmem>>, vector<1x1x256x64xbf16>
    %get3A_1911 = vector.shape_cast %get3A_1910 : vector<1x1x256x64xbf16> to vector<256x64xbf16>
    %convert_element_type3A_1912 = arith.extf %get3A_1911 : vector<256x64xbf16> to vector<256x64xf32>
    %get3A_1913 = arith.constant 0 : index
    %get3A_1914 = arith.constant 3 : index
    %get3A_1915 = arith.constant 768 : index
    %get3A_1916 = arith.constant 0 : index
    %get3A_1917 = vector.load %arg3[%get3A_1913, %get3A_1914, %get3A_1915, %get3A_1916] : memref<1x6x1024x64xbf16, #tpu.memory_space<vmem>>, vector<1x1x256x64xbf16>
    %get3A_1918 = vector.shape_cast %get3A_1917 : vector<1x1x256x64xbf16> to vector<256x64xbf16>
    %convert_element_type3A_1919 = arith.extf %get3A_1918 : vector<256x64xbf16> to vector<256x64xf32>
    %get3A_1920 = arith.constant 0 : index
    %get3A_1921 = arith.constant 3 : index
    %get3A_1922 = arith.constant 768 : index
    %get3A_1923 = arith.constant 0 : index
    %get3A_1924 = vector.load %arg4[%get3A_1920, %get3A_1921, %get3A_1922, %get3A_1923] : memref<1x6x1024x64xbf16, #tpu.memory_space<vmem>>, vector<1x1x256x64xbf16>
    %get3A_1925 = vector.shape_cast %get3A_1924 : vector<1x1x256x64xbf16> to vector<256x64xbf16>
    %convert_element_type3A_1926 = arith.extf %get3A_1925 : vector<256x64xbf16> to vector<256x64xf32>
    %gt3A_1927 = arith.constant 0.000000e+00 : f32
    %gt3A_1928 = vector.broadcast %gt3A_1927 : f32 to vector<256x64xf32>
    %gt3A_1929 = arith.cmpf ogt, %convert_element_type3A_1912, %gt3A_1928 : vector<256x64xf32>
    %add3A_1930 = arith.constant 1.000000e+00 : f32
    %add3A_1931 = vector.broadcast %add3A_1930 : f32 to vector<256x64xf32>
    %add3A_1932 = arith.addf %convert_element_type3A_1912, %add3A_1931 : vector<256x64xf32>
    %exp3A_1933 = math.exp %convert_element_type3A_1912 : vector<256x64xf32>
    %select_n3A_1934 = arith.select %gt3A_1929, %add3A_1932, %exp3A_1933 : vector<256x64xi1>, vector<256x64xf32>
    %dot_general3A_1935 = arith.constant dense<0.000000e+00> : vector<256x64xf32>
    %dot_general3A_1936 = tpu.matmul %select_n3A_1934, %add3A_1484, %dot_general3A_1935 {dimension_numbers = #tpu.dot_dimension_numbers<[1], [0], [0], [1], [0, 0, 1, 1], [], []>, transpose_lhs_hint = false} : vector<256x64xf32>, vector<64x64xf32>, vector<256x64xf32> -> vector<256x64xf32>
    %mul3A_1937 = vector.broadcast %add3A_1488 : vector<1x64xf32> to vector<256x64xf32>
    %mul3A_1938 = arith.mulf %select_n3A_1934, %mul3A_1937 : vector<256x64xf32>
    %reduce_sum3A_1939 = arith.constant dense<0.000000e+00> : vector<256xf32>
    %reduce_sum3A_1940 = vector.multi_reduction <add>, %mul3A_1938, %reduce_sum3A_1939 [1] : vector<256x64xf32> to vector<256xf32>
    %broadcast_in_dim3A_1941 = vector.shape_cast %reduce_sum3A_1940 : vector<256xf32> to vector<256x1xf32>
    %integer_pow3A_1942 = arith.constant 1.000000e+00 : f32
    %integer_pow3A_1943 = vector.broadcast %integer_pow3A_1942 : f32 to vector<256x1xf32>
    %integer_pow3A_1944 = arith.divf %integer_pow3A_1943, %broadcast_in_dim3A_1941 : vector<256x1xf32>
    %mul3A_1945 = vector.broadcast %integer_pow3A_1944 : vector<256x1xf32> to vector<256x64xf32>
    %mul3A_1946 = arith.mulf %dot_general3A_1936, %mul3A_1945 : vector<256x64xf32>
    %dot_general3A_1947 = arith.constant dense<0.000000e+00> : vector<256x256xf32>
    %dot_general3A_1948 = tpu.matmul %convert_element_type3A_1912, %convert_element_type3A_1919, %dot_general3A_1947 {dimension_numbers = #tpu.dot_dimension_numbers<[1], [1], [0], [0], [0, 0, 1, 0], [], []>, transpose_lhs_hint = false} : vector<256x64xf32>, vector<256x64xf32>, vector<256x256xf32> -> vector<256x256xf32>
    %mul3A_1949 = arith.constant 1.250000e-01 : f32
    %mul3A_1950 = vector.broadcast %mul3A_1949 : f32 to vector<256x256xf32>
    %mul3A_1951 = arith.mulf %dot_general3A_1948, %mul3A_1950 : vector<256x256xf32>
    %exp3A_1952 = math.exp %mul3A_1951 : vector<256x256xf32>
    %concatenate3A_1953 = tpu.concatenate %convert_element_type3A_1926, %broadcast_in_dim3A_94 in 1 : vector<256x64xf32>, vector<256x1xf32> -> vector<256x65xf32>
    %dot_general3A_1954 = arith.constant dense<0.000000e+00> : vector<256x65xf32>
    %dot_general3A_1955 = tpu.matmul %exp3A_1952, %concatenate3A_1953, %dot_general3A_1954 {dimension_numbers = #tpu.dot_dimension_numbers<[1], [0], [0], [1], [0, 0, 1, 1], [], []>, transpose_lhs_hint = false} : vector<256x256xf32>, vector<256x65xf32>, vector<256x65xf32> -> vector<256x65xf32>
    %slice3A_1956 = vector.extract_strided_slice %dot_general3A_1955 {offsets = [0, 0], sizes = [256, 64], strides = [1, 1]} : vector<256x65xf32> to vector<256x64xf32>
    %slice3A_1957 = vector.extract_strided_slice %dot_general3A_1955 {offsets = [0, 64], sizes = [256, 1], strides = [1, 1]} : vector<256x65xf32> to vector<256x1xf32>
    %integer_pow3A_1958 = arith.constant 1.000000e+00 : f32
    %integer_pow3A_1959 = vector.broadcast %integer_pow3A_1958 : f32 to vector<256x1xf32>
    %integer_pow3A_1960 = arith.divf %integer_pow3A_1959, %slice3A_1957 : vector<256x1xf32>
    %mul3A_1961 = vector.broadcast %integer_pow3A_1960 : vector<256x1xf32> to vector<256x64xf32>
    %mul3A_1962 = arith.mulf %slice3A_1956, %mul3A_1961 : vector<256x64xf32>
    %mul3A_1963 = vector.broadcast %logistic3A_68 : vector<1x64xf32> to vector<256x64xf32>
    %mul3A_1964 = arith.mulf %mul3A_1963, %mul3A_1946 : vector<256x64xf32>
    %sub3A_1965 = arith.constant 1.000000e+00 : f32
    %sub3A_1966 = vector.broadcast %sub3A_1965 : f32 to vector<1x64xf32>
    %sub3A_1967 = arith.subf %sub3A_1966, %logistic3A_68 : vector<1x64xf32>
    %mul3A_1968 = vector.broadcast %sub3A_1967 : vector<1x64xf32> to vector<256x64xf32>
    %mul3A_1969 = arith.mulf %mul3A_1968, %mul3A_1962 : vector<256x64xf32>
    %add3A_1970 = arith.addf %mul3A_1964, %mul3A_1969 : vector<256x64xf32>
    %convert_element_type3A_1971 = arith.truncf %add3A_1970 : vector<256x64xf32> to vector<256x64xbf16>
    %swap3A_1972 = arith.constant 0 : index
    %swap3A_1973 = arith.constant 3 : index
    %swap3A_1974 = arith.constant 3 : index
    %swap3A_1975 = arith.constant 0 : index
    %swap3A_1976 = arith.constant 0 : index
    %swap3A_1977 = vector.load %arg6[%swap3A_1972, %swap3A_1973, %swap3A_1974, %swap3A_1975, %swap3A_1976] : memref<1x4x6x256x64xbf16, #tpu.memory_space<vmem>>, vector<1x1x1x256x64xbf16>
    %swap3A_1978 = vector.shape_cast %swap3A_1977 : vector<1x1x1x256x64xbf16> to vector<256x64xbf16>
    %swap3A_1979 = vector.shape_cast %convert_element_type3A_1971 : vector<256x64xbf16> to vector<1x1x1x256x64xbf16>
    tpu.vector_store %arg6[%swap3A_1972, %swap3A_1973, %swap3A_1974, %swap3A_1975, %swap3A_1976], %swap3A_1979 {strides = array<i32>} : memref<1x4x6x256x64xbf16, #tpu.memory_space<vmem>>, vector<1x1x1x256x64xbf16>,
    %get3A_1980 = arith.constant 0 : index
    %get3A_1981 = arith.constant 4 : index
    %get3A_1982 = arith.constant 768 : index
    %get3A_1983 = arith.constant 0 : index
    %get3A_1984 = vector.load %arg2[%get3A_1980, %get3A_1981, %get3A_1982, %get3A_1983] : memref<1x6x1024x64xbf16, #tpu.memory_space<vmem>>, vector<1x1x256x64xbf16>
    %get3A_1985 = vector.shape_cast %get3A_1984 : vector<1x1x256x64xbf16> to vector<256x64xbf16>
    %convert_element_type3A_1986 = arith.extf %get3A_1985 : vector<256x64xbf16> to vector<256x64xf32>
    %get3A_1987 = arith.constant 0 : index
    %get3A_1988 = arith.constant 4 : index
    %get3A_1989 = arith.constant 768 : index
    %get3A_1990 = arith.constant 0 : index
    %get3A_1991 = vector.load %arg3[%get3A_1987, %get3A_1988, %get3A_1989, %get3A_1990] : memref<1x6x1024x64xbf16, #tpu.memory_space<vmem>>, vector<1x1x256x64xbf16>
    %get3A_1992 = vector.shape_cast %get3A_1991 : vector<1x1x256x64xbf16> to vector<256x64xbf16>
    %convert_element_type3A_1993 = arith.extf %get3A_1992 : vector<256x64xbf16> to vector<256x64xf32>
    %get3A_1994 = arith.constant 0 : index
    %get3A_1995 = arith.constant 4 : index
    %get3A_1996 = arith.constant 768 : index
    %get3A_1997 = arith.constant 0 : index
    %get3A_1998 = vector.load %arg4[%get3A_1994, %get3A_1995, %get3A_1996, %get3A_1997] : memref<1x6x1024x64xbf16, #tpu.memory_space<vmem>>, vector<1x1x256x64xbf16>
    %get3A_1999 = vector.shape_cast %get3A_1998 : vector<1x1x256x64xbf16> to vector<256x64xbf16>
    %convert_element_type3A_2000 = arith.extf %get3A_1999 : vector<256x64xbf16> to vector<256x64xf32>
    %gt3A_2001 = arith.constant 0.000000e+00 : f32
    %gt3A_2002 = vector.broadcast %gt3A_2001 : f32 to vector<256x64xf32>
    %gt3A_2003 = arith.cmpf ogt, %convert_element_type3A_1986, %gt3A_2002 : vector<256x64xf32>
    %add3A_2004 = arith.constant 1.000000e+00 : f32
    %add3A_2005 = vector.broadcast %add3A_2004 : f32 to vector<256x64xf32>
    %add3A_2006 = arith.addf %convert_element_type3A_1986, %add3A_2005 : vector<256x64xf32>
    %exp3A_2007 = math.exp %convert_element_type3A_1986 : vector<256x64xf32>
    %select_n3A_2008 = arith.select %gt3A_2003, %add3A_2006, %exp3A_2007 : vector<256x64xi1>, vector<256x64xf32>
    %dot_general3A_2009 = arith.constant dense<0.000000e+00> : vector<256x64xf32>
    %dot_general3A_2010 = tpu.matmul %select_n3A_2008, %add3A_1573, %dot_general3A_2009 {dimension_numbers = #tpu.dot_dimension_numbers<[1], [0], [0], [1], [0, 0, 1, 1], [], []>, transpose_lhs_hint = false} : vector<256x64xf32>, vector<64x64xf32>, vector<256x64xf32> -> vector<256x64xf32>
    %mul3A_2011 = vector.broadcast %add3A_1577 : vector<1x64xf32> to vector<256x64xf32>
    %mul3A_2012 = arith.mulf %select_n3A_2008, %mul3A_2011 : vector<256x64xf32>
    %reduce_sum3A_2013 = arith.constant dense<0.000000e+00> : vector<256xf32>
    %reduce_sum3A_2014 = vector.multi_reduction <add>, %mul3A_2012, %reduce_sum3A_2013 [1] : vector<256x64xf32> to vector<256xf32>
    %broadcast_in_dim3A_2015 = vector.shape_cast %reduce_sum3A_2014 : vector<256xf32> to vector<256x1xf32>
    %integer_pow3A_2016 = arith.constant 1.000000e+00 : f32
    %integer_pow3A_2017 = vector.broadcast %integer_pow3A_2016 : f32 to vector<256x1xf32>
    %integer_pow3A_2018 = arith.divf %integer_pow3A_2017, %broadcast_in_dim3A_2015 : vector<256x1xf32>
    %mul3A_2019 = vector.broadcast %integer_pow3A_2018 : vector<256x1xf32> to vector<256x64xf32>
    %mul3A_2020 = arith.mulf %dot_general3A_2010, %mul3A_2019 : vector<256x64xf32>
    %dot_general3A_2021 = arith.constant dense<0.000000e+00> : vector<256x256xf32>
    %dot_general3A_2022 = tpu.matmul %convert_element_type3A_1986, %convert_element_type3A_1993, %dot_general3A_2021 {dimension_numbers = #tpu.dot_dimension_numbers<[1], [1], [0], [0], [0, 0, 1, 0], [], []>, transpose_lhs_hint = false} : vector<256x64xf32>, vector<256x64xf32>, vector<256x256xf32> -> vector<256x256xf32>
    %mul3A_2023 = arith.constant 1.250000e-01 : f32
    %mul3A_2024 = vector.broadcast %mul3A_2023 : f32 to vector<256x256xf32>
    %mul3A_2025 = arith.mulf %dot_general3A_2022, %mul3A_2024 : vector<256x256xf32>
    %exp3A_2026 = math.exp %mul3A_2025 : vector<256x256xf32>
    %concatenate3A_2027 = tpu.concatenate %convert_element_type3A_2000, %broadcast_in_dim3A_94 in 1 : vector<256x64xf32>, vector<256x1xf32> -> vector<256x65xf32>
    %dot_general3A_2028 = arith.constant dense<0.000000e+00> : vector<256x65xf32>
    %dot_general3A_2029 = tpu.matmul %exp3A_2026, %concatenate3A_2027, %dot_general3A_2028 {dimension_numbers = #tpu.dot_dimension_numbers<[1], [0], [0], [1], [0, 0, 1, 1], [], []>, transpose_lhs_hint = false} : vector<256x256xf32>, vector<256x65xf32>, vector<256x65xf32> -> vector<256x65xf32>
    %slice3A_2030 = vector.extract_strided_slice %dot_general3A_2029 {offsets = [0, 0], sizes = [256, 64], strides = [1, 1]} : vector<256x65xf32> to vector<256x64xf32>
    %slice3A_2031 = vector.extract_strided_slice %dot_general3A_2029 {offsets = [0, 64], sizes = [256, 1], strides = [1, 1]} : vector<256x65xf32> to vector<256x1xf32>
    %integer_pow3A_2032 = arith.constant 1.000000e+00 : f32
    %integer_pow3A_2033 = vector.broadcast %integer_pow3A_2032 : f32 to vector<256x1xf32>
    %integer_pow3A_2034 = arith.divf %integer_pow3A_2033, %slice3A_2031 : vector<256x1xf32>
    %mul3A_2035 = vector.broadcast %integer_pow3A_2034 : vector<256x1xf32> to vector<256x64xf32>
    %mul3A_2036 = arith.mulf %slice3A_2030, %mul3A_2035 : vector<256x64xf32>
    %mul3A_2037 = vector.broadcast %logistic3A_80 : vector<1x64xf32> to vector<256x64xf32>
    %mul3A_2038 = arith.mulf %mul3A_2037, %mul3A_2020 : vector<256x64xf32>
    %sub3A_2039 = arith.constant 1.000000e+00 : f32
    %sub3A_2040 = vector.broadcast %sub3A_2039 : f32 to vector<1x64xf32>
    %sub3A_2041 = arith.subf %sub3A_2040, %logistic3A_80 : vector<1x64xf32>
    %mul3A_2042 = vector.broadcast %sub3A_2041 : vector<1x64xf32> to vector<256x64xf32>
    %mul3A_2043 = arith.mulf %mul3A_2042, %mul3A_2036 : vector<256x64xf32>
    %add3A_2044 = arith.addf %mul3A_2038, %mul3A_2043 : vector<256x64xf32>
    %convert_element_type3A_2045 = arith.truncf %add3A_2044 : vector<256x64xf32> to vector<256x64xbf16>
    %swap3A_2046 = arith.constant 0 : index
    %swap3A_2047 = arith.constant 3 : index
    %swap3A_2048 = arith.constant 4 : index
    %swap3A_2049 = arith.constant 0 : index
    %swap3A_2050 = arith.constant 0 : index
    %swap3A_2051 = vector.load %arg6[%swap3A_2046, %swap3A_2047, %swap3A_2048, %swap3A_2049, %swap3A_2050] : memref<1x4x6x256x64xbf16, #tpu.memory_space<vmem>>, vector<1x1x1x256x64xbf16>
    %swap3A_2052 = vector.shape_cast %swap3A_2051 : vector<1x1x1x256x64xbf16> to vector<256x64xbf16>
    %swap3A_2053 = vector.shape_cast %convert_element_type3A_2045 : vector<256x64xbf16> to vector<1x1x1x256x64xbf16>
    tpu.vector_store %arg6[%swap3A_2046, %swap3A_2047, %swap3A_2048, %swap3A_2049, %swap3A_2050], %swap3A_2053 {strides = array<i32>} : memref<1x4x6x256x64xbf16, #tpu.memory_space<vmem>>, vector<1x1x1x256x64xbf16>,
    %get3A_2054 = arith.constant 0 : index
    %get3A_2055 = arith.constant 5 : index
    %get3A_2056 = arith.constant 768 : index
    %get3A_2057 = arith.constant 0 : index
    %get3A_2058 = vector.load %arg2[%get3A_2054, %get3A_2055, %get3A_2056, %get3A_2057] : memref<1x6x1024x64xbf16, #tpu.memory_space<vmem>>, vector<1x1x256x64xbf16>
    %get3A_2059 = vector.shape_cast %get3A_2058 : vector<1x1x256x64xbf16> to vector<256x64xbf16>
    %convert_element_type3A_2060 = arith.extf %get3A_2059 : vector<256x64xbf16> to vector<256x64xf32>
    %get3A_2061 = arith.constant 0 : index
    %get3A_2062 = arith.constant 5 : index
    %get3A_2063 = arith.constant 768 : index
    %get3A_2064 = arith.constant 0 : index
    %get3A_2065 = vector.load %arg3[%get3A_2061, %get3A_2062, %get3A_2063, %get3A_2064] : memref<1x6x1024x64xbf16, #tpu.memory_space<vmem>>, vector<1x1x256x64xbf16>
    %get3A_2066 = vector.shape_cast %get3A_2065 : vector<1x1x256x64xbf16> to vector<256x64xbf16>
    %convert_element_type3A_2067 = arith.extf %get3A_2066 : vector<256x64xbf16> to vector<256x64xf32>
    %get3A_2068 = arith.constant 0 : index
    %get3A_2069 = arith.constant 5 : index
    %get3A_2070 = arith.constant 768 : index
    %get3A_2071 = arith.constant 0 : index
    %get3A_2072 = vector.load %arg4[%get3A_2068, %get3A_2069, %get3A_2070, %get3A_2071] : memref<1x6x1024x64xbf16, #tpu.memory_space<vmem>>, vector<1x1x256x64xbf16>
    %get3A_2073 = vector.shape_cast %get3A_2072 : vector<1x1x256x64xbf16> to vector<256x64xbf16>
    %convert_element_type3A_2074 = arith.extf %get3A_2073 : vector<256x64xbf16> to vector<256x64xf32>
    %gt3A_2075 = arith.constant 0.000000e+00 : f32
    %gt3A_2076 = vector.broadcast %gt3A_2075 : f32 to vector<256x64xf32>
    %gt3A_2077 = arith.cmpf ogt, %convert_element_type3A_2060, %gt3A_2076 : vector<256x64xf32>
    %add3A_2078 = arith.constant 1.000000e+00 : f32
    %add3A_2079 = vector.broadcast %add3A_2078 : f32 to vector<256x64xf32>
    %add3A_2080 = arith.addf %convert_element_type3A_2060, %add3A_2079 : vector<256x64xf32>
    %exp3A_2081 = math.exp %convert_element_type3A_2060 : vector<256x64xf32>
    %select_n3A_2082 = arith.select %gt3A_2077, %add3A_2080, %exp3A_2081 : vector<256x64xi1>, vector<256x64xf32>
    %dot_general3A_2083 = arith.constant dense<0.000000e+00> : vector<256x64xf32>
    %dot_general3A_2084 = tpu.matmul %select_n3A_2082, %add3A_1662, %dot_general3A_2083 {dimension_numbers = #tpu.dot_dimension_numbers<[1], [0], [0], [1], [0, 0, 1, 1], [], []>, transpose_lhs_hint = false} : vector<256x64xf32>, vector<64x64xf32>, vector<256x64xf32> -> vector<256x64xf32>
    %mul3A_2085 = vector.broadcast %add3A_1666 : vector<1x64xf32> to vector<256x64xf32>
    %mul3A_2086 = arith.mulf %select_n3A_2082, %mul3A_2085 : vector<256x64xf32>
    %reduce_sum3A_2087 = arith.constant dense<0.000000e+00> : vector<256xf32>
    %reduce_sum3A_2088 = vector.multi_reduction <add>, %mul3A_2086, %reduce_sum3A_2087 [1] : vector<256x64xf32> to vector<256xf32>
    %broadcast_in_dim3A_2089 = vector.shape_cast %reduce_sum3A_2088 : vector<256xf32> to vector<256x1xf32>
    %integer_pow3A_2090 = arith.constant 1.000000e+00 : f32
    %integer_pow3A_2091 = vector.broadcast %integer_pow3A_2090 : f32 to vector<256x1xf32>
    %integer_pow3A_2092 = arith.divf %integer_pow3A_2091, %broadcast_in_dim3A_2089 : vector<256x1xf32>
    %mul3A_2093 = vector.broadcast %integer_pow3A_2092 : vector<256x1xf32> to vector<256x64xf32>
    %mul3A_2094 = arith.mulf %dot_general3A_2084, %mul3A_2093 : vector<256x64xf32>
    %dot_general3A_2095 = arith.constant dense<0.000000e+00> : vector<256x256xf32>
    %dot_general3A_2096 = tpu.matmul %convert_element_type3A_2060, %convert_element_type3A_2067, %dot_general3A_2095 {dimension_numbers = #tpu.dot_dimension_numbers<[1], [1], [0], [0], [0, 0, 1, 0], [], []>, transpose_lhs_hint = false} : vector<256x64xf32>, vector<256x64xf32>, vector<256x256xf32> -> vector<256x256xf32>
    %mul3A_2097 = arith.constant 1.250000e-01 : f32
    %mul3A_2098 = vector.broadcast %mul3A_2097 : f32 to vector<256x256xf32>
    %mul3A_2099 = arith.mulf %dot_general3A_2096, %mul3A_2098 : vector<256x256xf32>
    %exp3A_2100 = math.exp %mul3A_2099 : vector<256x256xf32>
    %concatenate3A_2101 = tpu.concatenate %convert_element_type3A_2074, %broadcast_in_dim3A_94 in 1 : vector<256x64xf32>, vector<256x1xf32> -> vector<256x65xf32>
    %dot_general3A_2102 = arith.constant dense<0.000000e+00> : vector<256x65xf32>
    %dot_general3A_2103 = tpu.matmul %exp3A_2100, %concatenate3A_2101, %dot_general3A_2102 {dimension_numbers = #tpu.dot_dimension_numbers<[1], [0], [0], [1], [0, 0, 1, 1], [], []>, transpose_lhs_hint = false} : vector<256x256xf32>, vector<256x65xf32>, vector<256x65xf32> -> vector<256x65xf32>
    %slice3A_2104 = vector.extract_strided_slice %dot_general3A_2103 {offsets = [0, 0], sizes = [256, 64], strides = [1, 1]} : vector<256x65xf32> to vector<256x64xf32>
    %slice3A_2105 = vector.extract_strided_slice %dot_general3A_2103 {offsets = [0, 64], sizes = [256, 1], strides = [1, 1]} : vector<256x65xf32> to vector<256x1xf32>
    %integer_pow3A_2106 = arith.constant 1.000000e+00 : f32
    %integer_pow3A_2107 = vector.broadcast %integer_pow3A_2106 : f32 to vector<256x1xf32>
    %integer_pow3A_2108 = arith.divf %integer_pow3A_2107, %slice3A_2105 : vector<256x1xf32>
    %mul3A_2109 = vector.broadcast %integer_pow3A_2108 : vector<256x1xf32> to vector<256x64xf32>
    %mul3A_2110 = arith.mulf %slice3A_2104, %mul3A_2109 : vector<256x64xf32>
    %mul3A_2111 = vector.broadcast %logistic3A_92 : vector<1x64xf32> to vector<256x64xf32>
    %mul3A_2112 = arith.mulf %mul3A_2111, %mul3A_2094 : vector<256x64xf32>
    %sub3A_2113 = arith.constant 1.000000e+00 : f32
    %sub3A_2114 = vector.broadcast %sub3A_2113 : f32 to vector<1x64xf32>
    %sub3A_2115 = arith.subf %sub3A_2114, %logistic3A_92 : vector<1x64xf32>
    %mul3A_2116 = vector.broadcast %sub3A_2115 : vector<1x64xf32> to vector<256x64xf32>
    %mul3A_2117 = arith.mulf %mul3A_2116, %mul3A_2110 : vector<256x64xf32>
    %add3A_2118 = arith.addf %mul3A_2112, %mul3A_2117 : vector<256x64xf32>
    %convert_element_type3A_2119 = arith.truncf %add3A_2118 : vector<256x64xf32> to vector<256x64xbf16>
    %swap3A_2120 = arith.constant 0 : index
    %swap3A_2121 = arith.constant 3 : index
    %swap3A_2122 = arith.constant 5 : index
    %swap3A_2123 = arith.constant 0 : index
    %swap3A_2124 = arith.constant 0 : index
    %swap3A_2125 = vector.load %arg6[%swap3A_2120, %swap3A_2121, %swap3A_2122, %swap3A_2123, %swap3A_2124] : memref<1x4x6x256x64xbf16, #tpu.memory_space<vmem>>, vector<1x1x1x256x64xbf16>
    %swap3A_2126 = vector.shape_cast %swap3A_2125 : vector<1x1x1x256x64xbf16> to vector<256x64xbf16>
    %swap3A_2127 = vector.shape_cast %convert_element_type3A_2119 : vector<256x64xbf16> to vector<1x1x1x256x64xbf16>
    tpu.vector_store %arg6[%swap3A_2120, %swap3A_2121, %swap3A_2122, %swap3A_2123, %swap3A_2124], %swap3A_2127 {strides = array<i32>} : memref<1x4x6x256x64xbf16, #tpu.memory_space<vmem>>, vector<1x1x1x256x64xbf16>,
    return
  }
  func.func @transform_0(%arg0: i32, %arg1: i32) -> (i32, i32, i32, i32) {
    %c0_i32 = arith.constant 0 : i32
    %c0_i32_0 = arith.constant 0 : i32
    %c0_i32_1 = arith.constant 0 : i32
    return %arg0, %arg1, %c0_i32, %c0_i32_0 : i32, i32, i32, i32
  }
  func.func @transform_1(%arg0: i32, %arg1: i32) -> (i32, i32, i32, i32) {
    %c0_i32 = arith.constant 0 : i32
    %c0_i32_0 = arith.constant 0 : i32
    %c0_i32_1 = arith.constant 0 : i32
    return %arg0, %arg1, %c0_i32, %c0_i32_0 : i32, i32, i32, i32
  }
  func.func @transform_2(%arg0: i32, %arg1: i32) -> (i32, i32, i32, i32) {
    %c0_i32 = arith.constant 0 : i32
    %c0_i32_0 = arith.constant 0 : i32
    %c0_i32_1 = arith.constant 0 : i32
    return %arg0, %arg1, %c0_i32, %c0_i32_0 : i32, i32, i32, i32
  }
  func.func @transform_3(%arg0: i32, %arg1: i32) -> (i32, i32, i32, i32) {
    %c0_i32 = arith.constant 0 : i32
    %c0_i32_0 = arith.constant 0 : i32
    %c0_i32_1 = arith.constant 0 : i32
    %c0_i32_2 = arith.constant 0 : i32
    return %c0_i32, %arg1, %c0_i32_0, %c0_i32_1 : i32, i32, i32, i32
  }
  func.func @transform_4(%arg0: i32, %arg1: i32) -> (i32, i32, i32, i32, i32) {
    %c0_i32 = arith.constant 0 : i32
    %c0_i32_0 = arith.constant 0 : i32
    %c0_i32_1 = arith.constant 0 : i32
    %c0_i32_2 = arith.constant 0 : i32
    return %arg0, %c0_i32, %arg1, %c0_i32_0, %c0_i32_1 : i32, i32, i32, i32, i32
  }
}

module attributes {stable_mosaic.version = 14 : i64} {
  func.func @_mlp_kernel(%arg0: i32, %arg1: memref<512x768xbf16, #tpu.memory_space<vmem>>, %arg2: memref<768x768xf32, #tpu.memory_space<vmem>>, %arg3: memref<768x2048xf32, #tpu.memory_space<vmem>>, %arg4: memref<1x2048xf32, #tpu.memory_space<vmem>>, %arg5: memref<2048x768xf32, #tpu.memory_space<vmem>>, %arg6: memref<1x768xf32, #tpu.memory_space<vmem>>, %arg7: memref<512x768xbf16, #tpu.memory_space<vmem>>) attributes {dimension_semantics = [#tpu.dimension_semantics<arbitrary>], iteration_bounds = array<i64: 8>, scalar_prefetch = 0 : i64, scratch_operands = 0 : i64, tpu.core_type = #tpu.core_type<tc>, window_params = [{transform_indices = @transform_0, window_bounds = array<i64: 512, 768>}, {pipeline_mode = #tpu.pipeline_mode<synchronous>, transform_indices = @transform_1, window_bounds = array<i64: 768, 768>}, {pipeline_mode = #tpu.pipeline_mode<synchronous>, transform_indices = @transform_2, window_bounds = array<i64: 768, 2048>}, {pipeline_mode = #tpu.pipeline_mode<synchronous>, transform_indices = @transform_3, window_bounds = array<i64: 1, 2048>}, {pipeline_mode = #tpu.pipeline_mode<synchronous>, transform_indices = @transform_4, window_bounds = array<i64: 2048, 768>}, {pipeline_mode = #tpu.pipeline_mode<synchronous>, transform_indices = @transform_5, window_bounds = array<i64: 1, 768>}, {transform_indices = @transform_6, window_bounds = array<i64: 512, 768>}]} {
    %get3A = arith.constant 0 : index
    %get3A_0 = arith.constant 0 : index
    %get3A_1 = vector.load %arg1[%get3A, %get3A_0] : memref<512x768xbf16, #tpu.memory_space<vmem>>, vector<512x768xbf16>
    %convert_element_type3A = arith.extf %get3A_1 : vector<512x768xbf16> to vector<512x768xf32>
    %get3A_2 = arith.constant 0 : index
    %get3A_3 = arith.constant 0 : index
    %get3A_4 = vector.load %arg2[%get3A_2, %get3A_3] : memref<768x768xf32, #tpu.memory_space<vmem>>, vector<768x768xf32>
    %dot_general3A = arith.constant dense<0.000000e+00> : vector<512x768xf32>
    %dot_general3A_5 = tpu.matmul %convert_element_type3A, %get3A_4, %dot_general3A {dimension_numbers = #tpu.dot_dimension_numbers<[1], [0], [0], [1], [0, 0, 1, 1], [], []>, transpose_lhs_hint = false} : vector<512x768xf32>, vector<768x768xf32>, vector<512x768xf32> -> vector<512x768xf32>
    %get3A_6 = arith.constant 0 : index
    %get3A_7 = arith.constant 0 : index
    %get3A_8 = vector.load %arg3[%get3A_6, %get3A_7] : memref<768x2048xf32, #tpu.memory_space<vmem>>, vector<768x2048xf32>
    %dot_general3A_9 = arith.constant dense<0.000000e+00> : vector<512x2048xf32>
    %dot_general3A_10 = tpu.matmul %dot_general3A_5, %get3A_8, %dot_general3A_9 {dimension_numbers = #tpu.dot_dimension_numbers<[1], [0], [0], [1], [0, 0, 1, 1], [], []>, transpose_lhs_hint = false} : vector<512x768xf32>, vector<768x2048xf32>, vector<512x2048xf32> -> vector<512x2048xf32>
    %get3A_11 = arith.constant 0 : index
    %get3A_12 = arith.constant 0 : index
    %get3A_13 = vector.load %arg4[%get3A_11, %get3A_12] : memref<1x2048xf32, #tpu.memory_space<vmem>>, vector<1x2048xf32>
    %add3A = vector.broadcast %get3A_13 : vector<1x2048xf32> to vector<512x2048xf32>
    %add3A_14 = arith.addf %dot_general3A_10, %add3A : vector<512x2048xf32>
    %mul3A = arith.constant 5.000000e-01 : f32
    %mul3A_15 = vector.broadcast %mul3A : f32 to vector<512x2048xf32>
    %mul3A_16 = arith.mulf %add3A_14, %mul3A_15 : vector<512x2048xf32>
    %mul3A_17 = arith.constant 0.707106769 : f32
    %mul3A_18 = vector.broadcast %mul3A_17 : f32 to vector<512x2048xf32>
    %mul3A_19 = arith.mulf %add3A_14, %mul3A_18 : vector<512x2048xf32>
    %erf3A = math.erf %mul3A_19 : vector<512x2048xf32>
    %add3A_20 = arith.constant 1.000000e+00 : f32
    %add3A_21 = vector.broadcast %add3A_20 : f32 to vector<512x2048xf32>
    %add3A_22 = arith.addf %add3A_21, %erf3A : vector<512x2048xf32>
    %mul3A_23 = arith.mulf %mul3A_16, %add3A_22 : vector<512x2048xf32>
    %get3A_24 = arith.constant 0 : index
    %get3A_25 = arith.constant 0 : index
    %get3A_26 = vector.load %arg5[%get3A_24, %get3A_25] : memref<2048x768xf32, #tpu.memory_space<vmem>>, vector<2048x768xf32>
    %dot_general3A_27 = arith.constant dense<0.000000e+00> : vector<512x768xf32>
    %dot_general3A_28 = tpu.matmul %mul3A_23, %get3A_26, %dot_general3A_27 {dimension_numbers = #tpu.dot_dimension_numbers<[1], [0], [0], [1], [0, 0, 1, 1], [], []>, transpose_lhs_hint = false} : vector<512x2048xf32>, vector<2048x768xf32>, vector<512x768xf32> -> vector<512x768xf32>
    %get3A_29 = arith.constant 0 : index
    %get3A_30 = arith.constant 0 : index
    %get3A_31 = vector.load %arg6[%get3A_29, %get3A_30] : memref<1x768xf32, #tpu.memory_space<vmem>>, vector<1x768xf32>
    %add3A_32 = vector.broadcast %get3A_31 : vector<1x768xf32> to vector<512x768xf32>
    %add3A_33 = arith.addf %dot_general3A_28, %add3A_32 : vector<512x768xf32>
    %convert_element_type3A_34 = arith.truncf %add3A_33 : vector<512x768xf32> to vector<512x768xbf16>
    %swap3A = arith.constant 0 : index
    %swap3A_35 = arith.constant 0 : index
    %swap3A_36 = vector.load %arg7[%swap3A, %swap3A_35] : memref<512x768xbf16, #tpu.memory_space<vmem>>, vector<512x768xbf16>
    tpu.vector_store %arg7[%swap3A, %swap3A_35], %convert_element_type3A_34 {strides = array<i32>} : memref<512x768xbf16, #tpu.memory_space<vmem>>, vector<512x768xbf16>,
    return
  }
  func.func @transform_0(%arg0: i32) -> (i32, i32) {
    %c0_i32 = arith.constant 0 : i32
    %c0_i32_0 = arith.constant 0 : i32
    return %arg0, %c0_i32 : i32, i32
  }
  func.func @transform_1(%arg0: i32) -> (i32, i32) {
    %c0_i32 = arith.constant 0 : i32
    %c0_i32_0 = arith.constant 0 : i32
    %c0_i32_1 = arith.constant 0 : i32
    return %c0_i32, %c0_i32_0 : i32, i32
  }
  func.func @transform_2(%arg0: i32) -> (i32, i32) {
    %c0_i32 = arith.constant 0 : i32
    %c0_i32_0 = arith.constant 0 : i32
    %c0_i32_1 = arith.constant 0 : i32
    return %c0_i32, %c0_i32_0 : i32, i32
  }
  func.func @transform_3(%arg0: i32) -> (i32, i32) {
    %c0_i32 = arith.constant 0 : i32
    %c0_i32_0 = arith.constant 0 : i32
    %c0_i32_1 = arith.constant 0 : i32
    return %c0_i32, %c0_i32_0 : i32, i32
  }
  func.func @transform_4(%arg0: i32) -> (i32, i32) {
    %c0_i32 = arith.constant 0 : i32
    %c0_i32_0 = arith.constant 0 : i32
    %c0_i32_1 = arith.constant 0 : i32
    return %c0_i32, %c0_i32_0 : i32, i32
  }
  func.func @transform_5(%arg0: i32) -> (i32, i32) {
    %c0_i32 = arith.constant 0 : i32
    %c0_i32_0 = arith.constant 0 : i32
    %c0_i32_1 = arith.constant 0 : i32
    return %c0_i32, %c0_i32_0 : i32, i32
  }
  func.func @transform_6(%arg0: i32) -> (i32, i32) {
    %c0_i32 = arith.constant 0 : i32
    %c0_i32_0 = arith.constant 0 : i32
    return %arg0, %c0_i32 : i32, i32
  }
}

module attributes {stable_mosaic.version = 14 : i64} {
  func.func @_scatter_ln_kernel(%arg0: i32, %arg1: memref<1x2048x768xf32, #tpu.memory_space<vmem>>, %arg2: memref<1x1x256xi32, #tpu.memory_space<vmem>>, %arg3: memref<1x256x768xbf16, #tpu.memory_space<vmem>>, %arg4: memref<1x768xf32, #tpu.memory_space<vmem>>, %arg5: memref<1x768xf32, #tpu.memory_space<vmem>>, %arg6: memref<1x768xf32, #tpu.memory_space<vmem>>, %arg7: memref<1x1xf32, #tpu.memory_space<vmem>>, %arg8: memref<1x2048x768xf32, #tpu.memory_space<vmem>>, %arg9: memref<1x2048x1xf32, #tpu.memory_space<vmem>>) attributes {dimension_semantics = [#tpu.dimension_semantics<arbitrary>], iteration_bounds = array<i64: 16>, scalar_prefetch = 0 : i64, scratch_operands = 0 : i64, tpu.core_type = #tpu.core_type<tc>, window_params = [{transform_indices = @transform_0, window_bounds = array<i64: 1, 2048, 768>}, {transform_indices = @transform_1, window_bounds = array<i64: 1, 1, 256>}, {transform_indices = @transform_2, window_bounds = array<i64: 1, 256, 768>}, {pipeline_mode = #tpu.pipeline_mode<synchronous>, transform_indices = @transform_3, window_bounds = array<i64: 1, 768>}, {pipeline_mode = #tpu.pipeline_mode<synchronous>, transform_indices = @transform_4, window_bounds = array<i64: 1, 768>}, {pipeline_mode = #tpu.pipeline_mode<synchronous>, transform_indices = @transform_5, window_bounds = array<i64: 1, 768>}, {pipeline_mode = #tpu.pipeline_mode<synchronous>, transform_indices = @transform_6, window_bounds = array<i64: 1, 1>}, {transform_indices = @transform_7, window_bounds = array<i64: 1, 2048, 768>}, {transform_indices = @transform_8, window_bounds = array<i64: 1, 2048, 1>}]} {
    %get3A = arith.constant 0 : index
    %get3A_0 = arith.constant 0 : index
    %get3A_1 = arith.constant 0 : index
    %get3A_2 = vector.load %arg1[%get3A, %get3A_0, %get3A_1] : memref<1x2048x768xf32, #tpu.memory_space<vmem>>, vector<1x2048x768xf32>
    %get3A_3 = vector.shape_cast %get3A_2 : vector<1x2048x768xf32> to vector<2048x768xf32>
    %get3A_4 = arith.constant 0 : index
    %get3A_5 = arith.constant 0 : index
    %get3A_6 = vector.load %arg6[%get3A_4, %get3A_5] : memref<1x768xf32, #tpu.memory_space<vmem>>, vector<1x768xf32>
    %mul3A = vector.broadcast %get3A_6 : vector<1x768xf32> to vector<2048x768xf32>
    %mul3A_7 = arith.mulf %get3A_3, %mul3A : vector<2048x768xf32>
    %reduce_sum3A = arith.constant dense<0.000000e+00> : vector<2048xf32>
    %reduce_sum3A_8 = vector.multi_reduction <add>, %mul3A_7, %reduce_sum3A [1] : vector<2048x768xf32> to vector<2048xf32>
    %broadcast_in_dim3A = vector.shape_cast %reduce_sum3A_8 : vector<2048xf32> to vector<2048x1xf32>
    %get3A_9 = arith.constant 0 : index
    %get3A_10 = arith.constant 0 : index
    %get3A_11 = vector.load %arg7[%get3A_9, %get3A_10] : memref<1x1xf32, #tpu.memory_space<vmem>>, vector<1x1xf32>
    %get3A_12 = vector.extract %get3A_11[0, 0] : f32 from vector<1x1xf32>
    %add3A = vector.broadcast %get3A_12 : f32 to vector<2048x1xf32>
    %add3A_13 = arith.addf %broadcast_in_dim3A, %add3A : vector<2048x1xf32>
    %swap3A = arith.constant 0 : index
    %swap3A_14 = arith.constant 0 : index
    %swap3A_15 = arith.constant 0 : index
    %swap3A_16 = vector.load %arg9[%swap3A, %swap3A_14, %swap3A_15] : memref<1x2048x1xf32, #tpu.memory_space<vmem>>, vector<1x2048x1xf32>
    %swap3A_17 = vector.shape_cast %swap3A_16 : vector<1x2048x1xf32> to vector<2048x1xf32>
    %swap3A_18 = vector.shape_cast %add3A_13 : vector<2048x1xf32> to vector<1x2048x1xf32>
    tpu.vector_store %arg9[%swap3A, %swap3A_14, %swap3A_15], %swap3A_18 {strides = array<i32>} : memref<1x2048x1xf32, #tpu.memory_space<vmem>>, vector<1x2048x1xf32>,
    %get3A_19 = arith.constant 0 : index
    %get3A_20 = arith.constant 0 : index
    %get3A_21 = arith.constant 0 : index
    %get3A_22 = vector.load %arg2[%get3A_19, %get3A_20, %get3A_21] : memref<1x1x256xi32, #tpu.memory_space<vmem>>, vector<1x1x256xi32>
    %get3A_23 = vector.shape_cast %get3A_22 : vector<1x1x256xi32> to vector<1x256xi32>
    %iota3A = tpu.iota {dimensions = array<i32: 0>} : vector<2048x256xi32>
    %eq3A = vector.broadcast %get3A_23 : vector<1x256xi32> to vector<2048x256xi32>
    %eq3A_24 = arith.cmpi eq, %iota3A, %eq3A : vector<2048x256xi32>
    %convert_element_type3A = arith.extui %eq3A_24 : vector<2048x256xi1> to vector<2048x256xi32>
    %convert_element_type3A_25 = arith.sitofp %convert_element_type3A : vector<2048x256xi32> to vector<2048x256xf32>
    %get3A_26 = arith.constant 0 : index
    %get3A_27 = arith.constant 0 : index
    %get3A_28 = arith.constant 0 : index
    %get3A_29 = vector.load %arg3[%get3A_26, %get3A_27, %get3A_28] : memref<1x256x768xbf16, #tpu.memory_space<vmem>>, vector<1x256x768xbf16>
    %get3A_30 = vector.shape_cast %get3A_29 : vector<1x256x768xbf16> to vector<256x768xbf16>
    %convert_element_type3A_31 = arith.extf %get3A_30 : vector<256x768xbf16> to vector<256x768xf32>
    %dot_general3A = arith.constant dense<0.000000e+00> : vector<2048x768xf32>
    %dot_general3A_32 = tpu.matmul %convert_element_type3A_25, %convert_element_type3A_31, %dot_general3A {dimension_numbers = #tpu.dot_dimension_numbers<[1], [0], [0], [1], [0, 0, 1, 1], [], []>, transpose_lhs_hint = false} : vector<2048x256xf32>, vector<256x768xf32>, vector<2048x768xf32> -> vector<2048x768xf32>
    %add3A_33 = arith.addf %get3A_3, %dot_general3A_32 : vector<2048x768xf32>
    %reduce_sum3A_34 = arith.constant dense<0.000000e+00> : vector<2048xf32>
    %reduce_sum3A_35 = vector.multi_reduction <add>, %add3A_33, %reduce_sum3A_34 [1] : vector<2048x768xf32> to vector<2048xf32>
    %broadcast_in_dim3A_36 = vector.shape_cast %reduce_sum3A_35 : vector<2048xf32> to vector<2048x1xf32>
    %div3A = arith.constant 7.680000e+02 : f32
    %div3A_37 = vector.broadcast %div3A : f32 to vector<2048x1xf32>
    %div3A_38 = arith.divf %broadcast_in_dim3A_36, %div3A_37 : vector<2048x1xf32>
    %sub3A = vector.broadcast %div3A_38 : vector<2048x1xf32> to vector<2048x768xf32>
    %sub3A_39 = arith.subf %add3A_33, %sub3A : vector<2048x768xf32>
    %mul3A_40 = arith.mulf %sub3A_39, %sub3A_39 : vector<2048x768xf32>
    %reduce_sum3A_41 = arith.constant dense<0.000000e+00> : vector<2048xf32>
    %reduce_sum3A_42 = vector.multi_reduction <add>, %mul3A_40, %reduce_sum3A_41 [1] : vector<2048x768xf32> to vector<2048xf32>
    %broadcast_in_dim3A_43 = vector.shape_cast %reduce_sum3A_42 : vector<2048xf32> to vector<2048x1xf32>
    %div3A_44 = arith.constant 7.680000e+02 : f32
    %div3A_45 = vector.broadcast %div3A_44 : f32 to vector<2048x1xf32>
    %div3A_46 = arith.divf %broadcast_in_dim3A_43, %div3A_45 : vector<2048x1xf32>
    %add3A_47 = arith.constant 9.99999974E-6 : f32
    %add3A_48 = vector.broadcast %add3A_47 : f32 to vector<2048x1xf32>
    %add3A_49 = arith.addf %div3A_46, %add3A_48 : vector<2048x1xf32>
    %rsqrt3A = math.rsqrt %add3A_49 : vector<2048x1xf32>
    %mul3A_50 = vector.broadcast %rsqrt3A : vector<2048x1xf32> to vector<2048x768xf32>
    %mul3A_51 = arith.mulf %sub3A_39, %mul3A_50 : vector<2048x768xf32>
    %get3A_52 = arith.constant 0 : index
    %get3A_53 = arith.constant 0 : index
    %get3A_54 = vector.load %arg4[%get3A_52, %get3A_53] : memref<1x768xf32, #tpu.memory_space<vmem>>, vector<1x768xf32>
    %mul3A_55 = vector.broadcast %get3A_54 : vector<1x768xf32> to vector<2048x768xf32>
    %mul3A_56 = arith.mulf %mul3A_51, %mul3A_55 : vector<2048x768xf32>
    %get3A_57 = arith.constant 0 : index
    %get3A_58 = arith.constant 0 : index
    %get3A_59 = vector.load %arg5[%get3A_57, %get3A_58] : memref<1x768xf32, #tpu.memory_space<vmem>>, vector<1x768xf32>
    %add3A_60 = vector.broadcast %get3A_59 : vector<1x768xf32> to vector<2048x768xf32>
    %add3A_61 = arith.addf %mul3A_56, %add3A_60 : vector<2048x768xf32>
    %swap3A_62 = arith.constant 0 : index
    %swap3A_63 = arith.constant 0 : index
    %swap3A_64 = arith.constant 0 : index
    %swap3A_65 = vector.load %arg8[%swap3A_62, %swap3A_63, %swap3A_64] : memref<1x2048x768xf32, #tpu.memory_space<vmem>>, vector<1x2048x768xf32>
    %swap3A_66 = vector.shape_cast %swap3A_65 : vector<1x2048x768xf32> to vector<2048x768xf32>
    %swap3A_67 = vector.shape_cast %add3A_61 : vector<2048x768xf32> to vector<1x2048x768xf32>
    tpu.vector_store %arg8[%swap3A_62, %swap3A_63, %swap3A_64], %swap3A_67 {strides = array<i32>} : memref<1x2048x768xf32, #tpu.memory_space<vmem>>, vector<1x2048x768xf32>,
    return
  }
  func.func @transform_0(%arg0: i32) -> (i32, i32, i32) {
    %c0_i32 = arith.constant 0 : i32
    %c0_i32_0 = arith.constant 0 : i32
    %c0_i32_1 = arith.constant 0 : i32
    return %arg0, %c0_i32, %c0_i32_0 : i32, i32, i32
  }
  func.func @transform_1(%arg0: i32) -> (i32, i32, i32) {
    %c0_i32 = arith.constant 0 : i32
    %c0_i32_0 = arith.constant 0 : i32
    %c0_i32_1 = arith.constant 0 : i32
    return %arg0, %c0_i32, %c0_i32_0 : i32, i32, i32
  }
  func.func @transform_2(%arg0: i32) -> (i32, i32, i32) {
    %c0_i32 = arith.constant 0 : i32
    %c0_i32_0 = arith.constant 0 : i32
    %c0_i32_1 = arith.constant 0 : i32
    return %arg0, %c0_i32, %c0_i32_0 : i32, i32, i32
  }
  func.func @transform_3(%arg0: i32) -> (i32, i32) {
    %c0_i32 = arith.constant 0 : i32
    %c0_i32_0 = arith.constant 0 : i32
    %c0_i32_1 = arith.constant 0 : i32
    return %c0_i32, %c0_i32_0 : i32, i32
  }
  func.func @transform_4(%arg0: i32) -> (i32, i32) {
    %c0_i32 = arith.constant 0 : i32
    %c0_i32_0 = arith.constant 0 : i32
    %c0_i32_1 = arith.constant 0 : i32
    return %c0_i32, %c0_i32_0 : i32, i32
  }
  func.func @transform_5(%arg0: i32) -> (i32, i32) {
    %c0_i32 = arith.constant 0 : i32
    %c0_i32_0 = arith.constant 0 : i32
    %c0_i32_1 = arith.constant 0 : i32
    return %c0_i32, %c0_i32_0 : i32, i32
  }
  func.func @transform_6(%arg0: i32) -> (i32, i32) {
    %c0_i32 = arith.constant 0 : i32
    %c0_i32_0 = arith.constant 0 : i32
    %c0_i32_1 = arith.constant 0 : i32
    return %c0_i32, %c0_i32_0 : i32, i32
  }
  func.func @transform_7(%arg0: i32) -> (i32, i32, i32) {
    %c0_i32 = arith.constant 0 : i32
    %c0_i32_0 = arith.constant 0 : i32
    %c0_i32_1 = arith.constant 0 : i32
    return %arg0, %c0_i32, %c0_i32_0 : i32, i32, i32
  }
  func.func @transform_8(%arg0: i32) -> (i32, i32, i32) {
    %c0_i32 = arith.constant 0 : i32
    %c0_i32_0 = arith.constant 0 : i32
    %c0_i32_1 = arith.constant 0 : i32
    return %arg0, %c0_i32, %c0_i32_0 : i32, i32, i32
  }
}

</mosaic_0001>

<sc_bundles>
// kernel: kernel.8.cloned.1.call-start
scs
__scs_entry_jumppad:
0x0: {  	(pc) =	sbr.rel $0x88, $3  }
0x1: {  	(tag) =	ssettag $0x0;
	lr =	simm.s32 $0x1  }
0x2: {  	[smem:$0x3F93] =	sst lr;
	_ =	strace $0xD0000000  }
0x3: {  	_ = 	snop  }
0x4: {  	_ = 	snop  }
0x5: {  	_ = 	snop  }
0x6: {  	_ = 	snop  }
0x7: {  	_ = 	snop  }
__scs_overlays_trampoline_lowered:
0x8: {  	[smem:$0x3FA2] =	sst s0  }
0x9: {  	[smem:$0x3FA3] =	sst s1  }
0xa: {  	[smem:$0x3FA4] =	sst s2  }
0xb: {  	[smem:$0x3FA5] =	sst s3  }
0xc: {  	[smem:$0x3FA6] =	sst s4  }
0xd: {  	[smem:$0x3FA7] =	sst s5  }
0xe: {  	[smem:$0x3FA8] =	sst s6  }
0xf: {  	[smem:$0x3FA9] =	sst s7  }
0x10: {  	[smem:$0x3FAA] =	sst s8  }
0x11: {  	[smem:$0x3FAB] =	sst s9;
	s0 =	simm.s32 @!p0 $0x0  }
0x12: {  	s1 =	sld [smem:$0x3F91];
	s0 =	simm.s32 @p0 $0x1  }
0x13: {  	[smem:$0x3FAC] =	sst s0;
	s0 =	simm.s32 @!p1 $0x0  }
0x14: {  	s2 =	sld [smem:$0x3F90];
	s0 =	simm.s32 @p1 $0x1  }
0x15: {  	[smem:$0x3FAD] =	sst s0;
	s0 =	simm.s32 @!p2 $0x0  }
0x16: {  	s3 =	sld [smem:$0x3FDB];
	s0 =	simm.s32 @p2 $0x1  }
0x17: {  	s4 =	simm.s32 $0x1BF5;
	[smem:$0x3FAF] =	sst s0  }
0x18: {  	s0 =	sld [smem:$0x3F92];
	_ =	swait.ge [sflag:s4], $0x0  }
0x19: {  	s7 =	sld [smem:$0x3F93]  }
0x1a: {  	s8 =	sadd.s32 $0xFFFFE003, lr  }
0x1b: {  	s9 =	sadd.s32 $0xFFFFFEF7, lr;
	s5 =	simm.s32 $0xFFFFFFFF;
	p2 =	slt.u32 s8, $0xFFFFF086  }
0x1c: {  	p1 =	slt.u32 s9, $0xF7A;
	s5 =	simm.s32 @!p2 $0x0  }
0x1d: {  	s5 =	simm.s32 @p1 $0x1;
	p0 =	seq.s32 s7, s2  }
0x1e: {  	s7 =	smul.u32 @!p0 $0xF7A, s2;
	p2 =	seq.s32 @!p0 s5, $0x0  }
0x1f: {  	s9 =	smul.u32 $0xF7A, s1;
	s8 =	simm.s32 @!p0 $0x1BF5;
	p2 =	por !p2, p0  }
0x20: {  	[sflag:s8] =	ssyncset.s32 @!p0 $0xFFFFF086;
	s6 =	sadd.s32 @!p0 s3, s7;
	s7 =	simm.s32 @!p0 $0x108  }
0x21: {  	s3 =	sadd.s32 s3, s9;
	s6 =	sadd.s32 @!p0 $0x88, s6;
	s7 =	simm.s32 @p2 $0x1082  }
0x22: {  	[simem:s7], [sflag:s8] =	dma.local @!p0 [hbm:s6], $0xF7A  }
0x23: {  	s9 =	sor.u32 $0xD0000000, s2;
	s6 =	simm.s32 $0x108;
	_ =	swait.ge @!p0 [sflag:s8], $0x0  }
0x24: {  	s3 =	sadd.s32 $0x88, s3;
	s6 =	simm.s32 @!p1 $0x1082;
	[sflag:s4] =	ssyncset.s32 $0xFFFFF086  }
0x25: {  	[simem:s6], [sflag:s4] =	dma.local [hbm:s3], $0xF7A  }
0x26: {  	[smem:$0x3F93] =	sst s1;
	(tag) =	ssettag s2;
	_ =	strace s9  }
0x27: {  	s1 =	sld [smem:$0x3FA3]  }
0x28: {  	s2 =	sld [smem:$0x3FA4]  }
0x29: {  	s4 =	sld [smem:$0x3FA6]  }
0x2a: {  	p0 =	seq.s32 s5, $0x0;
	s5 =	sld [smem:$0x3FA7]  }
0x2b: {  	s6 =	sld [smem:$0x3FA8]  }
0x2c: {  	s7 =	sld [smem:$0x3FA9]  }
0x2d: {  	s3 =	simm.s32 $0x108;
	s8 =	sld [smem:$0x3FAA]  }
0x2e: {  	s3 =	simm.s32 @!p0 $0x1082;
	s9 =	sld [smem:$0x3FAB]  }
0x2f: {  	lr =	sadd.s32 s0, s3;
	s0 =	sld [smem:$0x3FA2]  }
0x30: {  	s3 =	sld [smem:$0x3FA5]  }
0x31: {  	[smem:$0x3FAE] =	sst s10  }
0x32: {  	s10 =	sld [smem:$0x3FAC];
	_ =	sdelay $0x3  }
0x33: {  	p0 =	seq.s32 s10, $0x1;
	s10 =	sld [smem:$0x3FAE];
	_ =	sdelay $0x3  }
0x34: {  	[smem:$0x3FAE] =	sst s10  }
0x35: {  	s10 =	sld [smem:$0x3FAD];
	_ =	sdelay $0x3  }
0x36: {  	p1 =	seq.s32 s10, $0x1;
	s10 =	sld [smem:$0x3FAE];
	_ =	sdelay $0x3  }
0x37: {  	[smem:$0x3FAE] =	sst s10  }
0x38: {  	s10 =	sld [smem:$0x3FAF]  }
0x39: {  	_ = 	snop;
	(pc) =	sbr.ind lr, $3  }
0x3a: {  	_ = 	snop  }
0x3b: {  	_ = 	snop  }
0x3c: {  	p2 =	seq.s32 s10, $0x1;
	s10 =	sld [smem:$0x3FAE]  }
0x3d: {  	_ =	shalt  }
0x3e: {  	_ =	shalt  }
0x3f: {  	_ =	shalt  }
0x40: {  	_ =	shalt  }
0x41: {  	_ =	shalt  }
0x42: {  	_ =	shalt  }
0x43: {  	_ =	shalt  }
0x44: {  	_ =	shalt  }
0x45: {  	_ =	shalt  }
0x46: {  	_ =	shalt  }
0x47: {  	_ =	shalt  }
0x48: {  	_ =	shalt  }
0x49: {  	_ =	shalt  }
0x4a: {  	_ =	shalt  }
0x4b: {  	_ =	shalt  }
0x4c: {  	_ =	shalt  }
0x4d: {  	_ =	shalt  }
0x4e: {  	_ =	shalt  }
0x4f: {  	_ =	shalt  }
0x50: {  	_ =	shalt  }
0x51: {  	_ =	shalt  }
0x52: {  	_ =	shalt  }
0x53: {  	_ =	shalt  }
0x54: {  	_ =	shalt  }
0x55: {  	_ =	shalt  }
0x56: {  	_ =	shalt  }
0x57: {  	_ =	shalt  }
0x58: {  	_ =	shalt  }
0x59: {  	_ =	shalt  }
0x5a: {  	_ =	shalt  }
0x5b: {  	_ =	shalt  }
0x5c: {  	_ =	shalt  }
0x5d: {  	_ =	shalt  }
0x5e: {  	_ =	shalt  }
0x5f: {  	_ =	shalt  }
0x60: {  	_ =	shalt  }
0x61: {  	_ =	shalt  }
0x62: {  	_ =	shalt  }
0x63: {  	_ =	shalt  }
0x64: {  	_ =	shalt  }
0x65: {  	_ =	shalt  }
0x66: {  	_ =	shalt  }
0x67: {  	_ =	shalt  }
0x68: {  	_ =	shalt  }
0x69: {  	_ =	shalt  }
0x6a: {  	_ =	shalt  }
0x6b: {  	_ =	shalt  }
0x6c: {  	_ =	shalt  }
0x6d: {  	_ =	shalt  }
0x6e: {  	_ =	shalt  }
0x6f: {  	_ =	shalt  }
0x70: {  	_ =	shalt  }
0x71: {  	_ =	shalt  }
0x72: {  	_ =	shalt  }
0x73: {  	_ =	shalt  }
0x74: {  	_ =	shalt  }
0x75: {  	_ =	shalt  }
0x76: {  	_ =	shalt  }
0x77: {  	_ =	shalt  }
0x78: {  	_ =	shalt  }
0x79: {  	_ =	shalt  }
0x7a: {  	_ =	shalt  }
0x7b: {  	_ =	shalt  }
0x7c: {  	_ =	shalt  }
0x7d: {  	_ =	shalt  }
0x7e: {  	_ =	shalt  }
0x7f: {  	_ =	shalt  }
0x80: {  	_ =	shalt  }
0x81: {  	_ =	shalt  }
0x82: {  	_ =	shalt  }
0x83: {  	_ =	shalt  }
0x84: {  	_ =	shalt  }
0x85: {  	_ =	shalt  }
0x86: {  	_ =	shalt  }
0x87: {  	_ =	shalt  }
.Lfunc_end0:
.L_simem_size_0:
called_computation_lowered:
.L_overlay_start_0:
0x88: {  	s2 =	sld [smem:$0x3FD9]  }
0x89: {  	s3 =	sld [smem:$0x3FFE];
	_ =	sdelay $0x1  }
0x8a: {  	s1 =	srdreg.scid  }
0x8b: {  	s0 =	sand.u32 $0x1, s1  }
0x8c: {  	s15 =	sshll.u32 s0, $0xA;
	s2 =	sadd.s32 s3, s2  }
0x8d: {  	s2 =	sadd.s32 s2, s15  }
0x8e: {  	[smem:$0x3FBA] =	sst s2  }
0x8f: {  	_ = 	snop  }
0x90: {  	s2 =	sld [smem:$0x3FD0];
	_ =	sdelay $0x2  }
0x91: {  	s4 =	simm.s32 $0xA;
	s5 =	simm.s32 $0x10;
	s16 =	sld [smem:$0x3FC9]  }
0x92: {  	[smem:s5], [sflag:s4] =	dma.local [hbm:s2], $0x1  }
0x93: {  	_ =	swait.eq [sflag:s4], $0x1  }
0x94: {  	[sflag:s4] =	ssyncset.done $0x0  }
0x95: {  	s17 =	sld [smem:$0x10];
	[sflag:s4] =	ssyncadd.s32 $0xFFFFFFFF  }
0x96: {  	s18 =	sld [smem:$0x12];
	(tm) =	ssettm $0x1  }
0x97: {  	s19 =	sld [smem:$0x3FFB];
	_ =	sdelay $0x3  }
0x98: {  	_ =	strace s19  }
0x99: {  	s5 =	sld [smem:$0x3FFC];
	_ =	sdelay $0x3  }
0x9a: {  	_ =	strace s5  }
0x9b: {  	s5 =	sld [smem:$0x3FFD];
	_ =	sdelay $0x3  }
0x9c: {  	_ =	strace s5  }
0x9d: {  	_ =	strace $0x8FFFFFFF  }
0x9e: {  	s20 =	sld [smem:$0x3FDB];
	_ =	sdelay $0x1  }
0x9f: {  	s6 =	simm.s32 $_scs_section_size  }
0xa0: {  	s7 =	simm.s32 $_size__tile_overlayer_lowered;
	s8 =	simm.s32 $_tile_overlayer_lowered  }
0xa1: {  	s23 =	simm.s32 $0x1BFF;
	s22 =	sshll.u32 s8, $0x1;
	s5 =	sadd.s32 s6, s20  }
0xa2: {  	s9 =	simm.s32 $0x0;
	s21 =	sshll.u32 s7, $0x1;
	s7 =	sadd.s32 s22, s5  }
0xa3: {  	[timem:s9], [sflag:s23] =	dma.local [hbm:s7], s21  }
0xa4: {  	_ =	swait.ge [sflag:s23], s21  }
0xa5: {  	s6 =	ssub.s32 $0x0, s21;
	[sflag:s23] =	ssyncset.done $0x0  }
0xa6: {  	[sflag:s23] =	ssyncadd.s32 s6;
	_ =	sdelay $0x1  }
0xa7: {  	s24 =	simm.s32 $0x1B8B  }
0xa8: {  	_ =	swait.ge [sflag:s24], $0x1  }
0xa9: {  	[sflag:s24] =	ssyncset.done $0x0  }
0xaa: {  	s25 =	simm.s32 $0x1B8E;
	[sflag:s24] =	ssyncadd.s32 $0xFFFFFFFF  }
0xab: {  	s26 =	simm.s32 $execute0_lowered;
	[smem:$0x3FD2] =	sst s25  }
0xac: {  	s6 =	sshll.u32 s26, $0x1;
	_ =	strace $0x80000046;
	[dreg:$0x1] =	wrdreg $0xFFFFFFFF  }
0xad: {  	s28 =	simm.s32 $_size_execute0_lowered;
	s5 =	sadd.s32 s5, s6;
	[dreg:$0x0] =	wrdreg $0x0  }
0xae: {  	s6 =	sshll.u32 s28, $0x1;
	[dreg:$0x2] =	wrdreg s5  }
0xaf: {  	[dreg:$0x3] =	wrdreg s6  }
0xb0: {  	[dreg:$0x4] =	wrdreg $0xC0  }
0xb1: {  	_ =	task [dreg:s9], $0x5FFFF  }
0xb2: {  	[dreg:$0x1] =	wrdreg $0xFFFFFFFF  }
0xb3: {  	[dreg:$0x0] =	wrdreg $0x60  }
0xb4: {  	[dreg:$0x2] =	wrdreg s16  }
0xb5: {  	[dreg:$0x3] =	wrdreg s18  }
0xb6: {  	[dreg:$0x4] =	wrdreg s17  }
0xb7: {  	[dreg:$0x5] =	wrdreg $0x9  }
0xb8: {  	_ =	task.clear_ibuf [dreg:s9], $0x6FFFF;
	_ =	strace $0x90000046  }
0xb9: {  	s29 =	simm.s32 $0x9;
	_ =	strace $0x80000048  }
0xba: {  	_ =	swait.ge [sflag:s29], $0x1  }
0xbb: {  	[sflag:s29] =	ssyncadd.s32 $0xFFFFFFFF  }
0xbc: {  	_ =	strace $0x90000048  }
0xbd: {  	_ =	sfence  }
0xbe: {  	s30 =	sld [smem:$0x0];
	_ =	sdelay $0x2  }
0xbf: {  	s31 =	sshll.u32 s1, $0xD;
	s1 =	sshrl.u32 s1, $0x2  }
0xc0: {  	s3 =	sand.u32 $0x4000, s31;
	s1 =	sadd.s32 s1, s30  }
0xc1: {  	s0 =	sor.u32 s3, s0;
	s1 =	sshll.u32 s1, $0x11  }
0xc2: {  	s0 =	sor.u32 s1, s0  }
0xc3: {  	s0 =	sadd.s32 $0x8F2B, s0  }
0xc4: {  	[sflag:s0] =	ssyncadd.remote.s32 $0x1  }
0xc5: {  	_ =	sfence.sel $0xFFFF  }
0xc6: {  	[dreg:$0x0] =	wrdreg $0xFFFFFFFF;
	(pc) =	sbr.abs _section_cstart, $3  }
0xc7: {  	[dreg:$0x1] =	wrdreg $0xFFFFFFFF  }
0xc8: {  	_ =	task.clear_ibuf [dreg:s9], $0x2FFFF;
	_ =	strace $0x9FFFFFFF  }
0xc9: {  	(tm) =	ssettm $0x7FFFFFFF  }
tec
execute0_lowered:
.L_overlay_start_1:
0x0: {  	(tag) =	ssettag $0x1  }
0x1: {  	s1 =	rddreg [dreg:$0x0]  }
0x2: {  	s4 =	rddreg [dreg:$0x1]  }
0x3: {  	s5 =	rddreg [dreg:$0x2];
	s3 =	simm.s32 $0x0  }
0x4: {  	s24 =	simm.s32 $0x880;
	[smem:$0x7FF] =	sst s3  }
0x5: {  	s25 =	simm.s32 $0x1080;
	_ =	strace $0x80000047;
	[dreg:$0x6] =	wrdreg s24  }
0x6: {  	s0 =	stileid.u32;
	s26 =	simm.s32 $0x1880;
	[dreg:$0x7] =	wrdreg s25  }
0x7: {  	s6 =	sshll.u32 s0, $0x5;
	s0 =	simm.s32 $0x2080;
	[dreg:$0x8] =	wrdreg s26  }
0x8: {  	s8 =	simm.s32 $0x4080;
	[dreg:$0x9] =	wrdreg s0  }
0x9: {  	s9 =	simm.s32 $0x4880;
	[dreg:$0xd] =	wrdreg s8  }
0xa: {  	s10 =	simm.s32 $0x5080;
	[dreg:$0xe] =	wrdreg s9  }
0xb: {  	s11 =	simm.s32 $0x5880;
	[dreg:$0xf] =	wrdreg s10  }
0xc: {  	s12 =	simm.s32 $0x6080;
	[dreg:$0x10] =	wrdreg s11  }
0xd: {  	s13 =	simm.s32 $0x6880;
	[dreg:$0x11] =	wrdreg s12  }
0xe: {  	s14 =	simm.s32 $0x7080;
	[dreg:$0x12] =	wrdreg s13  }
0xf: {  	s15 =	simm.s32 $0x7880;
	[dreg:$0x13] =	wrdreg s14  }
0x10: {  	s2 =	srdreg.scid;
	s16 =	simm.s32 $0x8080;
	[dreg:$0x14] =	wrdreg s15  }
0x11: {  	s17 =	simm.s32 $0x8880;
	s18 =	simm.s32 $0x9080;
	[dreg:$0x15] =	wrdreg s16  }
0x12: {  	s20 =	simm.s32 $0x9880;
	s21 =	simm.s32 $0xA080;
	[dreg:$0x16] =	wrdreg s17  }
0x13: {  	s22 =	simm.s32 $0xA880;
	s28 =	simm.s32 $0x16080;
	[dreg:$0x17] =	wrdreg s18  }
0x14: {  	s29 =	simm.s32 $0x16880;
	s30 =	simm.s32 $0x17080;
	[dreg:$0x18] =	wrdreg s20  }
0x15: {  	s31 =	simm.s32 $0x17880;
	s2 =	sand.u32 $0x1, s2;
	[dreg:$0x19] =	wrdreg s21  }
0x16: {  	s7 =	sshll.u32 s2, $0x4;
	s2 =	ssub.s32 $0x2, s2;
	[dreg:$0x1a] =	wrdreg s22  }
0x17: {  	s24 =	simm.s32 $0xB880;
	s25 =	simm.s32 $0xC080;
	s8 =	simm.s32 $0x80  }
0x18: {  	s26 =	simm.s32 $0xC880;
	s10 =	simm.s32 $0xD880;
	s11 =	simm.s32 $0xE080  }
0x19: {  	s12 =	simm.s32 $0xE880;
	s13 =	simm.s32 $0xF080;
	s14 =	simm.s32 $0xF880  }
0x1a: {  	s15 =	simm.s32 $0x10080;
	s16 =	simm.s32 $0x10880;
	s17 =	simm.s32 $0x11080  }
0x1b: {  	s18 =	simm.s32 $0x11880;
	s20 =	simm.s32 $0x12880;
	[dreg:$0x1c] =	wrdreg s24  }
0x1c: {  	s21 =	simm.s32 $0x13080;
	s22 =	simm.s32 $0x13880;
	[dreg:$0x1d] =	wrdreg s25  }
0x1d: {  	s6 =	sor.u32 s7, s6;
	s19 =	sshrl.u32 s2, $0x1;
	[dreg:$0x1e] =	wrdreg s26  }
0x1e: {  	s24 =	simm.s32 $0x14880;
	s25 =	simm.s32 $0x15080;
	s26 =	simm.s32 $0x15880  }
0x1f: {  	s7 =	smul.u32 $0x300, s6;
	s4 =	sadd.s32 s4, s6;
	s6 =	simm.s32 $0x3080  }
0x20: {  	s2 =	ssub.s32 s2, s19;
	s19 =	simm.s32 $0x12080;
	[dreg:$0x4] =	wrdreg s4  }
0x21: {  	[dreg:$0xb] =	wrdreg s6;
	s4 =	sadd.s32 $0x100, s1;
	s23 =	sadd.s32 s5, s7  }
0x22: {  	s6 =	smax.u32 s2, $0x1;
	s5 =	simm.s32 $0x2880;
	[dreg:$0x5] =	wrdreg s23  }
0x23: {  	v2 =	vlaneseq.u32;
	s2 =	simm.s32 $0x1;
	s7 =	simm.s32 $0x3880;
	[dreg:$0xa] =	wrdreg s5  }
0x24: {  	vm0 =	vmmov $0xffff;
	v1 =	vshrl.u32 v2, $0x3;
	[dreg:$0xc] =	wrdreg s7;
	s5 =	sadd.s32 $0x200, s1;
	s23 =	simm.s32 $0xB080  }
0x25: {  	v0 =	vand.u32 $0x7, v2;
	v2 =	vor.u32 $0x8, v2;
	v1 =	vmul.u32 $0x8, v1;
	s7 =	simm.s32 $0x2;
	[dreg:$0x1b] =	wrdreg s23;
	s23 =	simm.s32 $0x14080  }
.LBB2_1:
0x26: {  	s0 =	rddreg [dreg:$0x4]  }
0x27: {  	[tilespmem:s3], [sflag:$0x2] =	stream.linear.gather [hbm4b:s0+s3], $0x80, $0x38;
	[tilespmem:$0x18080] =	vst v63  }
0x28: {  	_ =	swait.ge [sflag:s7], $0x80  }
0x29: {  	[sflag:s7] =	ssyncset.done $0x0  }
0x2a: {  	[sflag:s7] =	ssyncadd.s32 $0xFFFFFF80  }
0x2b: {  	v3 =	vld [tilespmem:$0x0];
	_ =	sdelay $0x4  }
0x2c: {  	v4 =	vshrl.u32 v3, $0x3  }
0x2d: {  	v4 =	vmul.u32 $0x30, v4  }
0x2e: {  	v3 =	vand.u32 $0x7, v3  }
0x2f: {  	v3 =	vor.u32 v3, v4  }
0x30: {  	v4 =	vperm.xlane v3, v0;
	_ =	sdelay $0x1  }
0x31: {  	v4 =	vadd.s32 v1, v4;
	_ =	sdelay $0x3  }
0x32: {  	v3 =	vperm.xlane v3, v2  }
0x33: {  	[tilespmem:s8], [sflag:$0x1] =	stream.indirect_vreg.gather [hbm4b:s1+s3], $0x80, v4, vm0, $0xb8;
	[tilespmem:$0x18080] =	vst v63  }
0x34: {  	s0 =	rddreg [dreg:$0x6];
	v3 =	vadd.s32 v1, v3  }
0x35: {  	[tilespmem:s0], [sflag:$0x1] =	stream.indirect_vreg.gather [hbm4b:s4+s3], $0x80, v4, vm0, $0xb8;
	[tilespmem:$0x18080] =	vst v63  }
0x36: {  	s9 =	rddreg [dreg:$0x7]  }
0x37: {  	[tilespmem:s9], [sflag:$0x1] =	stream.indirect_vreg.gather [hbm4b:s5+s3], $0x80, v4, vm0, $0xb8;
	[tilespmem:$0x18080] =	vst v63  }
0x38: {  	s0 =	rddreg [dreg:$0x8]  }
0x39: {  	[tilespmem:s0], [sflag:$0x1] =	stream.indirect_vreg.gather [hbm4b:s1+s3], $0x80, v3, vm0, $0xb8;
	[tilespmem:$0x18080] =	vst v63  }
0x3a: {  	s9 =	rddreg [dreg:$0x9]  }
0x3b: {  	[tilespmem:s9], [sflag:$0x1] =	stream.indirect_vreg.gather [hbm4b:s4+s3], $0x80, v3, vm0, $0xb8;
	[tilespmem:$0x18080] =	vst v63  }
0x3c: {  	s0 =	rddreg [dreg:$0xa]  }
0x3d: {  	[tilespmem:s0], [sflag:$0x1] =	stream.indirect_vreg.gather [hbm4b:s5+s3], $0x80, v3, vm0, $0xb8;
	[tilespmem:$0x18080] =	vst v63  }
0x3e: {  	v3 =	vld [tilespmem:$0x10];
	_ =	sdelay $0x4  }
0x3f: {  	v57 =	vshrl.u32 v3, $0x3  }
0x40: {  	v4 =	vmul.u32 $0x30, v57  }
0x41: {  	v3 =	vand.u32 $0x7, v3  }
0x42: {  	v3 =	vor.u32 v3, v4  }
0x43: {  	v4 =	vperm.xlane v3, v0;
	_ =	sdelay $0x1  }
0x44: {  	v4 =	vadd.s32 v1, v4;
	_ =	sdelay $0x3  }
0x45: {  	s0 =	rddreg [dreg:$0xb];
	v3 =	vperm.xlane v3, v2  }
0x46: {  	[tilespmem:s0], [sflag:$0x1] =	stream.indirect_vreg.gather [hbm4b:s1+s3], $0x80, v4, vm0, $0xb8;
	[tilespmem:$0x18080] =	vst v63  }
0x47: {  	s9 =	rddreg [dreg:$0xc];
	v3 =	vadd.s32 v1, v3  }
0x48: {  	[tilespmem:s9], [sflag:$0x1] =	stream.indirect_vreg.gather [hbm4b:s4+s3], $0x80, v4, vm0, $0xb8;
	[tilespmem:$0x18080] =	vst v63  }
0x49: {  	s0 =	rddreg [dreg:$0xd]  }
0x4a: {  	[tilespmem:s0], [sflag:$0x1] =	stream.indirect_vreg.gather [hbm4b:s5+s3], $0x80, v4, vm0, $0xb8;
	[tilespmem:$0x18080] =	vst v63  }
0x4b: {  	s9 =	rddreg [dreg:$0xe]  }
0x4c: {  	[tilespmem:s9], [sflag:$0x1] =	stream.indirect_vreg.gather [hbm4b:s1+s3], $0x80, v3, vm0, $0xb8;
	[tilespmem:$0x18080] =	vst v63  }
0x4d: {  	s0 =	rddreg [dreg:$0xf]  }
0x4e: {  	[tilespmem:s0], [sflag:$0x1] =	stream.indirect_vreg.gather [hbm4b:s4+s3], $0x80, v3, vm0, $0xb8;
	[tilespmem:$0x18080] =	vst v63  }
0x4f: {  	s9 =	rddreg [dreg:$0x10]  }
0x50: {  	[tilespmem:s9], [sflag:$0x1] =	stream.indirect_vreg.gather [hbm4b:s5+s3], $0x80, v3, vm0, $0xb8;
	[tilespmem:$0x18080] =	vst v63  }
0x51: {  	v3 =	vld [tilespmem:$0x20];
	_ =	sdelay $0x4  }
0x52: {  	v58 =	vshrl.u32 v3, $0x3  }
0x53: {  	v4 =	vmul.u32 $0x30, v58  }
0x54: {  	v3 =	vand.u32 $0x7, v3  }
0x55: {  	v3 =	vor.u32 v3, v4  }
0x56: {  	v4 =	vperm.xlane v3, v0;
	_ =	sdelay $0x1  }
0x57: {  	v4 =	vadd.s32 v1, v4;
	_ =	sdelay $0x3  }
0x58: {  	s0 =	rddreg [dreg:$0x11];
	v3 =	vperm.xlane v3, v2  }
0x59: {  	[tilespmem:s0], [sflag:$0x1] =	stream.indirect_vreg.gather [hbm4b:s1+s3], $0x80, v4, vm0, $0xb8;
	[tilespmem:$0x18080] =	vst v63  }
0x5a: {  	s9 =	rddreg [dreg:$0x12];
	v3 =	vadd.s32 v1, v3  }
0x5b: {  	[tilespmem:s9], [sflag:$0x1] =	stream.indirect_vreg.gather [hbm4b:s4+s3], $0x80, v4, vm0, $0xb8;
	[tilespmem:$0x18080] =	vst v63  }
0x5c: {  	s0 =	rddreg [dreg:$0x13]  }
0x5d: {  	[tilespmem:s0], [sflag:$0x1] =	stream.indirect_vreg.gather [hbm4b:s5+s3], $0x80, v4, vm0, $0xb8;
	[tilespmem:$0x18080] =	vst v63  }
0x5e: {  	s9 =	rddreg [dreg:$0x14]  }
0x5f: {  	[tilespmem:s9], [sflag:$0x1] =	stream.indirect_vreg.gather [hbm4b:s1+s3], $0x80, v3, vm0, $0xb8;
	[tilespmem:$0x18080] =	vst v63  }
0x60: {  	s0 =	rddreg [dreg:$0x15]  }
0x61: {  	[tilespmem:s0], [sflag:$0x1] =	stream.indirect_vreg.gather [hbm4b:s4+s3], $0x80, v3, vm0, $0xb8;
	[tilespmem:$0x18080] =	vst v63  }
0x62: {  	s9 =	rddreg [dreg:$0x16]  }
0x63: {  	[tilespmem:s9], [sflag:$0x1] =	stream.indirect_vreg.gather [hbm4b:s5+s3], $0x80, v3, vm0, $0xb8;
	[tilespmem:$0x18080] =	vst v63  }
0x64: {  	v3 =	vld [tilespmem:$0x30];
	_ =	sdelay $0x4  }
0x65: {  	v59 =	vshrl.u32 v3, $0x3  }
0x66: {  	v4 =	vmul.u32 $0x30, v59  }
0x67: {  	v3 =	vand.u32 $0x7, v3  }
0x68: {  	v3 =	vor.u32 v3, v4  }
0x69: {  	v4 =	vperm.xlane v3, v0;
	_ =	sdelay $0x1  }
0x6a: {  	v4 =	vadd.s32 v1, v4;
	_ =	sdelay $0x3  }
0x6b: {  	s0 =	rddreg [dreg:$0x17];
	v3 =	vperm.xlane v3, v2  }
0x6c: {  	[tilespmem:s0], [sflag:$0x1] =	stream.indirect_vreg.gather [hbm4b:s1+s3], $0x80, v4, vm0, $0xb8;
	[tilespmem:$0x18080] =	vst v63  }
0x6d: {  	s9 =	rddreg [dreg:$0x18];
	v3 =	vadd.s32 v1, v3  }
0x6e: {  	[tilespmem:s9], [sflag:$0x1] =	stream.indirect_vreg.gather [hbm4b:s4+s3], $0x80, v4, vm0, $0xb8;
	[tilespmem:$0x18080] =	vst v63  }
0x6f: {  	s0 =	rddreg [dreg:$0x19]  }
0x70: {  	[tilespmem:s0], [sflag:$0x1] =	stream.indirect_vreg.gather [hbm4b:s5+s3], $0x80, v4, vm0, $0xb8;
	[tilespmem:$0x18080] =	vst v63  }
0x71: {  	s9 =	rddreg [dreg:$0x1a]  }
0x72: {  	[tilespmem:s9], [sflag:$0x1] =	stream.indirect_vreg.gather [hbm4b:s1+s3], $0x80, v3, vm0, $0xb8;
	[tilespmem:$0x18080] =	vst v63  }
0x73: {  	s0 =	rddreg [dreg:$0x1b]  }
0x74: {  	[tilespmem:s0], [sflag:$0x1] =	stream.indirect_vreg.gather [hbm4b:s4+s3], $0x80, v3, vm0, $0xb8;
	[tilespmem:$0x18080] =	vst v63  }
0x75: {  	s9 =	rddreg [dreg:$0x1c]  }
0x76: {  	[tilespmem:s9], [sflag:$0x1] =	stream.indirect_vreg.gather [hbm4b:s5+s3], $0x80, v3, vm0, $0xb8;
	[tilespmem:$0x18080] =	vst v63  }
0x77: {  	v3 =	vld [tilespmem:$0x40];
	_ =	sdelay $0x4  }
0x78: {  	v60 =	vshrl.u32 v3, $0x3  }
0x79: {  	v4 =	vmul.u32 $0x30, v60  }
0x7a: {  	v3 =	vand.u32 $0x7, v3  }
0x7b: {  	v3 =	vor.u32 v3, v4  }
0x7c: {  	v4 =	vperm.xlane v3, v0;
	_ =	sdelay $0x1  }
0x7d: {  	v4 =	vadd.s32 v1, v4;
	_ =	sdelay $0x3  }
0x7e: {  	s0 =	rddreg [dreg:$0x1d];
	v3 =	vperm.xlane v3, v2  }
0x7f: {  	[tilespmem:s0], [sflag:$0x1] =	stream.indirect_vreg.gather [hbm4b:s1+s3], $0x80, v4, vm0, $0xb8;
	[tilespmem:$0x18080] =	vst v63  }
0x80: {  	s9 =	rddreg [dreg:$0x1e];
	v3 =	vadd.s32 v1, v3  }
0x81: {  	[tilespmem:s9], [sflag:$0x1] =	stream.indirect_vreg.gather [hbm4b:s4+s3], $0x80, v4, vm0, $0xb8;
	[tilespmem:$0x18080] =	vst v63  }
0x82: {  	s9 =	simm.s32 $0xD080  }
0x83: {  	[tilespmem:s9], [sflag:$0x1] =	stream.indirect_vreg.gather [hbm4b:s5+s3], $0x80, v4, vm0, $0xb8;
	[tilespmem:$0x18080] =	vst v63  }
0x84: {  	_ = 	snop  }
0x85: {  	[tilespmem:s10], [sflag:$0x1] =	stream.indirect_vreg.gather [hbm4b:s1+s3], $0x80, v3, vm0, $0xb8;
	[tilespmem:$0x18080] =	vst v63  }
0x86: {  	_ = 	snop  }
0x87: {  	[tilespmem:s11], [sflag:$0x1] =	stream.indirect_vreg.gather [hbm4b:s4+s3], $0x80, v3, vm0, $0xb8;
	[tilespmem:$0x18080] =	vst v63  }
0x88: {  	_ = 	snop  }
0x89: {  	[tilespmem:s12], [sflag:$0x1] =	stream.indirect_vreg.gather [hbm4b:s5+s3], $0x80, v3, vm0, $0xb8;
	[tilespmem:$0x18080] =	vst v63  }
0x8a: {  	v3 =	vld [tilespmem:$0x50];
	_ =	sdelay $0x4  }
0x8b: {  	v61 =	vshrl.u32 v3, $0x3  }
0x8c: {  	v4 =	vmul.u32 $0x30, v61  }
0x8d: {  	v3 =	vand.u32 $0x7, v3  }
0x8e: {  	v3 =	vor.u32 v3, v4  }
0x8f: {  	v4 =	vperm.xlane v3, v0;
	_ =	sdelay $0x1  }
0x90: {  	v4 =	vadd.s32 v1, v4;
	_ =	sdelay $0x3  }
0x91: {  	v3 =	vperm.xlane v3, v2  }
0x92: {  	[tilespmem:s13], [sflag:$0x1] =	stream.indirect_vreg.gather [hbm4b:s1+s3], $0x80, v4, vm0, $0xb8;
	[tilespmem:$0x18080] =	vst v63  }
0x93: {  	v3 =	vadd.s32 v1, v3  }
0x94: {  	[tilespmem:s14], [sflag:$0x1] =	stream.indirect_vreg.gather [hbm4b:s4+s3], $0x80, v4, vm0, $0xb8;
	[tilespmem:$0x18080] =	vst v63  }
0x95: {  	_ = 	snop  }
0x96: {  	[tilespmem:s15], [sflag:$0x1] =	stream.indirect_vreg.gather [hbm4b:s5+s3], $0x80, v4, vm0, $0xb8;
	[tilespmem:$0x18080] =	vst v63  }
0x97: {  	_ = 	snop  }
0x98: {  	[tilespmem:s16], [sflag:$0x1] =	stream.indirect_vreg.gather [hbm4b:s1+s3], $0x80, v3, vm0, $0xb8;
	[tilespmem:$0x18080] =	vst v63  }
0x99: {  	_ = 	snop  }
0x9a: {  	[tilespmem:s17], [sflag:$0x1] =	stream.indirect_vreg.gather [hbm4b:s4+s3], $0x80, v3, vm0, $0xb8;
	[tilespmem:$0x18080] =	vst v63  }
0x9b: {  	_ = 	snop  }
0x9c: {  	[tilespmem:s18], [sflag:$0x1] =	stream.indirect_vreg.gather [hbm4b:s5+s3], $0x80, v3, vm0, $0xb8;
	[tilespmem:$0x18080] =	vst v63  }
0x9d: {  	v3 =	vld [tilespmem:$0x60];
	_ =	sdelay $0x4  }
0x9e: {  	v62 =	vshrl.u32 v3, $0x3  }
0x9f: {  	v4 =	vmul.u32 $0x30, v62  }
0xa0: {  	v3 =	vand.u32 $0x7, v3  }
0xa1: {  	v3 =	vor.u32 v3, v4  }
0xa2: {  	v4 =	vperm.xlane v3, v0;
	_ =	sdelay $0x1  }
0xa3: {  	v4 =	vadd.s32 v1, v4;
	_ =	sdelay $0x3  }
0xa4: {  	v3 =	vperm.xlane v3, v2  }
0xa5: {  	[tilespmem:s19], [sflag:$0x1] =	stream.indirect_vreg.gather [hbm4b:s1+s3], $0x80, v4, vm0, $0xb8;
	[tilespmem:$0x18080] =	vst v63  }
0xa6: {  	v3 =	vadd.s32 v1, v3  }
0xa7: {  	[tilespmem:s20], [sflag:$0x1] =	stream.indirect_vreg.gather [hbm4b:s4+s3], $0x80, v4, vm0, $0xb8;
	[tilespmem:$0x18080] =	vst v63  }
0xa8: {  	_ = 	snop  }
0xa9: {  	[tilespmem:s21], [sflag:$0x1] =	stream.indirect_vreg.gather [hbm4b:s5+s3], $0x80, v4, vm0, $0xb8;
	[tilespmem:$0x18080] =	vst v63  }
0xaa: {  	_ = 	snop  }
0xab: {  	[tilespmem:s22], [sflag:$0x1] =	stream.indirect_vreg.gather [hbm4b:s1+s3], $0x80, v3, vm0, $0xb8;
	[tilespmem:$0x18080] =	vst v63  }
0xac: {  	_ = 	snop  }
0xad: {  	[tilespmem:s23], [sflag:$0x1] =	stream.indirect_vreg.gather [hbm4b:s4+s3], $0x80, v3, vm0, $0xb8;
	[tilespmem:$0x18080] =	vst v63  }
0xae: {  	_ = 	snop  }
0xaf: {  	[tilespmem:s24], [sflag:$0x1] =	stream.indirect_vreg.gather [hbm4b:s5+s3], $0x80, v3, vm0, $0xb8;
	[tilespmem:$0x18080] =	vst v63  }
0xb0: {  	v3 =	vld [tilespmem:$0x70];
	_ =	sdelay $0x4  }
0xb1: {  	v63 =	vshrl.u32 v3, $0x3  }
0xb2: {  	v4 =	vmul.u32 $0x30, v63  }
0xb3: {  	v3 =	vand.u32 $0x7, v3  }
0xb4: {  	v3 =	vor.u32 v3, v4  }
0xb5: {  	v4 =	vperm.xlane v3, v0;
	_ =	sdelay $0x1  }
0xb6: {  	v4 =	vadd.s32 v1, v4;
	_ =	sdelay $0x3  }
0xb7: {  	v3 =	vperm.xlane v3, v2  }
0xb8: {  	[tilespmem:s25], [sflag:$0x1] =	stream.indirect_vreg.gather [hbm4b:s1+s3], $0x80, v4, vm0, $0xb8;
	[tilespmem:$0x18080] =	vst v63  }
0xb9: {  	v3 =	vadd.s32 v1, v3  }
0xba: {  	[tilespmem:s26], [sflag:$0x1] =	stream.indirect_vreg.gather [hbm4b:s4+s3], $0x80, v4, vm0, $0xb8;
	[tilespmem:$0x18080] =	vst v63  }
0xbb: {  	_ = 	snop  }
0xbc: {  	[tilespmem:s28], [sflag:$0x1] =	stream.indirect_vreg.gather [hbm4b:s5+s3], $0x80, v4, vm0, $0xb8;
	[tilespmem:$0x18080] =	vst v63  }
0xbd: {  	_ = 	snop  }
0xbe: {  	[tilespmem:s29], [sflag:$0x1] =	stream.indirect_vreg.gather [hbm4b:s1+s3], $0x80, v3, vm0, $0xb8;
	[tilespmem:$0x18080] =	vst v63  }
0xbf: {  	_ = 	snop  }
0xc0: {  	[tilespmem:s30], [sflag:$0x1] =	stream.indirect_vreg.gather [hbm4b:s4+s3], $0x80, v3, vm0, $0xb8;
	[tilespmem:$0x18080] =	vst v63  }
0xc1: {  	_ = 	snop  }
0xc2: {  	[tilespmem:s31], [sflag:$0x1] =	stream.indirect_vreg.gather [hbm4b:s5+s3], $0x80, v3, vm0, $0xb8;
	[tilespmem:$0x18080] =	vst v63  }
0xc3: {  	_ =	swait.ge [sflag:s2], $0x18000  }
0xc4: {  	p0 =	sne.s32 s6, $0x1;
	[sflag:s2] =	ssyncset.done $0x0  }
.Ltmp0:
0xc5: {  	s9 =	rddreg [dreg:$0x5];
	[sflag:s2] =	ssyncadd.s32 $0xFFFE8000;
	(pc) =	sbr.rel @p0 .LBB2_1-.Ltmp0, $4  }
0xc6: {  	[hbm4b:s9+s3] =	stream.linear.scatter [tilespmem:s8], [sflag:$0x2], $0x18000, $0x38;
	[tilespmem:$0x18080] =	vst v63  }
0xc7: {  	_ =	swait.ge [sflag:s7], $0x18000  }
0xc8: {  	[sflag:s7] =	ssyncset.done $0x0  }
0xc9: {  	s6 =	sadd.s32 $0xFFFFFFFF, s6;
	[sflag:s7] =	ssyncadd.s32 $0xFFFE8000  }
0xca: {  	_ =	sfence.sel $0x180000  }
0xcb: {  	[bflag:$0x0] =	sbarrier.arrive $0xFFFF  }
0xcc: {  	_ =	strace $0x90000047  }
0xcd: {  	s0 =	stileid.u32;
	[bflag:$0x2] =	sbarrier.arrive $0xFFFF  }
0xce: {  	p0 =	sne.s32 s0, $0x0;
	s0 =	rddreg [dreg:$0x3]  }
0xcf: {  	s0 =	sadd.s32 @!p0 $0x100000, s0  }
0xd0: {  	[sflag:s0] =	ssyncadd.tile.s32 @!p0 $0x1;
	_ =	shalt  }
.Lfunc_end2:
_tile_overlayer_lowered:
.L_overlay_start_2:
0xd1: {  	(tag) =	ssettag $0x2  }
0xd2: {  	s0 =	rddreg [dreg:$0x0];
	s2 =	stileid.u32  }
0xd3: {  	s1 =	rddreg [dreg:$0x1];
	p0 =	sne.s32 s2, $0x0  }
0xd4: {  	s3 =	rddreg [dreg:$0x2];
	[bflag:$0x3] =	sbarrier.arrive $0xFFFF;
	s2 =	simm.s32 @!p0 $0x1C02  }
0xd5: {  	[timem:s3], [sflag:s2] =	dma.local @!p0 [hbm:s0], s1  }
0xd6: {  	s0 =	simm.s32 @!p0 $0x2  }
0xd7: {  	_ =	swait.ge @!p0 [sflag:s0], s1  }
0xd8: {  	s1 =	ssub.s32 @!p0 $0x0, s1;
	[sflag:s0] =	ssyncset.done @!p0 $0x0  }
0xd9: {  	[sflag:s0] =	ssyncadd.s32 @!p0 s1  }
0xda: {  	[bflag:$0x3] =	sbarrier.arrive $0xFFFF  }
0xdb: {  	_ =	shalt  }

</sc_bundles>
